<compile_context>
chip_gen: v7x
topology: tpu7x:2x2x1
jax: 0.10.2.dev20260603
libtpu: 0.0.44.dev20260713+nightly
codegen_flags: <defaults>
</compile_context>

<pallas_src>
import functools

import jax
import jax.numpy as jnp
from jax import lax
from jax.experimental import pallas as pl
from jax.experimental.pallas import tpu as pltpu
from jax.experimental.pallas import tpu_sc as plsc

N_NODES = 10000
N_PAD = 10240
D = 128
N_EDGES = 320000

NC = 2
NS = 16
NW = NC * NS
E_PER_W = N_EDGES // NW
CHUNK = 80
N_CHUNKS = E_PER_W // CHUNK
ROWS_PER_TILE = N_PAD // NS


def _zero_vmem_2d(ref, rows, cols):
    def row_body(r, _):
        for j in range(cols // 16):
            ref[r, pl.ds(j * 16, 16)] = jnp.zeros((16,), jnp.float32)
        return 0

    lax.fori_loop(0, rows, row_body, 0)


def _zero_vmem_1d(ref, n):
    def body(k, _):
        ref[pl.ds(k * 16, 16)] = jnp.zeros((16,), jnp.float32)
        return 0

    lax.fori_loop(0, n // 16, body, 0)


def _make_seg_sum(compute_deg: bool):
    mesh = plsc.VectorSubcoreMesh(core_axis_name="c", subcore_axis_name="s")

    out_type = [jax.ShapeDtypeStruct((N_PAD, D), jnp.float32) for _ in range(NC)]
    if compute_deg:
        out_type += [jax.ShapeDtypeStruct((N_PAD,), jnp.float32) for _ in range(NC)]

    scratch = [
        pltpu.VMEM((E_PER_W,), jnp.int32),
        pltpu.VMEM((CHUNK,), jnp.int32),
        pltpu.VMEM((CHUNK,), jnp.int32),
        pltpu.VMEM((CHUNK,), jnp.int32),
        pltpu.VMEM((CHUNK,), jnp.int32),
        pltpu.VMEM((CHUNK, D), jnp.float32),
        pltpu.VMEM((CHUNK, D), jnp.float32),
        pltpu.VMEM((CHUNK,), jnp.float32),
        pltpu.VMEM((256,), jnp.float32),
        pltpu.VMEM_SHARED((N_PAD, D), jnp.float32),
        pltpu.VMEM_SHARED((N_PAD,), jnp.float32),
        pltpu.SemaphoreType.DMA,
        pltpu.SemaphoreType.DMA,
        pltpu.SemaphoreType.DMA,
        pltpu.SemaphoreType.DMA,
    ]

    def body(x_hbm, pk_hbm, *rest):
        p_hbm = rest[:NC]
        d_hbm = rest[NC:2 * NC] if compute_deg else None
        scr = rest[2 * NC:] if compute_deg else rest[NC:]
        (pk, sx_a, sx_b, dx_a, dx_b, rows_a, rows_b, ones_v, zdeg, acc_sh,
         deg_sh, gsem_a, gsem_b, ssem_a, ssem_b) = scr
        sx = (sx_a, sx_b)
        dx = (dx_a, dx_b)
        rows = (rows_a, rows_b)
        gsem = (gsem_a, gsem_b)
        ssem = (ssem_a, ssem_b)

        cid = lax.axis_index("c")
        sid = lax.axis_index("s")
        w = cid * NS + sid
        row0 = sid * ROWS_PER_TILE

        pltpu.async_copy(pk_hbm.at[pl.ds(w * E_PER_W, E_PER_W)], pk, gsem_b)

        _zero_vmem_2d(rows_a, CHUNK, D)
        for k in range(ROWS_PER_TILE // CHUNK):
            pltpu.async_copy(
                rows_a, acc_sh.at[pl.ds(row0 + k * CHUNK, CHUNK)], ssem_a)
        if compute_deg:
            _zero_vmem_1d(zdeg, 256)
            for j in range(CHUNK // 16):
                ones_v[pl.ds(j * 16, 16)] = jnp.ones((16,), jnp.float32)

            @pl.when(sid < N_PAD // 1024)
            def _():
                for j in range(4):
                    pltpu.async_copy(
                        zdeg, deg_sh.at[pl.ds(sid * 1024 + j * 256, 256)],
                        ssem_b)
        for k in range(ROWS_PER_TILE // CHUNK):
            pltpu.make_async_copy(
                rows_a, acc_sh.at[pl.ds(row0 + k * CHUNK, CHUNK)],
                ssem_a).wait()
        if compute_deg:
            @pl.when(sid < N_PAD // 1024)
            def _():
                for j in range(4):
                    pltpu.make_async_copy(
                        zdeg, deg_sh.at[pl.ds(sid * 1024 + j * 256, 256)],
                        ssem_b).wait()

        pltpu.make_async_copy(
            pk_hbm.at[pl.ds(w * E_PER_W, E_PER_W)], pk, gsem_b).wait()
        plsc.subcore_barrier()

        def unpack(i, b):
            for j in range(CHUNK // 16):
                v = pk[pl.ds(i * CHUNK + j * 16, 16)]
                sx[b][pl.ds(j * 16, 16)] = v & 0xFFFF
                dx[b][pl.ds(j * 16, 16)] = v >> 16

        def gath(b):
            pltpu.async_copy(x_hbm.at[sx[b]], rows[b], gsem[b])

        def gwait(b):
            pltpu.make_async_copy(x_hbm.at[sx[b]], rows[b], gsem[b]).wait()

        def scat(b):
            pltpu.async_copy(rows[b], acc_sh.at[dx[b]], ssem[b], add=True)
            if compute_deg:
                pltpu.async_copy(ones_v, deg_sh.at[dx[b]], ssem[b], add=True)

        def swait(b):
            pltpu.make_async_copy(rows[b], acc_sh.at[dx[b]], ssem[b]).wait()
            if compute_deg:
                pltpu.make_async_copy(ones_v, deg_sh.at[dx[b]], ssem[b]).wait()

        unpack(0, 0)
        gath(0)
        gwait(0)
        scat(0)
        unpack(1, 1)
        gath(1)

        @pl.loop(0, (N_CHUNKS - 3) // 2)
        def _(k):
            i1 = 2 * k + 1
            swait(0)
            unpack(i1 + 1, 0)
            gath(0)
            gwait(1)
            scat(1)
            swait(1)
            unpack(i1 + 2, 1)
            gath(1)
            gwait(0)
            scat(0)

        swait(0)
        unpack(N_CHUNKS - 1, 0)
        gath(0)
        gwait(1)
        scat(1)
        swait(1)
        gwait(0)
        scat(0)
        swait(0)

        plsc.subcore_barrier()

        for c in range(NC):
            @pl.when(cid == c)
            def _(c=c):
                pltpu.sync_copy(acc_sh.at[pl.ds(row0, ROWS_PER_TILE)],
                                p_hbm[c].at[pl.ds(row0, ROWS_PER_TILE)])
                if compute_deg:
                    @pl.when(sid < N_PAD // 1024)
                    def _():
                        pltpu.sync_copy(deg_sh.at[pl.ds(sid * 1024, 1024)],
                                        d_hbm[c].at[pl.ds(sid * 1024, 1024)])

    return pl.kernel(body, out_type=out_type, mesh=mesh, scratch_types=scratch)


_seg_sum_deg = _make_seg_sum(compute_deg=True)
_seg_sum = _make_seg_sum(compute_deg=False)


def _pack_body(e_ref, o_ref):
    o_ref[...] = e_ref[0] | (e_ref[1] << 16)


def _pack_edges(edge_index):
    e = edge_index.astype(jnp.int32)
    return pl.pallas_call(
        _pack_body,
        out_shape=jax.ShapeDtypeStruct((N_EDGES,), jnp.int32),
    )(e)


def _tc_pre_body(x_ref, wr_ref, b_ref, o_ref):
    o_ref[...] = (jnp.dot(x_ref[...], wr_ref[...],
                          preferred_element_type=jnp.float32) + b_ref[...])


def _tc_pre(x, wr, b):
    R = 2000
    return pl.pallas_call(
        _tc_pre_body,
        grid=(N_NODES // R,),
        in_specs=[
            pl.BlockSpec((R, D), lambda i: (i, 0)),
            pl.BlockSpec((D, D), lambda i: (0, 0)),
            pl.BlockSpec((1, D), lambda i: (0, 0)),
        ],
        out_specs=pl.BlockSpec((R, D), lambda i: (i, 0)),
        out_shape=jax.ShapeDtypeStruct((N_NODES, D), jnp.float32),
    )(x, wr, b)


def _tc_post_body(relu, p0_ref, p1_ref, d0_ref, d1_ref, xr_ref, wl_ref,
                  o_ref):
    s = p0_ref[...] + p1_ref[...]
    deg = jnp.maximum(d0_ref[...] + d1_ref[...], 1.0)
    mean = s / deg
    acc = (jnp.dot(mean, wl_ref[...], preferred_element_type=jnp.float32)
           + xr_ref[...])
    o_ref[...] = jnp.maximum(acc, 0.0) if relu else acc


def _tc_post(p0, p1, d0, d1, xr, wl, relu):
    R = 2000
    return pl.pallas_call(
        functools.partial(_tc_post_body, relu),
        grid=(N_NODES // R,),
        in_specs=[
            pl.BlockSpec((R, D), lambda i: (i, 0)),
            pl.BlockSpec((R, D), lambda i: (i, 0)),
            pl.BlockSpec((R, 1), lambda i: (i, 0)),
            pl.BlockSpec((R, 1), lambda i: (i, 0)),
            pl.BlockSpec((R, D), lambda i: (i, 0)),
            pl.BlockSpec((D, D), lambda i: (0, 0)),
        ],
        out_specs=pl.BlockSpec((R, D), lambda i: (i, 0)),
        out_shape=jax.ShapeDtypeStruct((N_NODES, D), jnp.float32),
    )(p0, p1, d0, d1, xr, wl)


def kernel(x, edge_index, Wl1, Wr1, b1, Wl2, Wr2, b2):
    pk = _pack_edges(edge_index)
    xr1 = _tc_pre(x, Wr1, b1.reshape(1, D))
    p0, p1, dg0, dg1 = _seg_sum_deg(x, pk)
    d0 = dg0.reshape(N_PAD, 1)
    d1 = dg1.reshape(N_PAD, 1)
    h = _tc_post(p0, p1, d0, d1, xr1, Wl1, relu=True)
    xr2 = _tc_pre(h, Wr2, b2.reshape(1, D))
    q0, q1 = _seg_sum(h, pk)
    out = _tc_post(q0, q1, d0, d1, xr2, Wl2, relu=False)
    return out

# --- scband reference (transcript-rebuilt; emitter-appended) ---
"""Pipeline reference for scband-sageencoder-28467043238276 (READ-ONLY COPY).

The authoritative reference and input builder live on the scoring server;
editing this copy changes nothing except your own understanding.
"""

import jax, jax.numpy as jnp
import numpy as np

N_NODES = 10000
D_IN = 128
D_HID = 128
D_OUT = 128
N_EDGES = 320000

def setup_inputs(seed: int = 0) -> dict:
    key = jax.random.key(seed)
    k = jax.random.split(key, 10)
    x = jax.random.normal(k[0], (N_NODES, D_IN), dtype=jnp.float32)
    edge_index = jax.random.randint(k[1], (2, N_EDGES), 0, N_NODES, dtype=jnp.int64)
    s1 = 1.0 / np.sqrt(D_IN)
    s2 = 1.0 / np.sqrt(D_HID)
    Wl1 = jax.random.uniform(k[2], (D_IN, D_HID), jnp.float32, -s1, s1)
    Wr1 = jax.random.uniform(k[3], (D_IN, D_HID), jnp.float32, -s1, s1)
    b1 = jax.random.uniform(k[4], (D_HID,), jnp.float32, -s1, s1)
    Wl2 = jax.random.uniform(k[5], (D_HID, D_OUT), jnp.float32, -s2, s2)
    Wr2 = jax.random.uniform(k[6], (D_HID, D_OUT), jnp.float32, -s2, s2)
    b2 = jax.random.uniform(k[7], (D_OUT,), jnp.float32, -s2, s2)
    return {"x": x, "edge_index": edge_index, "Wl1": Wl1, "Wr1": Wr1, "b1": b1,
            "Wl2": Wl2, "Wr2": Wr2, "b2": b2}

def _sage_conv(x, src, dst, Wl, Wr, b, num_nodes):
    # message: x[src] gathered per edge; mean-aggregated at dst
    msg = jnp.take(x, src, axis=0)
    summed = jax.ops.segment_sum(msg, dst, num_segments=num_nodes)
    deg = jax.ops.segment_sum(jnp.ones((src.shape[0],), dtype=x.dtype), dst, num_segments=num_nodes)
    mean_aggr = summed / jnp.maximum(deg, 1.0)[:, None]
    # PyG SAGEConv: lin_l(aggr) + lin_r(x) + bias
    return mean_aggr @ Wl + x @ Wr + b

def reference(x, edge_index, Wl1, Wr1, b1, Wl2, Wr2, b2):
    src = edge_index[0]
    dst = edge_index[1]
    n = x.shape[0]
    h = _sage_conv(x, src, dst, Wl1, Wr1, b1, n)
    h = jax.nn.relu(h)
    # dropout is identity in eval mode (training=False)
    out = _sage_conv(h, src, dst, Wl2, Wr2, b2, n)
    return out

if __name__ == "__main__":
    import jax
    _d = setup_inputs()
    print(jax.jit(kernel)(*tuple(_d.values())))

</pallas_src>

<mosaic_0001>
#map = affine_map<(d0, d1) -> (0, 0)>
#map1 = affine_map<(d0, d1) -> (0)>
module attributes {stable_mosaic.version = 14 : i64} {
  func.func @body(%arg0: i32, %arg1: i32, %arg2: memref<10000x128xf32, #tpu.memory_space<hbm>>, %arg3: memref<320000xi32, #tpu.memory_space<hbm>>, %arg4: memref<10240x128xf32, #tpu.memory_space<hbm>>, %arg5: memref<10240x128xf32, #tpu.memory_space<hbm>>, %arg6: memref<10240xf32, #tpu.memory_space<hbm>>, %arg7: memref<10240xf32, #tpu.memory_space<hbm>>, %arg8: memref<10000xi32, #tpu.memory_space<vmem>>, %arg9: memref<80xi32, #tpu.memory_space<vmem>>, %arg10: memref<80xi32, #tpu.memory_space<vmem>>, %arg11: memref<80xi32, #tpu.memory_space<vmem>>, %arg12: memref<80xi32, #tpu.memory_space<vmem>>, %arg13: memref<80x128xf32, #tpu.memory_space<vmem>>, %arg14: memref<80x128xf32, #tpu.memory_space<vmem>>, %arg15: memref<80xf32, #tpu.memory_space<vmem>>, %arg16: memref<256xf32, #tpu.memory_space<vmem>>, %arg17: memref<10240x128xf32, #tpu.memory_space<vmem_shared>>, %arg18: memref<10240xf32, #tpu.memory_space<vmem_shared>>, %arg19: memref<!tpu.dma_semaphore, #tpu.memory_space<semaphore_mem>>, %arg20: memref<!tpu.dma_semaphore, #tpu.memory_space<semaphore_mem>>, %arg21: memref<!tpu.dma_semaphore, #tpu.memory_space<semaphore_mem>>, %arg22: memref<!tpu.dma_semaphore, #tpu.memory_space<semaphore_mem>>) attributes {dimension_semantics = [#tpu.dimension_semantics<core_parallel>, #tpu.dimension_semantics<subcore_parallel>], iteration_bounds = array<i64: 2, 16>, scalar_prefetch = 0 : i64, scratch_operands = 15 : i64, tpu.core_type = #tpu.core_type<sc_vector_subcore>, window_params = [{transform_indices = #map}, {transform_indices = #map1}, {transform_indices = #map}, {transform_indices = #map}, {transform_indices = #map1}, {transform_indices = #map1}]} {
    %mul3A = arith.constant 16 : i32
    %mul3A_0 = arith.muli %arg0, %mul3A : i32
    %add3A = arith.addi %mul3A_0, %arg1 : i32
    %mul3A_1 = arith.constant 640 : i32
    %mul3A_2 = arith.muli %arg1, %mul3A_1 : i32
    %mul3A_3 = arith.constant 10000 : i32
    %mul3A_4 = arith.muli %add3A, %mul3A_3 : i32
    %dma_start3A = tpu.memref_slice %arg3[%mul3A_4] : memref<320000xi32, #tpu.memory_space<hbm>> -> memref<10000xi32, #tpu.memory_space<hbm>>
    %dma_start3A_5 = tpu.memref_slice %arg3[%mul3A_4] : memref<320000xi32, #tpu.memory_space<hbm>> -> memref<10000xi32, #tpu.memory_space<hbm>>
    tpu.enqueue_dma source(%dma_start3A_5 : memref<10000xi32, #tpu.memory_space<hbm>>) target(%arg8 : memref<10000xi32, #tpu.memory_space<vmem>>) target_semaphore(%arg20 : memref<!tpu.dma_semaphore, #tpu.memory_space<semaphore_mem>>)
    %scan3A = arith.constant 0 : i32
    %scan3A_6 = arith.constant 0 : i32
    %scan3A_7 = arith.constant 80 : i32
    %scan3A_8 = arith.addi %scan3A_6, %scan3A_7 : i32
    %scan3A_9 = arith.constant 1 : i32
    %scan3A_10 = scf.for %scan3A_468 = %scan3A_6 to %scan3A_8 step %scan3A_9 iter_args(%scan3A_469 = %scan3A) -> (i32)  : i32 {
      %broadcast_in_dim3A_470 = arith.constant 0.000000e+00 : f32
      %broadcast_in_dim3A_471 = vector.broadcast %broadcast_in_dim3A_470 : f32 to vector<16xf32>
      %swap3A_472 = arith.index_cast %scan3A_468 : i32 to index
      %swap3A_473 = arith.constant 0 : index
      %swap3A_474 = tpu.vector_load %arg13[%swap3A_472, %swap3A_473] {strides = array<i32>} : memref<80x128xf32, #tpu.memory_space<vmem>>, vector<1x16xf32>,
      %swap3A_475 = vector.shape_cast %swap3A_474 : vector<1x16xf32> to vector<16xf32>
      %swap3A_476 = vector.shape_cast %broadcast_in_dim3A_471 : vector<16xf32> to vector<1x16xf32>
      tpu.vector_store %arg13[%swap3A_472, %swap3A_473], %swap3A_476 {strides = array<i32>} : memref<80x128xf32, #tpu.memory_space<vmem>>, vector<1x16xf32>,
      %broadcast_in_dim3A_477 = arith.constant 0.000000e+00 : f32
      %broadcast_in_dim3A_478 = vector.broadcast %broadcast_in_dim3A_477 : f32 to vector<16xf32>
      %swap3A_479 = arith.index_cast %scan3A_468 : i32 to index
      %swap3A_480 = arith.constant 16 : index
      %swap3A_481 = tpu.vector_load %arg13[%swap3A_479, %swap3A_480] {strides = array<i32>} : memref<80x128xf32, #tpu.memory_space<vmem>>, vector<1x16xf32>,
      %swap3A_482 = vector.shape_cast %swap3A_481 : vector<1x16xf32> to vector<16xf32>
      %swap3A_483 = vector.shape_cast %broadcast_in_dim3A_478 : vector<16xf32> to vector<1x16xf32>
      tpu.vector_store %arg13[%swap3A_479, %swap3A_480], %swap3A_483 {strides = array<i32>} : memref<80x128xf32, #tpu.memory_space<vmem>>, vector<1x16xf32>,
      %broadcast_in_dim3A_484 = arith.constant 0.000000e+00 : f32
      %broadcast_in_dim3A_485 = vector.broadcast %broadcast_in_dim3A_484 : f32 to vector<16xf32>
      %swap3A_486 = arith.index_cast %scan3A_468 : i32 to index
      %swap3A_487 = arith.constant 32 : index
      %swap3A_488 = tpu.vector_load %arg13[%swap3A_486, %swap3A_487] {strides = array<i32>} : memref<80x128xf32, #tpu.memory_space<vmem>>, vector<1x16xf32>,
      %swap3A_489 = vector.shape_cast %swap3A_488 : vector<1x16xf32> to vector<16xf32>
      %swap3A_490 = vector.shape_cast %broadcast_in_dim3A_485 : vector<16xf32> to vector<1x16xf32>
      tpu.vector_store %arg13[%swap3A_486, %swap3A_487], %swap3A_490 {strides = array<i32>} : memref<80x128xf32, #tpu.memory_space<vmem>>, vector<1x16xf32>,
      %broadcast_in_dim3A_491 = arith.constant 0.000000e+00 : f32
      %broadcast_in_dim3A_492 = vector.broadcast %broadcast_in_dim3A_491 : f32 to vector<16xf32>
      %swap3A_493 = arith.index_cast %scan3A_468 : i32 to index
      %swap3A_494 = arith.constant 48 : index
      %swap3A_495 = tpu.vector_load %arg13[%swap3A_493, %swap3A_494] {strides = array<i32>} : memref<80x128xf32, #tpu.memory_space<vmem>>, vector<1x16xf32>,
      %swap3A_496 = vector.shape_cast %swap3A_495 : vector<1x16xf32> to vector<16xf32>
      %swap3A_497 = vector.shape_cast %broadcast_in_dim3A_492 : vector<16xf32> to vector<1x16xf32>
      tpu.vector_store %arg13[%swap3A_493, %swap3A_494], %swap3A_497 {strides = array<i32>} : memref<80x128xf32, #tpu.memory_space<vmem>>, vector<1x16xf32>,
      %broadcast_in_dim3A_498 = arith.constant 0.000000e+00 : f32
      %broadcast_in_dim3A_499 = vector.broadcast %broadcast_in_dim3A_498 : f32 to vector<16xf32>
      %swap3A_500 = arith.index_cast %scan3A_468 : i32 to index
      %swap3A_501 = arith.constant 64 : index
      %swap3A_502 = tpu.vector_load %arg13[%swap3A_500, %swap3A_501] {strides = array<i32>} : memref<80x128xf32, #tpu.memory_space<vmem>>, vector<1x16xf32>,
      %swap3A_503 = vector.shape_cast %swap3A_502 : vector<1x16xf32> to vector<16xf32>
      %swap3A_504 = vector.shape_cast %broadcast_in_dim3A_499 : vector<16xf32> to vector<1x16xf32>
      tpu.vector_store %arg13[%swap3A_500, %swap3A_501], %swap3A_504 {strides = array<i32>} : memref<80x128xf32, #tpu.memory_space<vmem>>, vector<1x16xf32>,
      %broadcast_in_dim3A_505 = arith.constant 0.000000e+00 : f32
      %broadcast_in_dim3A_506 = vector.broadcast %broadcast_in_dim3A_505 : f32 to vector<16xf32>
      %swap3A_507 = arith.index_cast %scan3A_468 : i32 to index
      %swap3A_508 = arith.constant 80 : index
      %swap3A_509 = tpu.vector_load %arg13[%swap3A_507, %swap3A_508] {strides = array<i32>} : memref<80x128xf32, #tpu.memory_space<vmem>>, vector<1x16xf32>,
      %swap3A_510 = vector.shape_cast %swap3A_509 : vector<1x16xf32> to vector<16xf32>
      %swap3A_511 = vector.shape_cast %broadcast_in_dim3A_506 : vector<16xf32> to vector<1x16xf32>
      tpu.vector_store %arg13[%swap3A_507, %swap3A_508], %swap3A_511 {strides = array<i32>} : memref<80x128xf32, #tpu.memory_space<vmem>>, vector<1x16xf32>,
      %broadcast_in_dim3A_512 = arith.constant 0.000000e+00 : f32
      %broadcast_in_dim3A_513 = vector.broadcast %broadcast_in_dim3A_512 : f32 to vector<16xf32>
      %swap3A_514 = arith.index_cast %scan3A_468 : i32 to index
      %swap3A_515 = arith.constant 96 : index
      %swap3A_516 = tpu.vector_load %arg13[%swap3A_514, %swap3A_515] {strides = array<i32>} : memref<80x128xf32, #tpu.memory_space<vmem>>, vector<1x16xf32>,
      %swap3A_517 = vector.shape_cast %swap3A_516 : vector<1x16xf32> to vector<16xf32>
      %swap3A_518 = vector.shape_cast %broadcast_in_dim3A_513 : vector<16xf32> to vector<1x16xf32>
      tpu.vector_store %arg13[%swap3A_514, %swap3A_515], %swap3A_518 {strides = array<i32>} : memref<80x128xf32, #tpu.memory_space<vmem>>, vector<1x16xf32>,
      %broadcast_in_dim3A_519 = arith.constant 0.000000e+00 : f32
      %broadcast_in_dim3A_520 = vector.broadcast %broadcast_in_dim3A_519 : f32 to vector<16xf32>
      %swap3A_521 = arith.index_cast %scan3A_468 : i32 to index
      %swap3A_522 = arith.constant 112 : index
      %swap3A_523 = tpu.vector_load %arg13[%swap3A_521, %swap3A_522] {strides = array<i32>} : memref<80x128xf32, #tpu.memory_space<vmem>>, vector<1x16xf32>,
      %swap3A_524 = vector.shape_cast %swap3A_523 : vector<1x16xf32> to vector<16xf32>
      %swap3A_525 = vector.shape_cast %broadcast_in_dim3A_520 : vector<16xf32> to vector<1x16xf32>
      tpu.vector_store %arg13[%swap3A_521, %swap3A_522], %swap3A_525 {strides = array<i32>} : memref<80x128xf32, #tpu.memory_space<vmem>>, vector<1x16xf32>,
      %scan3A_526 = arith.constant 0 : i32
      scf.yield %scan3A_526 : i32
    }
    %scan3A_11 = arith.constant 80 : i32
    %add3A_12 = arith.constant 0 : i32
    %add3A_13 = arith.addi %mul3A_2, %add3A_12 : i32
    %dma_start3A_14 = arith.constant 0 : i32
    %dma_start3A_15 = tpu.memref_slice %arg17[%add3A_13, %dma_start3A_14] : memref<10240x128xf32, #tpu.memory_space<vmem_shared>> -> memref<80x128xf32, #tpu.memory_space<vmem_shared>>
    %dma_start3A_16 = arith.constant 0 : i32
    %dma_start3A_17 = tpu.memref_slice %arg17[%add3A_13, %dma_start3A_16] : memref<10240x128xf32, #tpu.memory_space<vmem_shared>> -> memref<80x128xf32, #tpu.memory_space<vmem_shared>>
    tpu.enqueue_dma source(%arg13 : memref<80x128xf32, #tpu.memory_space<vmem>>) target(%dma_start3A_17 : memref<80x128xf32, #tpu.memory_space<vmem_shared>>) target_semaphore(%arg21 : memref<!tpu.dma_semaphore, #tpu.memory_space<semaphore_mem>>)
    %add3A_18 = arith.constant 80 : i32
    %add3A_19 = arith.addi %mul3A_2, %add3A_18 : i32
    %dma_start3A_20 = arith.constant 0 : i32
    %dma_start3A_21 = tpu.memref_slice %arg17[%add3A_19, %dma_start3A_20] : memref<10240x128xf32, #tpu.memory_space<vmem_shared>> -> memref<80x128xf32, #tpu.memory_space<vmem_shared>>
    %dma_start3A_22 = arith.constant 0 : i32
    %dma_start3A_23 = tpu.memref_slice %arg17[%add3A_19, %dma_start3A_22] : memref<10240x128xf32, #tpu.memory_space<vmem_shared>> -> memref<80x128xf32, #tpu.memory_space<vmem_shared>>
    tpu.enqueue_dma source(%arg13 : memref<80x128xf32, #tpu.memory_space<vmem>>) target(%dma_start3A_23 : memref<80x128xf32, #tpu.memory_space<vmem_shared>>) target_semaphore(%arg21 : memref<!tpu.dma_semaphore, #tpu.memory_space<semaphore_mem>>)
    %add3A_24 = arith.constant 160 : i32
    %add3A_25 = arith.addi %mul3A_2, %add3A_24 : i32
    %dma_start3A_26 = arith.constant 0 : i32
    %dma_start3A_27 = tpu.memref_slice %arg17[%add3A_25, %dma_start3A_26] : memref<10240x128xf32, #tpu.memory_space<vmem_shared>> -> memref<80x128xf32, #tpu.memory_space<vmem_shared>>
    %dma_start3A_28 = arith.constant 0 : i32
    %dma_start3A_29 = tpu.memref_slice %arg17[%add3A_25, %dma_start3A_28] : memref<10240x128xf32, #tpu.memory_space<vmem_shared>> -> memref<80x128xf32, #tpu.memory_space<vmem_shared>>
    tpu.enqueue_dma source(%arg13 : memref<80x128xf32, #tpu.memory_space<vmem>>) target(%dma_start3A_29 : memref<80x128xf32, #tpu.memory_space<vmem_shared>>) target_semaphore(%arg21 : memref<!tpu.dma_semaphore, #tpu.memory_space<semaphore_mem>>)
    %add3A_30 = arith.constant 240 : i32
    %add3A_31 = arith.addi %mul3A_2, %add3A_30 : i32
    %dma_start3A_32 = arith.constant 0 : i32
    %dma_start3A_33 = tpu.memref_slice %arg17[%add3A_31, %dma_start3A_32] : memref<10240x128xf32, #tpu.memory_space<vmem_shared>> -> memref<80x128xf32, #tpu.memory_space<vmem_shared>>
    %dma_start3A_34 = arith.constant 0 : i32
    %dma_start3A_35 = tpu.memref_slice %arg17[%add3A_31, %dma_start3A_34] : memref<10240x128xf32, #tpu.memory_space<vmem_shared>> -> memref<80x128xf32, #tpu.memory_space<vmem_shared>>
    tpu.enqueue_dma source(%arg13 : memref<80x128xf32, #tpu.memory_space<vmem>>) target(%dma_start3A_35 : memref<80x128xf32, #tpu.memory_space<vmem_shared>>) target_semaphore(%arg21 : memref<!tpu.dma_semaphore, #tpu.memory_space<semaphore_mem>>)
    %add3A_36 = arith.constant 320 : i32
    %add3A_37 = arith.addi %mul3A_2, %add3A_36 : i32
    %dma_start3A_38 = arith.constant 0 : i32
    %dma_start3A_39 = tpu.memref_slice %arg17[%add3A_37, %dma_start3A_38] : memref<10240x128xf32, #tpu.memory_space<vmem_shared>> -> memref<80x128xf32, #tpu.memory_space<vmem_shared>>
    %dma_start3A_40 = arith.constant 0 : i32
    %dma_start3A_41 = tpu.memref_slice %arg17[%add3A_37, %dma_start3A_40] : memref<10240x128xf32, #tpu.memory_space<vmem_shared>> -> memref<80x128xf32, #tpu.memory_space<vmem_shared>>
    tpu.enqueue_dma source(%arg13 : memref<80x128xf32, #tpu.memory_space<vmem>>) target(%dma_start3A_41 : memref<80x128xf32, #tpu.memory_space<vmem_shared>>) target_semaphore(%arg21 : memref<!tpu.dma_semaphore, #tpu.memory_space<semaphore_mem>>)
    %add3A_42 = arith.constant 400 : i32
    %add3A_43 = arith.addi %mul3A_2, %add3A_42 : i32
    %dma_start3A_44 = arith.constant 0 : i32
    %dma_start3A_45 = tpu.memref_slice %arg17[%add3A_43, %dma_start3A_44] : memref<10240x128xf32, #tpu.memory_space<vmem_shared>> -> memref<80x128xf32, #tpu.memory_space<vmem_shared>>
    %dma_start3A_46 = arith.constant 0 : i32
    %dma_start3A_47 = tpu.memref_slice %arg17[%add3A_43, %dma_start3A_46] : memref<10240x128xf32, #tpu.memory_space<vmem_shared>> -> memref<80x128xf32, #tpu.memory_space<vmem_shared>>
    tpu.enqueue_dma source(%arg13 : memref<80x128xf32, #tpu.memory_space<vmem>>) target(%dma_start3A_47 : memref<80x128xf32, #tpu.memory_space<vmem_shared>>) target_semaphore(%arg21 : memref<!tpu.dma_semaphore, #tpu.memory_space<semaphore_mem>>)
    %add3A_48 = arith.constant 480 : i32
    %add3A_49 = arith.addi %mul3A_2, %add3A_48 : i32
    %dma_start3A_50 = arith.constant 0 : i32
    %dma_start3A_51 = tpu.memref_slice %arg17[%add3A_49, %dma_start3A_50] : memref<10240x128xf32, #tpu.memory_space<vmem_shared>> -> memref<80x128xf32, #tpu.memory_space<vmem_shared>>
    %dma_start3A_52 = arith.constant 0 : i32
    %dma_start3A_53 = tpu.memref_slice %arg17[%add3A_49, %dma_start3A_52] : memref<10240x128xf32, #tpu.memory_space<vmem_shared>> -> memref<80x128xf32, #tpu.memory_space<vmem_shared>>
    tpu.enqueue_dma source(%arg13 : memref<80x128xf32, #tpu.memory_space<vmem>>) target(%dma_start3A_53 : memref<80x128xf32, #tpu.memory_space<vmem_shared>>) target_semaphore(%arg21 : memref<!tpu.dma_semaphore, #tpu.memory_space<semaphore_mem>>)
    %add3A_54 = arith.constant 560 : i32
    %add3A_55 = arith.addi %mul3A_2, %add3A_54 : i32
    %dma_start3A_56 = arith.constant 0 : i32
    %dma_start3A_57 = tpu.memref_slice %arg17[%add3A_55, %dma_start3A_56] : memref<10240x128xf32, #tpu.memory_space<vmem_shared>> -> memref<80x128xf32, #tpu.memory_space<vmem_shared>>
    %dma_start3A_58 = arith.constant 0 : i32
    %dma_start3A_59 = tpu.memref_slice %arg17[%add3A_55, %dma_start3A_58] : memref<10240x128xf32, #tpu.memory_space<vmem_shared>> -> memref<80x128xf32, #tpu.memory_space<vmem_shared>>
    tpu.enqueue_dma source(%arg13 : memref<80x128xf32, #tpu.memory_space<vmem>>) target(%dma_start3A_59 : memref<80x128xf32, #tpu.memory_space<vmem_shared>>) target_semaphore(%arg21 : memref<!tpu.dma_semaphore, #tpu.memory_space<semaphore_mem>>)
    %scan3A_60 = arith.constant 0 : i32
    %scan3A_61 = arith.constant 0 : i32
    %scan3A_62 = arith.constant 16 : i32
    %scan3A_63 = arith.addi %scan3A_61, %scan3A_62 : i32
    %scan3A_64 = arith.constant 1 : i32
    %scan3A_65 = scf.for %scan3A_468 = %scan3A_61 to %scan3A_63 step %scan3A_64 iter_args(%scan3A_469 = %scan3A_60) -> (i32)  : i32 {
      %broadcast_in_dim3A_470 = arith.constant 0.000000e+00 : f32
      %broadcast_in_dim3A_471 = vector.broadcast %broadcast_in_dim3A_470 : f32 to vector<16xf32>
      %mul3A_472 = arith.constant 16 : i32
      %mul3A_473 = arith.muli %scan3A_468, %mul3A_472 : i32
      %swap3A_474 = arith.index_cast %mul3A_473 : i32 to index
      %swap3A_475 = tpu.vector_load %arg16[%swap3A_474] {strides = array<i32>} : memref<256xf32, #tpu.memory_space<vmem>>, vector<16xf32>,
      %swap3A_476 = vector.shape_cast %swap3A_475 : vector<16xf32> to vector<16xf32>
      %swap3A_477 = vector.shape_cast %broadcast_in_dim3A_471 : vector<16xf32> to vector<16xf32>
      tpu.vector_store %arg16[%swap3A_474], %swap3A_477 {strides = array<i32>} : memref<256xf32, #tpu.memory_space<vmem>>, vector<16xf32>,
      %scan3A_478 = arith.constant 0 : i32
      scf.yield %scan3A_478 : i32
    }
    %scan3A_66 = arith.constant 16 : i32
    %broadcast_in_dim3A = arith.constant 1.000000e+00 : f32
    %broadcast_in_dim3A_67 = vector.broadcast %broadcast_in_dim3A : f32 to vector<16xf32>
    %swap3A = arith.constant 0 : index
    %swap3A_68 = tpu.vector_load %arg15[%swap3A] {strides = array<i32>} : memref<80xf32, #tpu.memory_space<vmem>>, vector<16xf32>,
    %swap3A_69 = vector.shape_cast %swap3A_68 : vector<16xf32> to vector<16xf32>
    %swap3A_70 = vector.shape_cast %broadcast_in_dim3A_67 : vector<16xf32> to vector<16xf32>
    tpu.vector_store %arg15[%swap3A], %swap3A_70 {strides = array<i32>} : memref<80xf32, #tpu.memory_space<vmem>>, vector<16xf32>,
    %broadcast_in_dim3A_71 = arith.constant 1.000000e+00 : f32
    %broadcast_in_dim3A_72 = vector.broadcast %broadcast_in_dim3A_71 : f32 to vector<16xf32>
    %swap3A_73 = arith.constant 16 : index
    %swap3A_74 = tpu.vector_load %arg15[%swap3A_73] {strides = array<i32>} : memref<80xf32, #tpu.memory_space<vmem>>, vector<16xf32>,
    %swap3A_75 = vector.shape_cast %swap3A_74 : vector<16xf32> to vector<16xf32>
    %swap3A_76 = vector.shape_cast %broadcast_in_dim3A_72 : vector<16xf32> to vector<16xf32>
    tpu.vector_store %arg15[%swap3A_73], %swap3A_76 {strides = array<i32>} : memref<80xf32, #tpu.memory_space<vmem>>, vector<16xf32>,
    %broadcast_in_dim3A_77 = arith.constant 1.000000e+00 : f32
    %broadcast_in_dim3A_78 = vector.broadcast %broadcast_in_dim3A_77 : f32 to vector<16xf32>
    %swap3A_79 = arith.constant 32 : index
    %swap3A_80 = tpu.vector_load %arg15[%swap3A_79] {strides = array<i32>} : memref<80xf32, #tpu.memory_space<vmem>>, vector<16xf32>,
    %swap3A_81 = vector.shape_cast %swap3A_80 : vector<16xf32> to vector<16xf32>
    %swap3A_82 = vector.shape_cast %broadcast_in_dim3A_78 : vector<16xf32> to vector<16xf32>
    tpu.vector_store %arg15[%swap3A_79], %swap3A_82 {strides = array<i32>} : memref<80xf32, #tpu.memory_space<vmem>>, vector<16xf32>,
    %broadcast_in_dim3A_83 = arith.constant 1.000000e+00 : f32
    %broadcast_in_dim3A_84 = vector.broadcast %broadcast_in_dim3A_83 : f32 to vector<16xf32>
    %swap3A_85 = arith.constant 48 : index
    %swap3A_86 = tpu.vector_load %arg15[%swap3A_85] {strides = array<i32>} : memref<80xf32, #tpu.memory_space<vmem>>, vector<16xf32>,
    %swap3A_87 = vector.shape_cast %swap3A_86 : vector<16xf32> to vector<16xf32>
    %swap3A_88 = vector.shape_cast %broadcast_in_dim3A_84 : vector<16xf32> to vector<16xf32>
    tpu.vector_store %arg15[%swap3A_85], %swap3A_88 {strides = array<i32>} : memref<80xf32, #tpu.memory_space<vmem>>, vector<16xf32>,
    %broadcast_in_dim3A_89 = arith.constant 1.000000e+00 : f32
    %broadcast_in_dim3A_90 = vector.broadcast %broadcast_in_dim3A_89 : f32 to vector<16xf32>
    %swap3A_91 = arith.constant 64 : index
    %swap3A_92 = tpu.vector_load %arg15[%swap3A_91] {strides = array<i32>} : memref<80xf32, #tpu.memory_space<vmem>>, vector<16xf32>,
    %swap3A_93 = vector.shape_cast %swap3A_92 : vector<16xf32> to vector<16xf32>
    %swap3A_94 = vector.shape_cast %broadcast_in_dim3A_90 : vector<16xf32> to vector<16xf32>
    tpu.vector_store %arg15[%swap3A_91], %swap3A_94 {strides = array<i32>} : memref<80xf32, #tpu.memory_space<vmem>>, vector<16xf32>,
    %lt3A = arith.constant 10 : i32
    %lt3A_95 = arith.cmpi slt, %arg1, %lt3A : i32
    %convert_element_type3A = arith.extui %lt3A_95 : i1 to i32
    %cond3A = arith.constant 0 : i32
    %cond3A_96 = arith.cmpi ne, %convert_element_type3A, %cond3A : i32
    scf.if %cond3A_96 {
      %mul3A_468 = arith.constant 1024 : i32
      %mul3A_469 = arith.muli %arg1, %mul3A_468 : i32
      %add3A_470 = arith.constant 0 : i32
      %add3A_471 = arith.addi %mul3A_469, %add3A_470 : i32
      %dma_start3A_472 = tpu.memref_slice %arg18[%add3A_471] : memref<10240xf32, #tpu.memory_space<vmem_shared>> -> memref<256xf32, #tpu.memory_space<vmem_shared>>
      %dma_start3A_473 = tpu.memref_slice %arg18[%add3A_471] : memref<10240xf32, #tpu.memory_space<vmem_shared>> -> memref<256xf32, #tpu.memory_space<vmem_shared>>
      tpu.enqueue_dma source(%arg16 : memref<256xf32, #tpu.memory_space<vmem>>) target(%dma_start3A_473 : memref<256xf32, #tpu.memory_space<vmem_shared>>) target_semaphore(%arg22 : memref<!tpu.dma_semaphore, #tpu.memory_space<semaphore_mem>>)
      %mul3A_474 = arith.constant 1024 : i32
      %mul3A_475 = arith.muli %arg1, %mul3A_474 : i32
      %add3A_476 = arith.constant 256 : i32
      %add3A_477 = arith.addi %mul3A_475, %add3A_476 : i32
      %dma_start3A_478 = tpu.memref_slice %arg18[%add3A_477] : memref<10240xf32, #tpu.memory_space<vmem_shared>> -> memref<256xf32, #tpu.memory_space<vmem_shared>>
      %dma_start3A_479 = tpu.memref_slice %arg18[%add3A_477] : memref<10240xf32, #tpu.memory_space<vmem_shared>> -> memref<256xf32, #tpu.memory_space<vmem_shared>>
      tpu.enqueue_dma source(%arg16 : memref<256xf32, #tpu.memory_space<vmem>>) target(%dma_start3A_479 : memref<256xf32, #tpu.memory_space<vmem_shared>>) target_semaphore(%arg22 : memref<!tpu.dma_semaphore, #tpu.memory_space<semaphore_mem>>)
      %mul3A_480 = arith.constant 1024 : i32
      %mul3A_481 = arith.muli %arg1, %mul3A_480 : i32
      %add3A_482 = arith.constant 512 : i32
      %add3A_483 = arith.addi %mul3A_481, %add3A_482 : i32
      %dma_start3A_484 = tpu.memref_slice %arg18[%add3A_483] : memref<10240xf32, #tpu.memory_space<vmem_shared>> -> memref<256xf32, #tpu.memory_space<vmem_shared>>
      %dma_start3A_485 = tpu.memref_slice %arg18[%add3A_483] : memref<10240xf32, #tpu.memory_space<vmem_shared>> -> memref<256xf32, #tpu.memory_space<vmem_shared>>
      tpu.enqueue_dma source(%arg16 : memref<256xf32, #tpu.memory_space<vmem>>) target(%dma_start3A_485 : memref<256xf32, #tpu.memory_space<vmem_shared>>) target_semaphore(%arg22 : memref<!tpu.dma_semaphore, #tpu.memory_space<semaphore_mem>>)
      %mul3A_486 = arith.constant 1024 : i32
      %mul3A_487 = arith.muli %arg1, %mul3A_486 : i32
      %add3A_488 = arith.constant 768 : i32
      %add3A_489 = arith.addi %mul3A_487, %add3A_488 : i32
      %dma_start3A_490 = tpu.memref_slice %arg18[%add3A_489] : memref<10240xf32, #tpu.memory_space<vmem_shared>> -> memref<256xf32, #tpu.memory_space<vmem_shared>>
      %dma_start3A_491 = tpu.memref_slice %arg18[%add3A_489] : memref<10240xf32, #tpu.memory_space<vmem_shared>> -> memref<256xf32, #tpu.memory_space<vmem_shared>>
      tpu.enqueue_dma source(%arg16 : memref<256xf32, #tpu.memory_space<vmem>>) target(%dma_start3A_491 : memref<256xf32, #tpu.memory_space<vmem_shared>>) target_semaphore(%arg22 : memref<!tpu.dma_semaphore, #tpu.memory_space<semaphore_mem>>)
    } else {
    }
    %add3A_97 = arith.constant 0 : i32
    %add3A_98 = arith.addi %mul3A_2, %add3A_97 : i32
    %dma_wait3A = arith.constant 0 : i32
    %dma_wait3A_99 = tpu.memref_slice %arg17[%add3A_98, %dma_wait3A] : memref<10240x128xf32, #tpu.memory_space<vmem_shared>> -> memref<80x128xf32, #tpu.memory_space<vmem_shared>>
    %dma_wait3A_100 = arith.constant 0 : i32
    %dma_wait3A_101 = tpu.memref_slice %arg17[%add3A_98, %dma_wait3A_100] : memref<10240x128xf32, #tpu.memory_space<vmem_shared>> -> memref<80x128xf32, #tpu.memory_space<vmem_shared>>
    tpu.wait_dma2 semaphore(%arg21 : memref<!tpu.dma_semaphore, #tpu.memory_space<semaphore_mem>>) src(%arg13 : memref<80x128xf32, #tpu.memory_space<vmem>>) dst(%dma_wait3A_101 : memref<80x128xf32, #tpu.memory_space<vmem_shared>>)
    %add3A_102 = arith.constant 80 : i32
    %add3A_103 = arith.addi %mul3A_2, %add3A_102 : i32
    %dma_wait3A_104 = arith.constant 0 : i32
    %dma_wait3A_105 = tpu.memref_slice %arg17[%add3A_103, %dma_wait3A_104] : memref<10240x128xf32, #tpu.memory_space<vmem_shared>> -> memref<80x128xf32, #tpu.memory_space<vmem_shared>>
    %dma_wait3A_106 = arith.constant 0 : i32
    %dma_wait3A_107 = tpu.memref_slice %arg17[%add3A_103, %dma_wait3A_106] : memref<10240x128xf32, #tpu.memory_space<vmem_shared>> -> memref<80x128xf32, #tpu.memory_space<vmem_shared>>
    tpu.wait_dma2 semaphore(%arg21 : memref<!tpu.dma_semaphore, #tpu.memory_space<semaphore_mem>>) src(%arg13 : memref<80x128xf32, #tpu.memory_space<vmem>>) dst(%dma_wait3A_107 : memref<80x128xf32, #tpu.memory_space<vmem_shared>>)
    %add3A_108 = arith.constant 160 : i32
    %add3A_109 = arith.addi %mul3A_2, %add3A_108 : i32
    %dma_wait3A_110 = arith.constant 0 : i32
    %dma_wait3A_111 = tpu.memref_slice %arg17[%add3A_109, %dma_wait3A_110] : memref<10240x128xf32, #tpu.memory_space<vmem_shared>> -> memref<80x128xf32, #tpu.memory_space<vmem_shared>>
    %dma_wait3A_112 = arith.constant 0 : i32
    %dma_wait3A_113 = tpu.memref_slice %arg17[%add3A_109, %dma_wait3A_112] : memref<10240x128xf32, #tpu.memory_space<vmem_shared>> -> memref<80x128xf32, #tpu.memory_space<vmem_shared>>
    tpu.wait_dma2 semaphore(%arg21 : memref<!tpu.dma_semaphore, #tpu.memory_space<semaphore_mem>>) src(%arg13 : memref<80x128xf32, #tpu.memory_space<vmem>>) dst(%dma_wait3A_113 : memref<80x128xf32, #tpu.memory_space<vmem_shared>>)
    %add3A_114 = arith.constant 240 : i32
    %add3A_115 = arith.addi %mul3A_2, %add3A_114 : i32
    %dma_wait3A_116 = arith.constant 0 : i32
    %dma_wait3A_117 = tpu.memref_slice %arg17[%add3A_115, %dma_wait3A_116] : memref<10240x128xf32, #tpu.memory_space<vmem_shared>> -> memref<80x128xf32, #tpu.memory_space<vmem_shared>>
    %dma_wait3A_118 = arith.constant 0 : i32
    %dma_wait3A_119 = tpu.memref_slice %arg17[%add3A_115, %dma_wait3A_118] : memref<10240x128xf32, #tpu.memory_space<vmem_shared>> -> memref<80x128xf32, #tpu.memory_space<vmem_shared>>
    tpu.wait_dma2 semaphore(%arg21 : memref<!tpu.dma_semaphore, #tpu.memory_space<semaphore_mem>>) src(%arg13 : memref<80x128xf32, #tpu.memory_space<vmem>>) dst(%dma_wait3A_119 : memref<80x128xf32, #tpu.memory_space<vmem_shared>>)
    %add3A_120 = arith.constant 320 : i32
    %add3A_121 = arith.addi %mul3A_2, %add3A_120 : i32
    %dma_wait3A_122 = arith.constant 0 : i32
    %dma_wait3A_123 = tpu.memref_slice %arg17[%add3A_121, %dma_wait3A_122] : memref<10240x128xf32, #tpu.memory_space<vmem_shared>> -> memref<80x128xf32, #tpu.memory_space<vmem_shared>>
    %dma_wait3A_124 = arith.constant 0 : i32
    %dma_wait3A_125 = tpu.memref_slice %arg17[%add3A_121, %dma_wait3A_124] : memref<10240x128xf32, #tpu.memory_space<vmem_shared>> -> memref<80x128xf32, #tpu.memory_space<vmem_shared>>
    tpu.wait_dma2 semaphore(%arg21 : memref<!tpu.dma_semaphore, #tpu.memory_space<semaphore_mem>>) src(%arg13 : memref<80x128xf32, #tpu.memory_space<vmem>>) dst(%dma_wait3A_125 : memref<80x128xf32, #tpu.memory_space<vmem_shared>>)
    %add3A_126 = arith.constant 400 : i32
    %add3A_127 = arith.addi %mul3A_2, %add3A_126 : i32
    %dma_wait3A_128 = arith.constant 0 : i32
    %dma_wait3A_129 = tpu.memref_slice %arg17[%add3A_127, %dma_wait3A_128] : memref<10240x128xf32, #tpu.memory_space<vmem_shared>> -> memref<80x128xf32, #tpu.memory_space<vmem_shared>>
    %dma_wait3A_130 = arith.constant 0 : i32
    %dma_wait3A_131 = tpu.memref_slice %arg17[%add3A_127, %dma_wait3A_130] : memref<10240x128xf32, #tpu.memory_space<vmem_shared>> -> memref<80x128xf32, #tpu.memory_space<vmem_shared>>
    tpu.wait_dma2 semaphore(%arg21 : memref<!tpu.dma_semaphore, #tpu.memory_space<semaphore_mem>>) src(%arg13 : memref<80x128xf32, #tpu.memory_space<vmem>>) dst(%dma_wait3A_131 : memref<80x128xf32, #tpu.memory_space<vmem_shared>>)
    %add3A_132 = arith.constant 480 : i32
    %add3A_133 = arith.addi %mul3A_2, %add3A_132 : i32
    %dma_wait3A_134 = arith.constant 0 : i32
    %dma_wait3A_135 = tpu.memref_slice %arg17[%add3A_133, %dma_wait3A_134] : memref<10240x128xf32, #tpu.memory_space<vmem_shared>> -> memref<80x128xf32, #tpu.memory_space<vmem_shared>>
    %dma_wait3A_136 = arith.constant 0 : i32
    %dma_wait3A_137 = tpu.memref_slice %arg17[%add3A_133, %dma_wait3A_136] : memref<10240x128xf32, #tpu.memory_space<vmem_shared>> -> memref<80x128xf32, #tpu.memory_space<vmem_shared>>
    tpu.wait_dma2 semaphore(%arg21 : memref<!tpu.dma_semaphore, #tpu.memory_space<semaphore_mem>>) src(%arg13 : memref<80x128xf32, #tpu.memory_space<vmem>>) dst(%dma_wait3A_137 : memref<80x128xf32, #tpu.memory_space<vmem_shared>>)
    %add3A_138 = arith.constant 560 : i32
    %add3A_139 = arith.addi %mul3A_2, %add3A_138 : i32
    %dma_wait3A_140 = arith.constant 0 : i32
    %dma_wait3A_141 = tpu.memref_slice %arg17[%add3A_139, %dma_wait3A_140] : memref<10240x128xf32, #tpu.memory_space<vmem_shared>> -> memref<80x128xf32, #tpu.memory_space<vmem_shared>>
    %dma_wait3A_142 = arith.constant 0 : i32
    %dma_wait3A_143 = tpu.memref_slice %arg17[%add3A_139, %dma_wait3A_142] : memref<10240x128xf32, #tpu.memory_space<vmem_shared>> -> memref<80x128xf32, #tpu.memory_space<vmem_shared>>
    tpu.wait_dma2 semaphore(%arg21 : memref<!tpu.dma_semaphore, #tpu.memory_space<semaphore_mem>>) src(%arg13 : memref<80x128xf32, #tpu.memory_space<vmem>>) dst(%dma_wait3A_143 : memref<80x128xf32, #tpu.memory_space<vmem_shared>>)
    %lt3A_144 = arith.constant 10 : i32
    %lt3A_145 = arith.cmpi slt, %arg1, %lt3A_144 : i32
    %convert_element_type3A_146 = arith.extui %lt3A_145 : i1 to i32
    %cond3A_147 = arith.constant 0 : i32
    %cond3A_148 = arith.cmpi ne, %convert_element_type3A_146, %cond3A_147 : i32
    scf.if %cond3A_148 {
      %mul3A_468 = arith.constant 1024 : i32
      %mul3A_469 = arith.muli %arg1, %mul3A_468 : i32
      %add3A_470 = arith.constant 0 : i32
      %add3A_471 = arith.addi %mul3A_469, %add3A_470 : i32
      %dma_wait3A_472 = tpu.memref_slice %arg18[%add3A_471] : memref<10240xf32, #tpu.memory_space<vmem_shared>> -> memref<256xf32, #tpu.memory_space<vmem_shared>>
      %dma_wait3A_473 = tpu.memref_slice %arg18[%add3A_471] : memref<10240xf32, #tpu.memory_space<vmem_shared>> -> memref<256xf32, #tpu.memory_space<vmem_shared>>
      tpu.wait_dma2 semaphore(%arg22 : memref<!tpu.dma_semaphore, #tpu.memory_space<semaphore_mem>>) src(%arg16 : memref<256xf32, #tpu.memory_space<vmem>>) dst(%dma_wait3A_473 : memref<256xf32, #tpu.memory_space<vmem_shared>>)
      %mul3A_474 = arith.constant 1024 : i32
      %mul3A_475 = arith.muli %arg1, %mul3A_474 : i32
      %add3A_476 = arith.constant 256 : i32
      %add3A_477 = arith.addi %mul3A_475, %add3A_476 : i32
      %dma_wait3A_478 = tpu.memref_slice %arg18[%add3A_477] : memref<10240xf32, #tpu.memory_space<vmem_shared>> -> memref<256xf32, #tpu.memory_space<vmem_shared>>
      %dma_wait3A_479 = tpu.memref_slice %arg18[%add3A_477] : memref<10240xf32, #tpu.memory_space<vmem_shared>> -> memref<256xf32, #tpu.memory_space<vmem_shared>>
      tpu.wait_dma2 semaphore(%arg22 : memref<!tpu.dma_semaphore, #tpu.memory_space<semaphore_mem>>) src(%arg16 : memref<256xf32, #tpu.memory_space<vmem>>) dst(%dma_wait3A_479 : memref<256xf32, #tpu.memory_space<vmem_shared>>)
      %mul3A_480 = arith.constant 1024 : i32
      %mul3A_481 = arith.muli %arg1, %mul3A_480 : i32
      %add3A_482 = arith.constant 512 : i32
      %add3A_483 = arith.addi %mul3A_481, %add3A_482 : i32
      %dma_wait3A_484 = tpu.memref_slice %arg18[%add3A_483] : memref<10240xf32, #tpu.memory_space<vmem_shared>> -> memref<256xf32, #tpu.memory_space<vmem_shared>>
      %dma_wait3A_485 = tpu.memref_slice %arg18[%add3A_483] : memref<10240xf32, #tpu.memory_space<vmem_shared>> -> memref<256xf32, #tpu.memory_space<vmem_shared>>
      tpu.wait_dma2 semaphore(%arg22 : memref<!tpu.dma_semaphore, #tpu.memory_space<semaphore_mem>>) src(%arg16 : memref<256xf32, #tpu.memory_space<vmem>>) dst(%dma_wait3A_485 : memref<256xf32, #tpu.memory_space<vmem_shared>>)
      %mul3A_486 = arith.constant 1024 : i32
      %mul3A_487 = arith.muli %arg1, %mul3A_486 : i32
      %add3A_488 = arith.constant 768 : i32
      %add3A_489 = arith.addi %mul3A_487, %add3A_488 : i32
      %dma_wait3A_490 = tpu.memref_slice %arg18[%add3A_489] : memref<10240xf32, #tpu.memory_space<vmem_shared>> -> memref<256xf32, #tpu.memory_space<vmem_shared>>
      %dma_wait3A_491 = tpu.memref_slice %arg18[%add3A_489] : memref<10240xf32, #tpu.memory_space<vmem_shared>> -> memref<256xf32, #tpu.memory_space<vmem_shared>>
      tpu.wait_dma2 semaphore(%arg22 : memref<!tpu.dma_semaphore, #tpu.memory_space<semaphore_mem>>) src(%arg16 : memref<256xf32, #tpu.memory_space<vmem>>) dst(%dma_wait3A_491 : memref<256xf32, #tpu.memory_space<vmem_shared>>)
    } else {
    }
    %mul3A_149 = arith.constant 10000 : i32
    %mul3A_150 = arith.muli %add3A, %mul3A_149 : i32
    %dma_wait3A_151 = tpu.memref_slice %arg3[%mul3A_150] : memref<320000xi32, #tpu.memory_space<hbm>> -> memref<10000xi32, #tpu.memory_space<hbm>>
    %dma_wait3A_152 = tpu.memref_slice %arg3[%mul3A_150] : memref<320000xi32, #tpu.memory_space<hbm>> -> memref<10000xi32, #tpu.memory_space<hbm>>
    tpu.wait_dma2 semaphore(%arg20 : memref<!tpu.dma_semaphore, #tpu.memory_space<semaphore_mem>>) src(%dma_wait3A_152 : memref<10000xi32, #tpu.memory_space<hbm>>) dst(%arg8 : memref<10000xi32, #tpu.memory_space<vmem>>)
    %barrier3A = arith.constant 0 : index
    tpu.barrier barrier_id(%barrier3A)
    %get3A = arith.constant 0 : index
    %get3A_153 = tpu.vector_load %arg8[%get3A] {strides = array<i32>} : memref<10000xi32, #tpu.memory_space<vmem>>, vector<16xi32>,
    %get3A_154 = vector.shape_cast %get3A_153 : vector<16xi32> to vector<16xi32>
    %and3A = arith.constant 65535 : i32
    %and3A_155 = vector.broadcast %and3A : i32 to vector<16xi32>
    %and3A_156 = arith.andi %get3A_154, %and3A_155 : vector<16xi32>
    %swap3A_157 = arith.constant 0 : index
    %swap3A_158 = tpu.vector_load %arg9[%swap3A_157] {strides = array<i32>} : memref<80xi32, #tpu.memory_space<vmem>>, vector<16xi32>,
    %swap3A_159 = vector.shape_cast %swap3A_158 : vector<16xi32> to vector<16xi32>
    %swap3A_160 = vector.shape_cast %and3A_156 : vector<16xi32> to vector<16xi32>
    tpu.vector_store %arg9[%swap3A_157], %swap3A_160 {strides = array<i32>} : memref<80xi32, #tpu.memory_space<vmem>>, vector<16xi32>,
    %shift_right_arithmetic3A = arith.constant 16 : i32
    %shift_right_arithmetic3A_161 = vector.broadcast %shift_right_arithmetic3A : i32 to vector<16xi32>
    %shift_right_arithmetic3A_162 = arith.shrsi %get3A_154, %shift_right_arithmetic3A_161 : vector<16xi32>
    %swap3A_163 = arith.constant 0 : index
    %swap3A_164 = tpu.vector_load %arg11[%swap3A_163] {strides = array<i32>} : memref<80xi32, #tpu.memory_space<vmem>>, vector<16xi32>,
    %swap3A_165 = vector.shape_cast %swap3A_164 : vector<16xi32> to vector<16xi32>
    %swap3A_166 = vector.shape_cast %shift_right_arithmetic3A_162 : vector<16xi32> to vector<16xi32>
    tpu.vector_store %arg11[%swap3A_163], %swap3A_166 {strides = array<i32>} : memref<80xi32, #tpu.memory_space<vmem>>, vector<16xi32>,
    %get3A_167 = arith.constant 16 : index
    %get3A_168 = tpu.vector_load %arg8[%get3A_167] {strides = array<i32>} : memref<10000xi32, #tpu.memory_space<vmem>>, vector<16xi32>,
    %get3A_169 = vector.shape_cast %get3A_168 : vector<16xi32> to vector<16xi32>
    %and3A_170 = arith.constant 65535 : i32
    %and3A_171 = vector.broadcast %and3A_170 : i32 to vector<16xi32>
    %and3A_172 = arith.andi %get3A_169, %and3A_171 : vector<16xi32>
    %swap3A_173 = arith.constant 16 : index
    %swap3A_174 = tpu.vector_load %arg9[%swap3A_173] {strides = array<i32>} : memref<80xi32, #tpu.memory_space<vmem>>, vector<16xi32>,
    %swap3A_175 = vector.shape_cast %swap3A_174 : vector<16xi32> to vector<16xi32>
    %swap3A_176 = vector.shape_cast %and3A_172 : vector<16xi32> to vector<16xi32>
    tpu.vector_store %arg9[%swap3A_173], %swap3A_176 {strides = array<i32>} : memref<80xi32, #tpu.memory_space<vmem>>, vector<16xi32>,
    %shift_right_arithmetic3A_177 = arith.constant 16 : i32
    %shift_right_arithmetic3A_178 = vector.broadcast %shift_right_arithmetic3A_177 : i32 to vector<16xi32>
    %shift_right_arithmetic3A_179 = arith.shrsi %get3A_169, %shift_right_arithmetic3A_178 : vector<16xi32>
    %swap3A_180 = arith.constant 16 : index
    %swap3A_181 = tpu.vector_load %arg11[%swap3A_180] {strides = array<i32>} : memref<80xi32, #tpu.memory_space<vmem>>, vector<16xi32>,
    %swap3A_182 = vector.shape_cast %swap3A_181 : vector<16xi32> to vector<16xi32>
    %swap3A_183 = vector.shape_cast %shift_right_arithmetic3A_179 : vector<16xi32> to vector<16xi32>
    tpu.vector_store %arg11[%swap3A_180], %swap3A_183 {strides = array<i32>} : memref<80xi32, #tpu.memory_space<vmem>>, vector<16xi32>,
    %get3A_184 = arith.constant 32 : index
    %get3A_185 = tpu.vector_load %arg8[%get3A_184] {strides = array<i32>} : memref<10000xi32, #tpu.memory_space<vmem>>, vector<16xi32>,
    %get3A_186 = vector.shape_cast %get3A_185 : vector<16xi32> to vector<16xi32>
    %and3A_187 = arith.constant 65535 : i32
    %and3A_188 = vector.broadcast %and3A_187 : i32 to vector<16xi32>
    %and3A_189 = arith.andi %get3A_186, %and3A_188 : vector<16xi32>
    %swap3A_190 = arith.constant 32 : index
    %swap3A_191 = tpu.vector_load %arg9[%swap3A_190] {strides = array<i32>} : memref<80xi32, #tpu.memory_space<vmem>>, vector<16xi32>,
    %swap3A_192 = vector.shape_cast %swap3A_191 : vector<16xi32> to vector<16xi32>
    %swap3A_193 = vector.shape_cast %and3A_189 : vector<16xi32> to vector<16xi32>
    tpu.vector_store %arg9[%swap3A_190], %swap3A_193 {strides = array<i32>} : memref<80xi32, #tpu.memory_space<vmem>>, vector<16xi32>,
    %shift_right_arithmetic3A_194 = arith.constant 16 : i32
    %shift_right_arithmetic3A_195 = vector.broadcast %shift_right_arithmetic3A_194 : i32 to vector<16xi32>
    %shift_right_arithmetic3A_196 = arith.shrsi %get3A_186, %shift_right_arithmetic3A_195 : vector<16xi32>
    %swap3A_197 = arith.constant 32 : index
    %swap3A_198 = tpu.vector_load %arg11[%swap3A_197] {strides = array<i32>} : memref<80xi32, #tpu.memory_space<vmem>>, vector<16xi32>,
    %swap3A_199 = vector.shape_cast %swap3A_198 : vector<16xi32> to vector<16xi32>
    %swap3A_200 = vector.shape_cast %shift_right_arithmetic3A_196 : vector<16xi32> to vector<16xi32>
    tpu.vector_store %arg11[%swap3A_197], %swap3A_200 {strides = array<i32>} : memref<80xi32, #tpu.memory_space<vmem>>, vector<16xi32>,
    %get3A_201 = arith.constant 48 : index
    %get3A_202 = tpu.vector_load %arg8[%get3A_201] {strides = array<i32>} : memref<10000xi32, #tpu.memory_space<vmem>>, vector<16xi32>,
    %get3A_203 = vector.shape_cast %get3A_202 : vector<16xi32> to vector<16xi32>
    %and3A_204 = arith.constant 65535 : i32
    %and3A_205 = vector.broadcast %and3A_204 : i32 to vector<16xi32>
    %and3A_206 = arith.andi %get3A_203, %and3A_205 : vector<16xi32>
    %swap3A_207 = arith.constant 48 : index
    %swap3A_208 = tpu.vector_load %arg9[%swap3A_207] {strides = array<i32>} : memref<80xi32, #tpu.memory_space<vmem>>, vector<16xi32>,
    %swap3A_209 = vector.shape_cast %swap3A_208 : vector<16xi32> to vector<16xi32>
    %swap3A_210 = vector.shape_cast %and3A_206 : vector<16xi32> to vector<16xi32>
    tpu.vector_store %arg9[%swap3A_207], %swap3A_210 {strides = array<i32>} : memref<80xi32, #tpu.memory_space<vmem>>, vector<16xi32>,
    %shift_right_arithmetic3A_211 = arith.constant 16 : i32
    %shift_right_arithmetic3A_212 = vector.broadcast %shift_right_arithmetic3A_211 : i32 to vector<16xi32>
    %shift_right_arithmetic3A_213 = arith.shrsi %get3A_203, %shift_right_arithmetic3A_212 : vector<16xi32>
    %swap3A_214 = arith.constant 48 : index
    %swap3A_215 = tpu.vector_load %arg11[%swap3A_214] {strides = array<i32>} : memref<80xi32, #tpu.memory_space<vmem>>, vector<16xi32>,
    %swap3A_216 = vector.shape_cast %swap3A_215 : vector<16xi32> to vector<16xi32>
    %swap3A_217 = vector.shape_cast %shift_right_arithmetic3A_213 : vector<16xi32> to vector<16xi32>
    tpu.vector_store %arg11[%swap3A_214], %swap3A_217 {strides = array<i32>} : memref<80xi32, #tpu.memory_space<vmem>>, vector<16xi32>,
    %get3A_218 = arith.constant 64 : index
    %get3A_219 = tpu.vector_load %arg8[%get3A_218] {strides = array<i32>} : memref<10000xi32, #tpu.memory_space<vmem>>, vector<16xi32>,
    %get3A_220 = vector.shape_cast %get3A_219 : vector<16xi32> to vector<16xi32>
    %and3A_221 = arith.constant 65535 : i32
    %and3A_222 = vector.broadcast %and3A_221 : i32 to vector<16xi32>
    %and3A_223 = arith.andi %get3A_220, %and3A_222 : vector<16xi32>
    %swap3A_224 = arith.constant 64 : index
    %swap3A_225 = tpu.vector_load %arg9[%swap3A_224] {strides = array<i32>} : memref<80xi32, #tpu.memory_space<vmem>>, vector<16xi32>,
    %swap3A_226 = vector.shape_cast %swap3A_225 : vector<16xi32> to vector<16xi32>
    %swap3A_227 = vector.shape_cast %and3A_223 : vector<16xi32> to vector<16xi32>
    tpu.vector_store %arg9[%swap3A_224], %swap3A_227 {strides = array<i32>} : memref<80xi32, #tpu.memory_space<vmem>>, vector<16xi32>,
    %shift_right_arithmetic3A_228 = arith.constant 16 : i32
    %shift_right_arithmetic3A_229 = vector.broadcast %shift_right_arithmetic3A_228 : i32 to vector<16xi32>
    %shift_right_arithmetic3A_230 = arith.shrsi %get3A_220, %shift_right_arithmetic3A_229 : vector<16xi32>
    %swap3A_231 = arith.constant 64 : index
    %swap3A_232 = tpu.vector_load %arg11[%swap3A_231] {strides = array<i32>} : memref<80xi32, #tpu.memory_space<vmem>>, vector<16xi32>,
    %swap3A_233 = vector.shape_cast %swap3A_232 : vector<16xi32> to vector<16xi32>
    %swap3A_234 = vector.shape_cast %shift_right_arithmetic3A_230 : vector<16xi32> to vector<16xi32>
    tpu.vector_store %arg11[%swap3A_231], %swap3A_234 {strides = array<i32>} : memref<80xi32, #tpu.memory_space<vmem>>, vector<16xi32>,
    %dma_start3A_235 = arith.constant 0 : i32
    %dma_start3A_236 = arith.constant 0 : i32
    %dma_start3A_237 = tpu.memref_slice %arg2[%dma_start3A_235, %dma_start3A_236] : memref<10000x128xf32, #tpu.memory_space<hbm>> -> memref<10000x128xf32, #tpu.memory_space<hbm>>
    tpu.enqueue_indirect_dma source(%dma_start3A_237 : memref<10000x128xf32, #tpu.memory_space<hbm>>) target(%arg13 : memref<80x128xf32, #tpu.memory_space<vmem>>) offsets(%arg9 : memref<80xi32, #tpu.memory_space<vmem>>) semaphore(%arg19 : memref<!tpu.dma_semaphore, #tpu.memory_space<semaphore_mem>>)
    %dma_wait3A_238 = arith.constant 0 : i32
    %dma_wait3A_239 = arith.constant 0 : i32
    %dma_wait3A_240 = tpu.memref_slice %arg2[%dma_wait3A_238, %dma_wait3A_239] : memref<10000x128xf32, #tpu.memory_space<hbm>> -> memref<10000x128xf32, #tpu.memory_space<hbm>>
    tpu.wait_indirect_dma semaphore(%arg19 : memref<!tpu.dma_semaphore, #tpu.memory_space<semaphore_mem>>) src(%dma_wait3A_240 : memref<10000x128xf32, #tpu.memory_space<hbm>>) dst(%arg13 : memref<80x128xf32, #tpu.memory_space<vmem>>)
    %dma_start3A_241 = arith.constant 0 : i32
    %dma_start3A_242 = arith.constant 0 : i32
    %dma_start3A_243 = tpu.memref_slice %arg17[%dma_start3A_241, %dma_start3A_242] : memref<10240x128xf32, #tpu.memory_space<vmem_shared>> -> memref<10240x128xf32, #tpu.memory_space<vmem_shared>>
    tpu.enqueue_indirect_dma source(%arg13 : memref<80x128xf32, #tpu.memory_space<vmem>>) target(%dma_start3A_243 : memref<10240x128xf32, #tpu.memory_space<vmem_shared>>) offsets(%arg11 : memref<80xi32, #tpu.memory_space<vmem>>) semaphore(%arg21 : memref<!tpu.dma_semaphore, #tpu.memory_space<semaphore_mem>>) {add = true}
    %dma_start3A_244 = arith.constant 0 : i32
    %dma_start3A_245 = tpu.memref_slice %arg18[%dma_start3A_244] : memref<10240xf32, #tpu.memory_space<vmem_shared>> -> memref<10240xf32, #tpu.memory_space<vmem_shared>>
    tpu.enqueue_indirect_dma source(%arg15 : memref<80xf32, #tpu.memory_space<vmem>>) target(%dma_start3A_245 : memref<10240xf32, #tpu.memory_space<vmem_shared>>) offsets(%arg11 : memref<80xi32, #tpu.memory_space<vmem>>) semaphore(%arg21 : memref<!tpu.dma_semaphore, #tpu.memory_space<semaphore_mem>>) {add = true}
    %get3A_246 = arith.constant 80 : index
    %get3A_247 = tpu.vector_load %arg8[%get3A_246] {strides = array<i32>} : memref<10000xi32, #tpu.memory_space<vmem>>, vector<16xi32>,
    %get3A_248 = vector.shape_cast %get3A_247 : vector<16xi32> to vector<16xi32>
    %and3A_249 = arith.constant 65535 : i32
    %and3A_250 = vector.broadcast %and3A_249 : i32 to vector<16xi32>
    %and3A_251 = arith.andi %get3A_248, %and3A_250 : vector<16xi32>
    %swap3A_252 = arith.constant 0 : index
    %swap3A_253 = tpu.vector_load %arg10[%swap3A_252] {strides = array<i32>} : memref<80xi32, #tpu.memory_space<vmem>>, vector<16xi32>,
    %swap3A_254 = vector.shape_cast %swap3A_253 : vector<16xi32> to vector<16xi32>
    %swap3A_255 = vector.shape_cast %and3A_251 : vector<16xi32> to vector<16xi32>
    tpu.vector_store %arg10[%swap3A_252], %swap3A_255 {strides = array<i32>} : memref<80xi32, #tpu.memory_space<vmem>>, vector<16xi32>,
    %shift_right_arithmetic3A_256 = arith.constant 16 : i32
    %shift_right_arithmetic3A_257 = vector.broadcast %shift_right_arithmetic3A_256 : i32 to vector<16xi32>
    %shift_right_arithmetic3A_258 = arith.shrsi %get3A_248, %shift_right_arithmetic3A_257 : vector<16xi32>
    %swap3A_259 = arith.constant 0 : index
    %swap3A_260 = tpu.vector_load %arg12[%swap3A_259] {strides = array<i32>} : memref<80xi32, #tpu.memory_space<vmem>>, vector<16xi32>,
    %swap3A_261 = vector.shape_cast %swap3A_260 : vector<16xi32> to vector<16xi32>
    %swap3A_262 = vector.shape_cast %shift_right_arithmetic3A_258 : vector<16xi32> to vector<16xi32>
    tpu.vector_store %arg12[%swap3A_259], %swap3A_262 {strides = array<i32>} : memref<80xi32, #tpu.memory_space<vmem>>, vector<16xi32>,
    %get3A_263 = arith.constant 96 : index
    %get3A_264 = tpu.vector_load %arg8[%get3A_263] {strides = array<i32>} : memref<10000xi32, #tpu.memory_space<vmem>>, vector<16xi32>,
    %get3A_265 = vector.shape_cast %get3A_264 : vector<16xi32> to vector<16xi32>
    %and3A_266 = arith.constant 65535 : i32
    %and3A_267 = vector.broadcast %and3A_266 : i32 to vector<16xi32>
    %and3A_268 = arith.andi %get3A_265, %and3A_267 : vector<16xi32>
    %swap3A_269 = arith.constant 16 : index
    %swap3A_270 = tpu.vector_load %arg10[%swap3A_269] {strides = array<i32>} : memref<80xi32, #tpu.memory_space<vmem>>, vector<16xi32>,
    %swap3A_271 = vector.shape_cast %swap3A_270 : vector<16xi32> to vector<16xi32>
    %swap3A_272 = vector.shape_cast %and3A_268 : vector<16xi32> to vector<16xi32>
    tpu.vector_store %arg10[%swap3A_269], %swap3A_272 {strides = array<i32>} : memref<80xi32, #tpu.memory_space<vmem>>, vector<16xi32>,
    %shift_right_arithmetic3A_273 = arith.constant 16 : i32
    %shift_right_arithmetic3A_274 = vector.broadcast %shift_right_arithmetic3A_273 : i32 to vector<16xi32>
    %shift_right_arithmetic3A_275 = arith.shrsi %get3A_265, %shift_right_arithmetic3A_274 : vector<16xi32>
    %swap3A_276 = arith.constant 16 : index
    %swap3A_277 = tpu.vector_load %arg12[%swap3A_276] {strides = array<i32>} : memref<80xi32, #tpu.memory_space<vmem>>, vector<16xi32>,
    %swap3A_278 = vector.shape_cast %swap3A_277 : vector<16xi32> to vector<16xi32>
    %swap3A_279 = vector.shape_cast %shift_right_arithmetic3A_275 : vector<16xi32> to vector<16xi32>
    tpu.vector_store %arg12[%swap3A_276], %swap3A_279 {strides = array<i32>} : memref<80xi32, #tpu.memory_space<vmem>>, vector<16xi32>,
    %get3A_280 = arith.constant 112 : index
    %get3A_281 = tpu.vector_load %arg8[%get3A_280] {strides = array<i32>} : memref<10000xi32, #tpu.memory_space<vmem>>, vector<16xi32>,
    %get3A_282 = vector.shape_cast %get3A_281 : vector<16xi32> to vector<16xi32>
    %and3A_283 = arith.constant 65535 : i32
    %and3A_284 = vector.broadcast %and3A_283 : i32 to vector<16xi32>
    %and3A_285 = arith.andi %get3A_282, %and3A_284 : vector<16xi32>
    %swap3A_286 = arith.constant 32 : index
    %swap3A_287 = tpu.vector_load %arg10[%swap3A_286] {strides = array<i32>} : memref<80xi32, #tpu.memory_space<vmem>>, vector<16xi32>,
    %swap3A_288 = vector.shape_cast %swap3A_287 : vector<16xi32> to vector<16xi32>
    %swap3A_289 = vector.shape_cast %and3A_285 : vector<16xi32> to vector<16xi32>
    tpu.vector_store %arg10[%swap3A_286], %swap3A_289 {strides = array<i32>} : memref<80xi32, #tpu.memory_space<vmem>>, vector<16xi32>,
    %shift_right_arithmetic3A_290 = arith.constant 16 : i32
    %shift_right_arithmetic3A_291 = vector.broadcast %shift_right_arithmetic3A_290 : i32 to vector<16xi32>
    %shift_right_arithmetic3A_292 = arith.shrsi %get3A_282, %shift_right_arithmetic3A_291 : vector<16xi32>
    %swap3A_293 = arith.constant 32 : index
    %swap3A_294 = tpu.vector_load %arg12[%swap3A_293] {strides = array<i32>} : memref<80xi32, #tpu.memory_space<vmem>>, vector<16xi32>,
    %swap3A_295 = vector.shape_cast %swap3A_294 : vector<16xi32> to vector<16xi32>
    %swap3A_296 = vector.shape_cast %shift_right_arithmetic3A_292 : vector<16xi32> to vector<16xi32>
    tpu.vector_store %arg12[%swap3A_293], %swap3A_296 {strides = array<i32>} : memref<80xi32, #tpu.memory_space<vmem>>, vector<16xi32>,
    %get3A_297 = arith.constant 128 : index
    %get3A_298 = tpu.vector_load %arg8[%get3A_297] {strides = array<i32>} : memref<10000xi32, #tpu.memory_space<vmem>>, vector<16xi32>,
    %get3A_299 = vector.shape_cast %get3A_298 : vector<16xi32> to vector<16xi32>
    %and3A_300 = arith.constant 65535 : i32
    %and3A_301 = vector.broadcast %and3A_300 : i32 to vector<16xi32>
    %and3A_302 = arith.andi %get3A_299, %and3A_301 : vector<16xi32>
    %swap3A_303 = arith.constant 48 : index
    %swap3A_304 = tpu.vector_load %arg10[%swap3A_303] {strides = array<i32>} : memref<80xi32, #tpu.memory_space<vmem>>, vector<16xi32>,
    %swap3A_305 = vector.shape_cast %swap3A_304 : vector<16xi32> to vector<16xi32>
    %swap3A_306 = vector.shape_cast %and3A_302 : vector<16xi32> to vector<16xi32>
    tpu.vector_store %arg10[%swap3A_303], %swap3A_306 {strides = array<i32>} : memref<80xi32, #tpu.memory_space<vmem>>, vector<16xi32>,
    %shift_right_arithmetic3A_307 = arith.constant 16 : i32
    %shift_right_arithmetic3A_308 = vector.broadcast %shift_right_arithmetic3A_307 : i32 to vector<16xi32>
    %shift_right_arithmetic3A_309 = arith.shrsi %get3A_299, %shift_right_arithmetic3A_308 : vector<16xi32>
    %swap3A_310 = arith.constant 48 : index
    %swap3A_311 = tpu.vector_load %arg12[%swap3A_310] {strides = array<i32>} : memref<80xi32, #tpu.memory_space<vmem>>, vector<16xi32>,
    %swap3A_312 = vector.shape_cast %swap3A_311 : vector<16xi32> to vector<16xi32>
    %swap3A_313 = vector.shape_cast %shift_right_arithmetic3A_309 : vector<16xi32> to vector<16xi32>
    tpu.vector_store %arg12[%swap3A_310], %swap3A_313 {strides = array<i32>} : memref<80xi32, #tpu.memory_space<vmem>>, vector<16xi32>,
    %get3A_314 = arith.constant 144 : index
    %get3A_315 = tpu.vector_load %arg8[%get3A_314] {strides = array<i32>} : memref<10000xi32, #tpu.memory_space<vmem>>, vector<16xi32>,
    %get3A_316 = vector.shape_cast %get3A_315 : vector<16xi32> to vector<16xi32>
    %and3A_317 = arith.constant 65535 : i32
    %and3A_318 = vector.broadcast %and3A_317 : i32 to vector<16xi32>
    %and3A_319 = arith.andi %get3A_316, %and3A_318 : vector<16xi32>
    %swap3A_320 = arith.constant 64 : index
    %swap3A_321 = tpu.vector_load %arg10[%swap3A_320] {strides = array<i32>} : memref<80xi32, #tpu.memory_space<vmem>>, vector<16xi32>,
    %swap3A_322 = vector.shape_cast %swap3A_321 : vector<16xi32> to vector<16xi32>
    %swap3A_323 = vector.shape_cast %and3A_319 : vector<16xi32> to vector<16xi32>
    tpu.vector_store %arg10[%swap3A_320], %swap3A_323 {strides = array<i32>} : memref<80xi32, #tpu.memory_space<vmem>>, vector<16xi32>,
    %shift_right_arithmetic3A_324 = arith.constant 16 : i32
    %shift_right_arithmetic3A_325 = vector.broadcast %shift_right_arithmetic3A_324 : i32 to vector<16xi32>
    %shift_right_arithmetic3A_326 = arith.shrsi %get3A_316, %shift_right_arithmetic3A_325 : vector<16xi32>
    %swap3A_327 = arith.constant 64 : index
    %swap3A_328 = tpu.vector_load %arg12[%swap3A_327] {strides = array<i32>} : memref<80xi32, #tpu.memory_space<vmem>>, vector<16xi32>,
    %swap3A_329 = vector.shape_cast %swap3A_328 : vector<16xi32> to vector<16xi32>
    %swap3A_330 = vector.shape_cast %shift_right_arithmetic3A_326 : vector<16xi32> to vector<16xi32>
    tpu.vector_store %arg12[%swap3A_327], %swap3A_330 {strides = array<i32>} : memref<80xi32, #tpu.memory_space<vmem>>, vector<16xi32>,
    %dma_start3A_331 = arith.constant 0 : i32
    %dma_start3A_332 = arith.constant 0 : i32
    %dma_start3A_333 = tpu.memref_slice %arg2[%dma_start3A_331, %dma_start3A_332] : memref<10000x128xf32, #tpu.memory_space<hbm>> -> memref<10000x128xf32, #tpu.memory_space<hbm>>
    tpu.enqueue_indirect_dma source(%dma_start3A_333 : memref<10000x128xf32, #tpu.memory_space<hbm>>) target(%arg14 : memref<80x128xf32, #tpu.memory_space<vmem>>) offsets(%arg10 : memref<80xi32, #tpu.memory_space<vmem>>) semaphore(%arg20 : memref<!tpu.dma_semaphore, #tpu.memory_space<semaphore_mem>>)
    %scan3A_334 = arith.constant 0 : i32
    %scan3A_335 = arith.constant 61 : i32
    %scan3A_336 = arith.addi %scan3A_334, %scan3A_335 : i32
    %scan3A_337 = arith.constant 1 : i32
    scf.for %scan3A_468 = %scan3A_334 to %scan3A_336 step %scan3A_337  : i32 {
      %mul3A_469 = arith.constant 1 : i32
      %mul3A_470 = arith.muli %scan3A_468, %mul3A_469 : i32
      %add3A_471 = arith.constant 0 : i32
      %add3A_472 = arith.addi %add3A_471, %mul3A_470 : i32
      %mul3A_473 = arith.constant 2 : i32
      %mul3A_474 = arith.muli %mul3A_473, %add3A_472 : i32
      %add3A_475 = arith.constant 1 : i32
      %add3A_476 = arith.addi %mul3A_474, %add3A_475 : i32
      %dma_wait3A_477 = arith.constant 0 : i32
      %dma_wait3A_478 = arith.constant 0 : i32
      %dma_wait3A_479 = tpu.memref_slice %arg17[%dma_wait3A_477, %dma_wait3A_478] : memref<10240x128xf32, #tpu.memory_space<vmem_shared>> -> memref<10240x128xf32, #tpu.memory_space<vmem_shared>>
      tpu.wait_indirect_dma semaphore(%arg21 : memref<!tpu.dma_semaphore, #tpu.memory_space<semaphore_mem>>) src(%arg13 : memref<80x128xf32, #tpu.memory_space<vmem>>) dst(%dma_wait3A_479 : memref<10240x128xf32, #tpu.memory_space<vmem_shared>>)
      %dma_wait3A_480 = arith.constant 0 : i32
      %dma_wait3A_481 = tpu.memref_slice %arg18[%dma_wait3A_480] : memref<10240xf32, #tpu.memory_space<vmem_shared>> -> memref<10240xf32, #tpu.memory_space<vmem_shared>>
      tpu.wait_indirect_dma semaphore(%arg21 : memref<!tpu.dma_semaphore, #tpu.memory_space<semaphore_mem>>) src(%arg15 : memref<80xf32, #tpu.memory_space<vmem>>) dst(%dma_wait3A_481 : memref<10240xf32, #tpu.memory_space<vmem_shared>>)
      %add3A_482 = arith.constant 1 : i32
      %add3A_483 = arith.addi %add3A_476, %add3A_482 : i32
      %mul3A_484 = arith.constant 80 : i32
      %mul3A_485 = arith.muli %add3A_483, %mul3A_484 : i32
      %add3A_486 = arith.constant 0 : i32
      %add3A_487 = arith.addi %mul3A_485, %add3A_486 : i32
      %get3A_488 = arith.index_cast %add3A_487 : i32 to index
      %get3A_489 = tpu.vector_load %arg8[%get3A_488] {strides = array<i32>} : memref<10000xi32, #tpu.memory_space<vmem>>, vector<16xi32>,
      %get3A_490 = vector.shape_cast %get3A_489 : vector<16xi32> to vector<16xi32>
      %and3A_491 = arith.constant 65535 : i32
      %and3A_492 = vector.broadcast %and3A_491 : i32 to vector<16xi32>
      %and3A_493 = arith.andi %get3A_490, %and3A_492 : vector<16xi32>
      %swap3A_494 = arith.constant 0 : index
      %swap3A_495 = tpu.vector_load %arg9[%swap3A_494] {strides = array<i32>} : memref<80xi32, #tpu.memory_space<vmem>>, vector<16xi32>,
      %swap3A_496 = vector.shape_cast %swap3A_495 : vector<16xi32> to vector<16xi32>
      %swap3A_497 = vector.shape_cast %and3A_493 : vector<16xi32> to vector<16xi32>
      tpu.vector_store %arg9[%swap3A_494], %swap3A_497 {strides = array<i32>} : memref<80xi32, #tpu.memory_space<vmem>>, vector<16xi32>,
      %shift_right_arithmetic3A_498 = arith.constant 16 : i32
      %shift_right_arithmetic3A_499 = vector.broadcast %shift_right_arithmetic3A_498 : i32 to vector<16xi32>
      %shift_right_arithmetic3A_500 = arith.shrsi %get3A_490, %shift_right_arithmetic3A_499 : vector<16xi32>
      %swap3A_501 = arith.constant 0 : index
      %swap3A_502 = tpu.vector_load %arg11[%swap3A_501] {strides = array<i32>} : memref<80xi32, #tpu.memory_space<vmem>>, vector<16xi32>,
      %swap3A_503 = vector.shape_cast %swap3A_502 : vector<16xi32> to vector<16xi32>
      %swap3A_504 = vector.shape_cast %shift_right_arithmetic3A_500 : vector<16xi32> to vector<16xi32>
      tpu.vector_store %arg11[%swap3A_501], %swap3A_504 {strides = array<i32>} : memref<80xi32, #tpu.memory_space<vmem>>, vector<16xi32>,
      %mul3A_505 = arith.constant 80 : i32
      %mul3A_506 = arith.muli %add3A_483, %mul3A_505 : i32
      %add3A_507 = arith.constant 16 : i32
      %add3A_508 = arith.addi %mul3A_506, %add3A_507 : i32
      %get3A_509 = arith.index_cast %add3A_508 : i32 to index
      %get3A_510 = tpu.vector_load %arg8[%get3A_509] {strides = array<i32>} : memref<10000xi32, #tpu.memory_space<vmem>>, vector<16xi32>,
      %get3A_511 = vector.shape_cast %get3A_510 : vector<16xi32> to vector<16xi32>
      %and3A_512 = arith.constant 65535 : i32
      %and3A_513 = vector.broadcast %and3A_512 : i32 to vector<16xi32>
      %and3A_514 = arith.andi %get3A_511, %and3A_513 : vector<16xi32>
      %swap3A_515 = arith.constant 16 : index
      %swap3A_516 = tpu.vector_load %arg9[%swap3A_515] {strides = array<i32>} : memref<80xi32, #tpu.memory_space<vmem>>, vector<16xi32>,
      %swap3A_517 = vector.shape_cast %swap3A_516 : vector<16xi32> to vector<16xi32>
      %swap3A_518 = vector.shape_cast %and3A_514 : vector<16xi32> to vector<16xi32>
      tpu.vector_store %arg9[%swap3A_515], %swap3A_518 {strides = array<i32>} : memref<80xi32, #tpu.memory_space<vmem>>, vector<16xi32>,
      %shift_right_arithmetic3A_519 = arith.constant 16 : i32
      %shift_right_arithmetic3A_520 = vector.broadcast %shift_right_arithmetic3A_519 : i32 to vector<16xi32>
      %shift_right_arithmetic3A_521 = arith.shrsi %get3A_511, %shift_right_arithmetic3A_520 : vector<16xi32>
      %swap3A_522 = arith.constant 16 : index
      %swap3A_523 = tpu.vector_load %arg11[%swap3A_522] {strides = array<i32>} : memref<80xi32, #tpu.memory_space<vmem>>, vector<16xi32>,
      %swap3A_524 = vector.shape_cast %swap3A_523 : vector<16xi32> to vector<16xi32>
      %swap3A_525 = vector.shape_cast %shift_right_arithmetic3A_521 : vector<16xi32> to vector<16xi32>
      tpu.vector_store %arg11[%swap3A_522], %swap3A_525 {strides = array<i32>} : memref<80xi32, #tpu.memory_space<vmem>>, vector<16xi32>,
      %mul3A_526 = arith.constant 80 : i32
      %mul3A_527 = arith.muli %add3A_483, %mul3A_526 : i32
      %add3A_528 = arith.constant 32 : i32
      %add3A_529 = arith.addi %mul3A_527, %add3A_528 : i32
      %get3A_530 = arith.index_cast %add3A_529 : i32 to index
      %get3A_531 = tpu.vector_load %arg8[%get3A_530] {strides = array<i32>} : memref<10000xi32, #tpu.memory_space<vmem>>, vector<16xi32>,
      %get3A_532 = vector.shape_cast %get3A_531 : vector<16xi32> to vector<16xi32>
      %and3A_533 = arith.constant 65535 : i32
      %and3A_534 = vector.broadcast %and3A_533 : i32 to vector<16xi32>
      %and3A_535 = arith.andi %get3A_532, %and3A_534 : vector<16xi32>
      %swap3A_536 = arith.constant 32 : index
      %swap3A_537 = tpu.vector_load %arg9[%swap3A_536] {strides = array<i32>} : memref<80xi32, #tpu.memory_space<vmem>>, vector<16xi32>,
      %swap3A_538 = vector.shape_cast %swap3A_537 : vector<16xi32> to vector<16xi32>
      %swap3A_539 = vector.shape_cast %and3A_535 : vector<16xi32> to vector<16xi32>
      tpu.vector_store %arg9[%swap3A_536], %swap3A_539 {strides = array<i32>} : memref<80xi32, #tpu.memory_space<vmem>>, vector<16xi32>,
      %shift_right_arithmetic3A_540 = arith.constant 16 : i32
      %shift_right_arithmetic3A_541 = vector.broadcast %shift_right_arithmetic3A_540 : i32 to vector<16xi32>
      %shift_right_arithmetic3A_542 = arith.shrsi %get3A_532, %shift_right_arithmetic3A_541 : vector<16xi32>
      %swap3A_543 = arith.constant 32 : index
      %swap3A_544 = tpu.vector_load %arg11[%swap3A_543] {strides = array<i32>} : memref<80xi32, #tpu.memory_space<vmem>>, vector<16xi32>,
      %swap3A_545 = vector.shape_cast %swap3A_544 : vector<16xi32> to vector<16xi32>
      %swap3A_546 = vector.shape_cast %shift_right_arithmetic3A_542 : vector<16xi32> to vector<16xi32>
      tpu.vector_store %arg11[%swap3A_543], %swap3A_546 {strides = array<i32>} : memref<80xi32, #tpu.memory_space<vmem>>, vector<16xi32>,
      %mul3A_547 = arith.constant 80 : i32
      %mul3A_548 = arith.muli %add3A_483, %mul3A_547 : i32
      %add3A_549 = arith.constant 48 : i32
      %add3A_550 = arith.addi %mul3A_548, %add3A_549 : i32
      %get3A_551 = arith.index_cast %add3A_550 : i32 to index
      %get3A_552 = tpu.vector_load %arg8[%get3A_551] {strides = array<i32>} : memref<10000xi32, #tpu.memory_space<vmem>>, vector<16xi32>,
      %get3A_553 = vector.shape_cast %get3A_552 : vector<16xi32> to vector<16xi32>
      %and3A_554 = arith.constant 65535 : i32
      %and3A_555 = vector.broadcast %and3A_554 : i32 to vector<16xi32>
      %and3A_556 = arith.andi %get3A_553, %and3A_555 : vector<16xi32>
      %swap3A_557 = arith.constant 48 : index
      %swap3A_558 = tpu.vector_load %arg9[%swap3A_557] {strides = array<i32>} : memref<80xi32, #tpu.memory_space<vmem>>, vector<16xi32>,
      %swap3A_559 = vector.shape_cast %swap3A_558 : vector<16xi32> to vector<16xi32>
      %swap3A_560 = vector.shape_cast %and3A_556 : vector<16xi32> to vector<16xi32>
      tpu.vector_store %arg9[%swap3A_557], %swap3A_560 {strides = array<i32>} : memref<80xi32, #tpu.memory_space<vmem>>, vector<16xi32>,
      %shift_right_arithmetic3A_561 = arith.constant 16 : i32
      %shift_right_arithmetic3A_562 = vector.broadcast %shift_right_arithmetic3A_561 : i32 to vector<16xi32>
      %shift_right_arithmetic3A_563 = arith.shrsi %get3A_553, %shift_right_arithmetic3A_562 : vector<16xi32>
      %swap3A_564 = arith.constant 48 : index
      %swap3A_565 = tpu.vector_load %arg11[%swap3A_564] {strides = array<i32>} : memref<80xi32, #tpu.memory_space<vmem>>, vector<16xi32>,
      %swap3A_566 = vector.shape_cast %swap3A_565 : vector<16xi32> to vector<16xi32>
      %swap3A_567 = vector.shape_cast %shift_right_arithmetic3A_563 : vector<16xi32> to vector<16xi32>
      tpu.vector_store %arg11[%swap3A_564], %swap3A_567 {strides = array<i32>} : memref<80xi32, #tpu.memory_space<vmem>>, vector<16xi32>,
      %mul3A_568 = arith.constant 80 : i32
      %mul3A_569 = arith.muli %add3A_483, %mul3A_568 : i32
      %add3A_570 = arith.constant 64 : i32
      %add3A_571 = arith.addi %mul3A_569, %add3A_570 : i32
      %get3A_572 = arith.index_cast %add3A_571 : i32 to index
      %get3A_573 = tpu.vector_load %arg8[%get3A_572] {strides = array<i32>} : memref<10000xi32, #tpu.memory_space<vmem>>, vector<16xi32>,
      %get3A_574 = vector.shape_cast %get3A_573 : vector<16xi32> to vector<16xi32>
      %and3A_575 = arith.constant 65535 : i32
      %and3A_576 = vector.broadcast %and3A_575 : i32 to vector<16xi32>
      %and3A_577 = arith.andi %get3A_574, %and3A_576 : vector<16xi32>
      %swap3A_578 = arith.constant 64 : index
      %swap3A_579 = tpu.vector_load %arg9[%swap3A_578] {strides = array<i32>} : memref<80xi32, #tpu.memory_space<vmem>>, vector<16xi32>,
      %swap3A_580 = vector.shape_cast %swap3A_579 : vector<16xi32> to vector<16xi32>
      %swap3A_581 = vector.shape_cast %and3A_577 : vector<16xi32> to vector<16xi32>
      tpu.vector_store %arg9[%swap3A_578], %swap3A_581 {strides = array<i32>} : memref<80xi32, #tpu.memory_space<vmem>>, vector<16xi32>,
      %shift_right_arithmetic3A_582 = arith.constant 16 : i32
      %shift_right_arithmetic3A_583 = vector.broadcast %shift_right_arithmetic3A_582 : i32 to vector<16xi32>
      %shift_right_arithmetic3A_584 = arith.shrsi %get3A_574, %shift_right_arithmetic3A_583 : vector<16xi32>
      %swap3A_585 = arith.constant 64 : index
      %swap3A_586 = tpu.vector_load %arg11[%swap3A_585] {strides = array<i32>} : memref<80xi32, #tpu.memory_space<vmem>>, vector<16xi32>,
      %swap3A_587 = vector.shape_cast %swap3A_586 : vector<16xi32> to vector<16xi32>
      %swap3A_588 = vector.shape_cast %shift_right_arithmetic3A_584 : vector<16xi32> to vector<16xi32>
      tpu.vector_store %arg11[%swap3A_585], %swap3A_588 {strides = array<i32>} : memref<80xi32, #tpu.memory_space<vmem>>, vector<16xi32>,
      %dma_start3A_589 = arith.constant 0 : i32
      %dma_start3A_590 = arith.constant 0 : i32
      %dma_start3A_591 = tpu.memref_slice %arg2[%dma_start3A_589, %dma_start3A_590] : memref<10000x128xf32, #tpu.memory_space<hbm>> -> memref<10000x128xf32, #tpu.memory_space<hbm>>
      tpu.enqueue_indirect_dma source(%dma_start3A_591 : memref<10000x128xf32, #tpu.memory_space<hbm>>) target(%arg13 : memref<80x128xf32, #tpu.memory_space<vmem>>) offsets(%arg9 : memref<80xi32, #tpu.memory_space<vmem>>) semaphore(%arg19 : memref<!tpu.dma_semaphore, #tpu.memory_space<semaphore_mem>>)
      %dma_wait3A_592 = arith.constant 0 : i32
      %dma_wait3A_593 = arith.constant 0 : i32
      %dma_wait3A_594 = tpu.memref_slice %arg2[%dma_wait3A_592, %dma_wait3A_593] : memref<10000x128xf32, #tpu.memory_space<hbm>> -> memref<10000x128xf32, #tpu.memory_space<hbm>>
      tpu.wait_indirect_dma semaphore(%arg20 : memref<!tpu.dma_semaphore, #tpu.memory_space<semaphore_mem>>) src(%dma_wait3A_594 : memref<10000x128xf32, #tpu.memory_space<hbm>>) dst(%arg14 : memref<80x128xf32, #tpu.memory_space<vmem>>)
      %dma_start3A_595 = arith.constant 0 : i32
      %dma_start3A_596 = arith.constant 0 : i32
      %dma_start3A_597 = tpu.memref_slice %arg17[%dma_start3A_595, %dma_start3A_596] : memref<10240x128xf32, #tpu.memory_space<vmem_shared>> -> memref<10240x128xf32, #tpu.memory_space<vmem_shared>>
      tpu.enqueue_indirect_dma source(%arg14 : memref<80x128xf32, #tpu.memory_space<vmem>>) target(%dma_start3A_597 : memref<10240x128xf32, #tpu.memory_space<vmem_shared>>) offsets(%arg12 : memref<80xi32, #tpu.memory_space<vmem>>) semaphore(%arg22 : memref<!tpu.dma_semaphore, #tpu.memory_space<semaphore_mem>>) {add = true}
      %dma_start3A_598 = arith.constant 0 : i32
      %dma_start3A_599 = tpu.memref_slice %arg18[%dma_start3A_598] : memref<10240xf32, #tpu.memory_space<vmem_shared>> -> memref<10240xf32, #tpu.memory_space<vmem_shared>>
      tpu.enqueue_indirect_dma source(%arg15 : memref<80xf32, #tpu.memory_space<vmem>>) target(%dma_start3A_599 : memref<10240xf32, #tpu.memory_space<vmem_shared>>) offsets(%arg12 : memref<80xi32, #tpu.memory_space<vmem>>) semaphore(%arg22 : memref<!tpu.dma_semaphore, #tpu.memory_space<semaphore_mem>>) {add = true}
      %dma_wait3A_600 = arith.constant 0 : i32
      %dma_wait3A_601 = arith.constant 0 : i32
      %dma_wait3A_602 = tpu.memref_slice %arg17[%dma_wait3A_600, %dma_wait3A_601] : memref<10240x128xf32, #tpu.memory_space<vmem_shared>> -> memref<10240x128xf32, #tpu.memory_space<vmem_shared>>
      tpu.wait_indirect_dma semaphore(%arg22 : memref<!tpu.dma_semaphore, #tpu.memory_space<semaphore_mem>>) src(%arg14 : memref<80x128xf32, #tpu.memory_space<vmem>>) dst(%dma_wait3A_602 : memref<10240x128xf32, #tpu.memory_space<vmem_shared>>)
      %dma_wait3A_603 = arith.constant 0 : i32
      %dma_wait3A_604 = tpu.memref_slice %arg18[%dma_wait3A_603] : memref<10240xf32, #tpu.memory_space<vmem_shared>> -> memref<10240xf32, #tpu.memory_space<vmem_shared>>
      tpu.wait_indirect_dma semaphore(%arg22 : memref<!tpu.dma_semaphore, #tpu.memory_space<semaphore_mem>>) src(%arg15 : memref<80xf32, #tpu.memory_space<vmem>>) dst(%dma_wait3A_604 : memref<10240xf32, #tpu.memory_space<vmem_shared>>)
      %add3A_605 = arith.constant 2 : i32
      %add3A_606 = arith.addi %add3A_476, %add3A_605 : i32
      %mul3A_607 = arith.constant 80 : i32
      %mul3A_608 = arith.muli %add3A_606, %mul3A_607 : i32
      %add3A_609 = arith.constant 0 : i32
      %add3A_610 = arith.addi %mul3A_608, %add3A_609 : i32
      %get3A_611 = arith.index_cast %add3A_610 : i32 to index
      %get3A_612 = tpu.vector_load %arg8[%get3A_611] {strides = array<i32>} : memref<10000xi32, #tpu.memory_space<vmem>>, vector<16xi32>,
      %get3A_613 = vector.shape_cast %get3A_612 : vector<16xi32> to vector<16xi32>
      %and3A_614 = arith.constant 65535 : i32
      %and3A_615 = vector.broadcast %and3A_614 : i32 to vector<16xi32>
      %and3A_616 = arith.andi %get3A_613, %and3A_615 : vector<16xi32>
      %swap3A_617 = arith.constant 0 : index
      %swap3A_618 = tpu.vector_load %arg10[%swap3A_617] {strides = array<i32>} : memref<80xi32, #tpu.memory_space<vmem>>, vector<16xi32>,
      %swap3A_619 = vector.shape_cast %swap3A_618 : vector<16xi32> to vector<16xi32>
      %swap3A_620 = vector.shape_cast %and3A_616 : vector<16xi32> to vector<16xi32>
      tpu.vector_store %arg10[%swap3A_617], %swap3A_620 {strides = array<i32>} : memref<80xi32, #tpu.memory_space<vmem>>, vector<16xi32>,
      %shift_right_arithmetic3A_621 = arith.constant 16 : i32
      %shift_right_arithmetic3A_622 = vector.broadcast %shift_right_arithmetic3A_621 : i32 to vector<16xi32>
      %shift_right_arithmetic3A_623 = arith.shrsi %get3A_613, %shift_right_arithmetic3A_622 : vector<16xi32>
      %swap3A_624 = arith.constant 0 : index
      %swap3A_625 = tpu.vector_load %arg12[%swap3A_624] {strides = array<i32>} : memref<80xi32, #tpu.memory_space<vmem>>, vector<16xi32>,
      %swap3A_626 = vector.shape_cast %swap3A_625 : vector<16xi32> to vector<16xi32>
      %swap3A_627 = vector.shape_cast %shift_right_arithmetic3A_623 : vector<16xi32> to vector<16xi32>
      tpu.vector_store %arg12[%swap3A_624], %swap3A_627 {strides = array<i32>} : memref<80xi32, #tpu.memory_space<vmem>>, vector<16xi32>,
      %mul3A_628 = arith.constant 80 : i32
      %mul3A_629 = arith.muli %add3A_606, %mul3A_628 : i32
      %add3A_630 = arith.constant 16 : i32
      %add3A_631 = arith.addi %mul3A_629, %add3A_630 : i32
      %get3A_632 = arith.index_cast %add3A_631 : i32 to index
      %get3A_633 = tpu.vector_load %arg8[%get3A_632] {strides = array<i32>} : memref<10000xi32, #tpu.memory_space<vmem>>, vector<16xi32>,
      %get3A_634 = vector.shape_cast %get3A_633 : vector<16xi32> to vector<16xi32>
      %and3A_635 = arith.constant 65535 : i32
      %and3A_636 = vector.broadcast %and3A_635 : i32 to vector<16xi32>
      %and3A_637 = arith.andi %get3A_634, %and3A_636 : vector<16xi32>
      %swap3A_638 = arith.constant 16 : index
      %swap3A_639 = tpu.vector_load %arg10[%swap3A_638] {strides = array<i32>} : memref<80xi32, #tpu.memory_space<vmem>>, vector<16xi32>,
      %swap3A_640 = vector.shape_cast %swap3A_639 : vector<16xi32> to vector<16xi32>
      %swap3A_641 = vector.shape_cast %and3A_637 : vector<16xi32> to vector<16xi32>
      tpu.vector_store %arg10[%swap3A_638], %swap3A_641 {strides = array<i32>} : memref<80xi32, #tpu.memory_space<vmem>>, vector<16xi32>,
      %shift_right_arithmetic3A_642 = arith.constant 16 : i32
      %shift_right_arithmetic3A_643 = vector.broadcast %shift_right_arithmetic3A_642 : i32 to vector<16xi32>
      %shift_right_arithmetic3A_644 = arith.shrsi %get3A_634, %shift_right_arithmetic3A_643 : vector<16xi32>
      %swap3A_645 = arith.constant 16 : index
      %swap3A_646 = tpu.vector_load %arg12[%swap3A_645] {strides = array<i32>} : memref<80xi32, #tpu.memory_space<vmem>>, vector<16xi32>,
      %swap3A_647 = vector.shape_cast %swap3A_646 : vector<16xi32> to vector<16xi32>
      %swap3A_648 = vector.shape_cast %shift_right_arithmetic3A_644 : vector<16xi32> to vector<16xi32>
      tpu.vector_store %arg12[%swap3A_645], %swap3A_648 {strides = array<i32>} : memref<80xi32, #tpu.memory_space<vmem>>, vector<16xi32>,
      %mul3A_649 = arith.constant 80 : i32
      %mul3A_650 = arith.muli %add3A_606, %mul3A_649 : i32
      %add3A_651 = arith.constant 32 : i32
      %add3A_652 = arith.addi %mul3A_650, %add3A_651 : i32
      %get3A_653 = arith.index_cast %add3A_652 : i32 to index
      %get3A_654 = tpu.vector_load %arg8[%get3A_653] {strides = array<i32>} : memref<10000xi32, #tpu.memory_space<vmem>>, vector<16xi32>,
      %get3A_655 = vector.shape_cast %get3A_654 : vector<16xi32> to vector<16xi32>
      %and3A_656 = arith.constant 65535 : i32
      %and3A_657 = vector.broadcast %and3A_656 : i32 to vector<16xi32>
      %and3A_658 = arith.andi %get3A_655, %and3A_657 : vector<16xi32>
      %swap3A_659 = arith.constant 32 : index
      %swap3A_660 = tpu.vector_load %arg10[%swap3A_659] {strides = array<i32>} : memref<80xi32, #tpu.memory_space<vmem>>, vector<16xi32>,
      %swap3A_661 = vector.shape_cast %swap3A_660 : vector<16xi32> to vector<16xi32>
      %swap3A_662 = vector.shape_cast %and3A_658 : vector<16xi32> to vector<16xi32>
      tpu.vector_store %arg10[%swap3A_659], %swap3A_662 {strides = array<i32>} : memref<80xi32, #tpu.memory_space<vmem>>, vector<16xi32>,
      %shift_right_arithmetic3A_663 = arith.constant 16 : i32
      %shift_right_arithmetic3A_664 = vector.broadcast %shift_right_arithmetic3A_663 : i32 to vector<16xi32>
      %shift_right_arithmetic3A_665 = arith.shrsi %get3A_655, %shift_right_arithmetic3A_664 : vector<16xi32>
      %swap3A_666 = arith.constant 32 : index
      %swap3A_667 = tpu.vector_load %arg12[%swap3A_666] {strides = array<i32>} : memref<80xi32, #tpu.memory_space<vmem>>, vector<16xi32>,
      %swap3A_668 = vector.shape_cast %swap3A_667 : vector<16xi32> to vector<16xi32>
      %swap3A_669 = vector.shape_cast %shift_right_arithmetic3A_665 : vector<16xi32> to vector<16xi32>
      tpu.vector_store %arg12[%swap3A_666], %swap3A_669 {strides = array<i32>} : memref<80xi32, #tpu.memory_space<vmem>>, vector<16xi32>,
      %mul3A_670 = arith.constant 80 : i32
      %mul3A_671 = arith.muli %add3A_606, %mul3A_670 : i32
      %add3A_672 = arith.constant 48 : i32
      %add3A_673 = arith.addi %mul3A_671, %add3A_672 : i32
      %get3A_674 = arith.index_cast %add3A_673 : i32 to index
      %get3A_675 = tpu.vector_load %arg8[%get3A_674] {strides = array<i32>} : memref<10000xi32, #tpu.memory_space<vmem>>, vector<16xi32>,
      %get3A_676 = vector.shape_cast %get3A_675 : vector<16xi32> to vector<16xi32>
      %and3A_677 = arith.constant 65535 : i32
      %and3A_678 = vector.broadcast %and3A_677 : i32 to vector<16xi32>
      %and3A_679 = arith.andi %get3A_676, %and3A_678 : vector<16xi32>
      %swap3A_680 = arith.constant 48 : index
      %swap3A_681 = tpu.vector_load %arg10[%swap3A_680] {strides = array<i32>} : memref<80xi32, #tpu.memory_space<vmem>>, vector<16xi32>,
      %swap3A_682 = vector.shape_cast %swap3A_681 : vector<16xi32> to vector<16xi32>
      %swap3A_683 = vector.shape_cast %and3A_679 : vector<16xi32> to vector<16xi32>
      tpu.vector_store %arg10[%swap3A_680], %swap3A_683 {strides = array<i32>} : memref<80xi32, #tpu.memory_space<vmem>>, vector<16xi32>,
      %shift_right_arithmetic3A_684 = arith.constant 16 : i32
      %shift_right_arithmetic3A_685 = vector.broadcast %shift_right_arithmetic3A_684 : i32 to vector<16xi32>
      %shift_right_arithmetic3A_686 = arith.shrsi %get3A_676, %shift_right_arithmetic3A_685 : vector<16xi32>
      %swap3A_687 = arith.constant 48 : index
      %swap3A_688 = tpu.vector_load %arg12[%swap3A_687] {strides = array<i32>} : memref<80xi32, #tpu.memory_space<vmem>>, vector<16xi32>,
      %swap3A_689 = vector.shape_cast %swap3A_688 : vector<16xi32> to vector<16xi32>
      %swap3A_690 = vector.shape_cast %shift_right_arithmetic3A_686 : vector<16xi32> to vector<16xi32>
      tpu.vector_store %arg12[%swap3A_687], %swap3A_690 {strides = array<i32>} : memref<80xi32, #tpu.memory_space<vmem>>, vector<16xi32>,
      %mul3A_691 = arith.constant 80 : i32
      %mul3A_692 = arith.muli %add3A_606, %mul3A_691 : i32
      %add3A_693 = arith.constant 64 : i32
      %add3A_694 = arith.addi %mul3A_692, %add3A_693 : i32
      %get3A_695 = arith.index_cast %add3A_694 : i32 to index
      %get3A_696 = tpu.vector_load %arg8[%get3A_695] {strides = array<i32>} : memref<10000xi32, #tpu.memory_space<vmem>>, vector<16xi32>,
      %get3A_697 = vector.shape_cast %get3A_696 : vector<16xi32> to vector<16xi32>
      %and3A_698 = arith.constant 65535 : i32
      %and3A_699 = vector.broadcast %and3A_698 : i32 to vector<16xi32>
      %and3A_700 = arith.andi %get3A_697, %and3A_699 : vector<16xi32>
      %swap3A_701 = arith.constant 64 : index
      %swap3A_702 = tpu.vector_load %arg10[%swap3A_701] {strides = array<i32>} : memref<80xi32, #tpu.memory_space<vmem>>, vector<16xi32>,
      %swap3A_703 = vector.shape_cast %swap3A_702 : vector<16xi32> to vector<16xi32>
      %swap3A_704 = vector.shape_cast %and3A_700 : vector<16xi32> to vector<16xi32>
      tpu.vector_store %arg10[%swap3A_701], %swap3A_704 {strides = array<i32>} : memref<80xi32, #tpu.memory_space<vmem>>, vector<16xi32>,
      %shift_right_arithmetic3A_705 = arith.constant 16 : i32
      %shift_right_arithmetic3A_706 = vector.broadcast %shift_right_arithmetic3A_705 : i32 to vector<16xi32>
      %shift_right_arithmetic3A_707 = arith.shrsi %get3A_697, %shift_right_arithmetic3A_706 : vector<16xi32>
      %swap3A_708 = arith.constant 64 : index
      %swap3A_709 = tpu.vector_load %arg12[%swap3A_708] {strides = array<i32>} : memref<80xi32, #tpu.memory_space<vmem>>, vector<16xi32>,
      %swap3A_710 = vector.shape_cast %swap3A_709 : vector<16xi32> to vector<16xi32>
      %swap3A_711 = vector.shape_cast %shift_right_arithmetic3A_707 : vector<16xi32> to vector<16xi32>
      tpu.vector_store %arg12[%swap3A_708], %swap3A_711 {strides = array<i32>} : memref<80xi32, #tpu.memory_space<vmem>>, vector<16xi32>,
      %dma_start3A_712 = arith.constant 0 : i32
      %dma_start3A_713 = arith.constant 0 : i32
      %dma_start3A_714 = tpu.memref_slice %arg2[%dma_start3A_712, %dma_start3A_713] : memref<10000x128xf32, #tpu.memory_space<hbm>> -> memref<10000x128xf32, #tpu.memory_space<hbm>>
      tpu.enqueue_indirect_dma source(%dma_start3A_714 : memref<10000x128xf32, #tpu.memory_space<hbm>>) target(%arg14 : memref<80x128xf32, #tpu.memory_space<vmem>>) offsets(%arg10 : memref<80xi32, #tpu.memory_space<vmem>>) semaphore(%arg20 : memref<!tpu.dma_semaphore, #tpu.memory_space<semaphore_mem>>)
      %dma_wait3A_715 = arith.constant 0 : i32
      %dma_wait3A_716 = arith.constant 0 : i32
      %dma_wait3A_717 = tpu.memref_slice %arg2[%dma_wait3A_715, %dma_wait3A_716] : memref<10000x128xf32, #tpu.memory_space<hbm>> -> memref<10000x128xf32, #tpu.memory_space<hbm>>
      tpu.wait_indirect_dma semaphore(%arg19 : memref<!tpu.dma_semaphore, #tpu.memory_space<semaphore_mem>>) src(%dma_wait3A_717 : memref<10000x128xf32, #tpu.memory_space<hbm>>) dst(%arg13 : memref<80x128xf32, #tpu.memory_space<vmem>>)
      %dma_start3A_718 = arith.constant 0 : i32
      %dma_start3A_719 = arith.constant 0 : i32
      %dma_start3A_720 = tpu.memref_slice %arg17[%dma_start3A_718, %dma_start3A_719] : memref<10240x128xf32, #tpu.memory_space<vmem_shared>> -> memref<10240x128xf32, #tpu.memory_space<vmem_shared>>
      tpu.enqueue_indirect_dma source(%arg13 : memref<80x128xf32, #tpu.memory_space<vmem>>) target(%dma_start3A_720 : memref<10240x128xf32, #tpu.memory_space<vmem_shared>>) offsets(%arg11 : memref<80xi32, #tpu.memory_space<vmem>>) semaphore(%arg21 : memref<!tpu.dma_semaphore, #tpu.memory_space<semaphore_mem>>) {add = true}
      %dma_start3A_721 = arith.constant 0 : i32
      %dma_start3A_722 = tpu.memref_slice %arg18[%dma_start3A_721] : memref<10240xf32, #tpu.memory_space<vmem_shared>> -> memref<10240xf32, #tpu.memory_space<vmem_shared>>
      tpu.enqueue_indirect_dma source(%arg15 : memref<80xf32, #tpu.memory_space<vmem>>) target(%dma_start3A_722 : memref<10240xf32, #tpu.memory_space<vmem_shared>>) offsets(%arg11 : memref<80xi32, #tpu.memory_space<vmem>>) semaphore(%arg21 : memref<!tpu.dma_semaphore, #tpu.memory_space<semaphore_mem>>) {add = true}
    }
    %scan3A_338 = arith.constant 61 : i32
    %dma_wait3A_339 = arith.constant 0 : i32
    %dma_wait3A_340 = arith.constant 0 : i32
    %dma_wait3A_341 = tpu.memref_slice %arg17[%dma_wait3A_339, %dma_wait3A_340] : memref<10240x128xf32, #tpu.memory_space<vmem_shared>> -> memref<10240x128xf32, #tpu.memory_space<vmem_shared>>
    tpu.wait_indirect_dma semaphore(%arg21 : memref<!tpu.dma_semaphore, #tpu.memory_space<semaphore_mem>>) src(%arg13 : memref<80x128xf32, #tpu.memory_space<vmem>>) dst(%dma_wait3A_341 : memref<10240x128xf32, #tpu.memory_space<vmem_shared>>)
    %dma_wait3A_342 = arith.constant 0 : i32
    %dma_wait3A_343 = tpu.memref_slice %arg18[%dma_wait3A_342] : memref<10240xf32, #tpu.memory_space<vmem_shared>> -> memref<10240xf32, #tpu.memory_space<vmem_shared>>
    tpu.wait_indirect_dma semaphore(%arg21 : memref<!tpu.dma_semaphore, #tpu.memory_space<semaphore_mem>>) src(%arg15 : memref<80xf32, #tpu.memory_space<vmem>>) dst(%dma_wait3A_343 : memref<10240xf32, #tpu.memory_space<vmem_shared>>)
    %get3A_344 = arith.constant 9920 : index
    %get3A_345 = tpu.vector_load %arg8[%get3A_344] {strides = array<i32>} : memref<10000xi32, #tpu.memory_space<vmem>>, vector<16xi32>,
    %get3A_346 = vector.shape_cast %get3A_345 : vector<16xi32> to vector<16xi32>
    %and3A_347 = arith.constant 65535 : i32
    %and3A_348 = vector.broadcast %and3A_347 : i32 to vector<16xi32>
    %and3A_349 = arith.andi %get3A_346, %and3A_348 : vector<16xi32>
    %swap3A_350 = arith.constant 0 : index
    %swap3A_351 = tpu.vector_load %arg9[%swap3A_350] {strides = array<i32>} : memref<80xi32, #tpu.memory_space<vmem>>, vector<16xi32>,
    %swap3A_352 = vector.shape_cast %swap3A_351 : vector<16xi32> to vector<16xi32>
    %swap3A_353 = vector.shape_cast %and3A_349 : vector<16xi32> to vector<16xi32>
    tpu.vector_store %arg9[%swap3A_350], %swap3A_353 {strides = array<i32>} : memref<80xi32, #tpu.memory_space<vmem>>, vector<16xi32>,
    %shift_right_arithmetic3A_354 = arith.constant 16 : i32
    %shift_right_arithmetic3A_355 = vector.broadcast %shift_right_arithmetic3A_354 : i32 to vector<16xi32>
    %shift_right_arithmetic3A_356 = arith.shrsi %get3A_346, %shift_right_arithmetic3A_355 : vector<16xi32>
    %swap3A_357 = arith.constant 0 : index
    %swap3A_358 = tpu.vector_load %arg11[%swap3A_357] {strides = array<i32>} : memref<80xi32, #tpu.memory_space<vmem>>, vector<16xi32>,
    %swap3A_359 = vector.shape_cast %swap3A_358 : vector<16xi32> to vector<16xi32>
    %swap3A_360 = vector.shape_cast %shift_right_arithmetic3A_356 : vector<16xi32> to vector<16xi32>
    tpu.vector_store %arg11[%swap3A_357], %swap3A_360 {strides = array<i32>} : memref<80xi32, #tpu.memory_space<vmem>>, vector<16xi32>,
    %get3A_361 = arith.constant 9936 : index
    %get3A_362 = tpu.vector_load %arg8[%get3A_361] {strides = array<i32>} : memref<10000xi32, #tpu.memory_space<vmem>>, vector<16xi32>,
    %get3A_363 = vector.shape_cast %get3A_362 : vector<16xi32> to vector<16xi32>
    %and3A_364 = arith.constant 65535 : i32
    %and3A_365 = vector.broadcast %and3A_364 : i32 to vector<16xi32>
    %and3A_366 = arith.andi %get3A_363, %and3A_365 : vector<16xi32>
    %swap3A_367 = arith.constant 16 : index
    %swap3A_368 = tpu.vector_load %arg9[%swap3A_367] {strides = array<i32>} : memref<80xi32, #tpu.memory_space<vmem>>, vector<16xi32>,
    %swap3A_369 = vector.shape_cast %swap3A_368 : vector<16xi32> to vector<16xi32>
    %swap3A_370 = vector.shape_cast %and3A_366 : vector<16xi32> to vector<16xi32>
    tpu.vector_store %arg9[%swap3A_367], %swap3A_370 {strides = array<i32>} : memref<80xi32, #tpu.memory_space<vmem>>, vector<16xi32>,
    %shift_right_arithmetic3A_371 = arith.constant 16 : i32
    %shift_right_arithmetic3A_372 = vector.broadcast %shift_right_arithmetic3A_371 : i32 to vector<16xi32>
    %shift_right_arithmetic3A_373 = arith.shrsi %get3A_363, %shift_right_arithmetic3A_372 : vector<16xi32>
    %swap3A_374 = arith.constant 16 : index
    %swap3A_375 = tpu.vector_load %arg11[%swap3A_374] {strides = array<i32>} : memref<80xi32, #tpu.memory_space<vmem>>, vector<16xi32>,
    %swap3A_376 = vector.shape_cast %swap3A_375 : vector<16xi32> to vector<16xi32>
    %swap3A_377 = vector.shape_cast %shift_right_arithmetic3A_373 : vector<16xi32> to vector<16xi32>
    tpu.vector_store %arg11[%swap3A_374], %swap3A_377 {strides = array<i32>} : memref<80xi32, #tpu.memory_space<vmem>>, vector<16xi32>,
    %get3A_378 = arith.constant 9952 : index
    %get3A_379 = tpu.vector_load %arg8[%get3A_378] {strides = array<i32>} : memref<10000xi32, #tpu.memory_space<vmem>>, vector<16xi32>,
    %get3A_380 = vector.shape_cast %get3A_379 : vector<16xi32> to vector<16xi32>
    %and3A_381 = arith.constant 65535 : i32
    %and3A_382 = vector.broadcast %and3A_381 : i32 to vector<16xi32>
    %and3A_383 = arith.andi %get3A_380, %and3A_382 : vector<16xi32>
    %swap3A_384 = arith.constant 32 : index
    %swap3A_385 = tpu.vector_load %arg9[%swap3A_384] {strides = array<i32>} : memref<80xi32, #tpu.memory_space<vmem>>, vector<16xi32>,
    %swap3A_386 = vector.shape_cast %swap3A_385 : vector<16xi32> to vector<16xi32>
    %swap3A_387 = vector.shape_cast %and3A_383 : vector<16xi32> to vector<16xi32>
    tpu.vector_store %arg9[%swap3A_384], %swap3A_387 {strides = array<i32>} : memref<80xi32, #tpu.memory_space<vmem>>, vector<16xi32>,
    %shift_right_arithmetic3A_388 = arith.constant 16 : i32
    %shift_right_arithmetic3A_389 = vector.broadcast %shift_right_arithmetic3A_388 : i32 to vector<16xi32>
    %shift_right_arithmetic3A_390 = arith.shrsi %get3A_380, %shift_right_arithmetic3A_389 : vector<16xi32>
    %swap3A_391 = arith.constant 32 : index
    %swap3A_392 = tpu.vector_load %arg11[%swap3A_391] {strides = array<i32>} : memref<80xi32, #tpu.memory_space<vmem>>, vector<16xi32>,
    %swap3A_393 = vector.shape_cast %swap3A_392 : vector<16xi32> to vector<16xi32>
    %swap3A_394 = vector.shape_cast %shift_right_arithmetic3A_390 : vector<16xi32> to vector<16xi32>
    tpu.vector_store %arg11[%swap3A_391], %swap3A_394 {strides = array<i32>} : memref<80xi32, #tpu.memory_space<vmem>>, vector<16xi32>,
    %get3A_395 = arith.constant 9968 : index
    %get3A_396 = tpu.vector_load %arg8[%get3A_395] {strides = array<i32>} : memref<10000xi32, #tpu.memory_space<vmem>>, vector<16xi32>,
    %get3A_397 = vector.shape_cast %get3A_396 : vector<16xi32> to vector<16xi32>
    %and3A_398 = arith.constant 65535 : i32
    %and3A_399 = vector.broadcast %and3A_398 : i32 to vector<16xi32>
    %and3A_400 = arith.andi %get3A_397, %and3A_399 : vector<16xi32>
    %swap3A_401 = arith.constant 48 : index
    %swap3A_402 = tpu.vector_load %arg9[%swap3A_401] {strides = array<i32>} : memref<80xi32, #tpu.memory_space<vmem>>, vector<16xi32>,
    %swap3A_403 = vector.shape_cast %swap3A_402 : vector<16xi32> to vector<16xi32>
    %swap3A_404 = vector.shape_cast %and3A_400 : vector<16xi32> to vector<16xi32>
    tpu.vector_store %arg9[%swap3A_401], %swap3A_404 {strides = array<i32>} : memref<80xi32, #tpu.memory_space<vmem>>, vector<16xi32>,
    %shift_right_arithmetic3A_405 = arith.constant 16 : i32
    %shift_right_arithmetic3A_406 = vector.broadcast %shift_right_arithmetic3A_405 : i32 to vector<16xi32>
    %shift_right_arithmetic3A_407 = arith.shrsi %get3A_397, %shift_right_arithmetic3A_406 : vector<16xi32>
    %swap3A_408 = arith.constant 48 : index
    %swap3A_409 = tpu.vector_load %arg11[%swap3A_408] {strides = array<i32>} : memref<80xi32, #tpu.memory_space<vmem>>, vector<16xi32>,
    %swap3A_410 = vector.shape_cast %swap3A_409 : vector<16xi32> to vector<16xi32>
    %swap3A_411 = vector.shape_cast %shift_right_arithmetic3A_407 : vector<16xi32> to vector<16xi32>
    tpu.vector_store %arg11[%swap3A_408], %swap3A_411 {strides = array<i32>} : memref<80xi32, #tpu.memory_space<vmem>>, vector<16xi32>,
    %get3A_412 = arith.constant 9984 : index
    %get3A_413 = tpu.vector_load %arg8[%get3A_412] {strides = array<i32>} : memref<10000xi32, #tpu.memory_space<vmem>>, vector<16xi32>,
    %get3A_414 = vector.shape_cast %get3A_413 : vector<16xi32> to vector<16xi32>
    %and3A_415 = arith.constant 65535 : i32
    %and3A_416 = vector.broadcast %and3A_415 : i32 to vector<16xi32>
    %and3A_417 = arith.andi %get3A_414, %and3A_416 : vector<16xi32>
    %swap3A_418 = arith.constant 64 : index
    %swap3A_419 = tpu.vector_load %arg9[%swap3A_418] {strides = array<i32>} : memref<80xi32, #tpu.memory_space<vmem>>, vector<16xi32>,
    %swap3A_420 = vector.shape_cast %swap3A_419 : vector<16xi32> to vector<16xi32>
    %swap3A_421 = vector.shape_cast %and3A_417 : vector<16xi32> to vector<16xi32>
    tpu.vector_store %arg9[%swap3A_418], %swap3A_421 {strides = array<i32>} : memref<80xi32, #tpu.memory_space<vmem>>, vector<16xi32>,
    %shift_right_arithmetic3A_422 = arith.constant 16 : i32
    %shift_right_arithmetic3A_423 = vector.broadcast %shift_right_arithmetic3A_422 : i32 to vector<16xi32>
    %shift_right_arithmetic3A_424 = arith.shrsi %get3A_414, %shift_right_arithmetic3A_423 : vector<16xi32>
    %swap3A_425 = arith.constant 64 : index
    %swap3A_426 = tpu.vector_load %arg11[%swap3A_425] {strides = array<i32>} : memref<80xi32, #tpu.memory_space<vmem>>, vector<16xi32>,
    %swap3A_427 = vector.shape_cast %swap3A_426 : vector<16xi32> to vector<16xi32>
    %swap3A_428 = vector.shape_cast %shift_right_arithmetic3A_424 : vector<16xi32> to vector<16xi32>
    tpu.vector_store %arg11[%swap3A_425], %swap3A_428 {strides = array<i32>} : memref<80xi32, #tpu.memory_space<vmem>>, vector<16xi32>,
    %dma_start3A_429 = arith.constant 0 : i32
    %dma_start3A_430 = arith.constant 0 : i32
    %dma_start3A_431 = tpu.memref_slice %arg2[%dma_start3A_429, %dma_start3A_430] : memref<10000x128xf32, #tpu.memory_space<hbm>> -> memref<10000x128xf32, #tpu.memory_space<hbm>>
    tpu.enqueue_indirect_dma source(%dma_start3A_431 : memref<10000x128xf32, #tpu.memory_space<hbm>>) target(%arg13 : memref<80x128xf32, #tpu.memory_space<vmem>>) offsets(%arg9 : memref<80xi32, #tpu.memory_space<vmem>>) semaphore(%arg19 : memref<!tpu.dma_semaphore, #tpu.memory_space<semaphore_mem>>)
    %dma_wait3A_432 = arith.constant 0 : i32
    %dma_wait3A_433 = arith.constant 0 : i32
    %dma_wait3A_434 = tpu.memref_slice %arg2[%dma_wait3A_432, %dma_wait3A_433] : memref<10000x128xf32, #tpu.memory_space<hbm>> -> memref<10000x128xf32, #tpu.memory_space<hbm>>
    tpu.wait_indirect_dma semaphore(%arg20 : memref<!tpu.dma_semaphore, #tpu.memory_space<semaphore_mem>>) src(%dma_wait3A_434 : memref<10000x128xf32, #tpu.memory_space<hbm>>) dst(%arg14 : memref<80x128xf32, #tpu.memory_space<vmem>>)
    %dma_start3A_435 = arith.constant 0 : i32
    %dma_start3A_436 = arith.constant 0 : i32
    %dma_start3A_437 = tpu.memref_slice %arg17[%dma_start3A_435, %dma_start3A_436] : memref<10240x128xf32, #tpu.memory_space<vmem_shared>> -> memref<10240x128xf32, #tpu.memory_space<vmem_shared>>
    tpu.enqueue_indirect_dma source(%arg14 : memref<80x128xf32, #tpu.memory_space<vmem>>) target(%dma_start3A_437 : memref<10240x128xf32, #tpu.memory_space<vmem_shared>>) offsets(%arg12 : memref<80xi32, #tpu.memory_space<vmem>>) semaphore(%arg22 : memref<!tpu.dma_semaphore, #tpu.memory_space<semaphore_mem>>) {add = true}
    %dma_start3A_438 = arith.constant 0 : i32
    %dma_start3A_439 = tpu.memref_slice %arg18[%dma_start3A_438] : memref<10240xf32, #tpu.memory_space<vmem_shared>> -> memref<10240xf32, #tpu.memory_space<vmem_shared>>
    tpu.enqueue_indirect_dma source(%arg15 : memref<80xf32, #tpu.memory_space<vmem>>) target(%dma_start3A_439 : memref<10240xf32, #tpu.memory_space<vmem_shared>>) offsets(%arg12 : memref<80xi32, #tpu.memory_space<vmem>>) semaphore(%arg22 : memref<!tpu.dma_semaphore, #tpu.memory_space<semaphore_mem>>) {add = true}
    %dma_wait3A_440 = arith.constant 0 : i32
    %dma_wait3A_441 = arith.constant 0 : i32
    %dma_wait3A_442 = tpu.memref_slice %arg17[%dma_wait3A_440, %dma_wait3A_441] : memref<10240x128xf32, #tpu.memory_space<vmem_shared>> -> memref<10240x128xf32, #tpu.memory_space<vmem_shared>>
    tpu.wait_indirect_dma semaphore(%arg22 : memref<!tpu.dma_semaphore, #tpu.memory_space<semaphore_mem>>) src(%arg14 : memref<80x128xf32, #tpu.memory_space<vmem>>) dst(%dma_wait3A_442 : memref<10240x128xf32, #tpu.memory_space<vmem_shared>>)
    %dma_wait3A_443 = arith.constant 0 : i32
    %dma_wait3A_444 = tpu.memref_slice %arg18[%dma_wait3A_443] : memref<10240xf32, #tpu.memory_space<vmem_shared>> -> memref<10240xf32, #tpu.memory_space<vmem_shared>>
    tpu.wait_indirect_dma semaphore(%arg22 : memref<!tpu.dma_semaphore, #tpu.memory_space<semaphore_mem>>) src(%arg15 : memref<80xf32, #tpu.memory_space<vmem>>) dst(%dma_wait3A_444 : memref<10240xf32, #tpu.memory_space<vmem_shared>>)
    %dma_wait3A_445 = arith.constant 0 : i32
    %dma_wait3A_446 = arith.constant 0 : i32
    %dma_wait3A_447 = tpu.memref_slice %arg2[%dma_wait3A_445, %dma_wait3A_446] : memref<10000x128xf32, #tpu.memory_space<hbm>> -> memref<10000x128xf32, #tpu.memory_space<hbm>>
    tpu.wait_indirect_dma semaphore(%arg19 : memref<!tpu.dma_semaphore, #tpu.memory_space<semaphore_mem>>) src(%dma_wait3A_447 : memref<10000x128xf32, #tpu.memory_space<hbm>>) dst(%arg13 : memref<80x128xf32, #tpu.memory_space<vmem>>)
    %dma_start3A_448 = arith.constant 0 : i32
    %dma_start3A_449 = arith.constant 0 : i32
    %dma_start3A_450 = tpu.memref_slice %arg17[%dma_start3A_448, %dma_start3A_449] : memref<10240x128xf32, #tpu.memory_space<vmem_shared>> -> memref<10240x128xf32, #tpu.memory_space<vmem_shared>>
    tpu.enqueue_indirect_dma source(%arg13 : memref<80x128xf32, #tpu.memory_space<vmem>>) target(%dma_start3A_450 : memref<10240x128xf32, #tpu.memory_space<vmem_shared>>) offsets(%arg11 : memref<80xi32, #tpu.memory_space<vmem>>) semaphore(%arg21 : memref<!tpu.dma_semaphore, #tpu.memory_space<semaphore_mem>>) {add = true}
    %dma_start3A_451 = arith.constant 0 : i32
    %dma_start3A_452 = tpu.memref_slice %arg18[%dma_start3A_451] : memref<10240xf32, #tpu.memory_space<vmem_shared>> -> memref<10240xf32, #tpu.memory_space<vmem_shared>>
    tpu.enqueue_indirect_dma source(%arg15 : memref<80xf32, #tpu.memory_space<vmem>>) target(%dma_start3A_452 : memref<10240xf32, #tpu.memory_space<vmem_shared>>) offsets(%arg11 : memref<80xi32, #tpu.memory_space<vmem>>) semaphore(%arg21 : memref<!tpu.dma_semaphore, #tpu.memory_space<semaphore_mem>>) {add = true}
    %dma_wait3A_453 = arith.constant 0 : i32
    %dma_wait3A_454 = arith.constant 0 : i32
    %dma_wait3A_455 = tpu.memref_slice %arg17[%dma_wait3A_453, %dma_wait3A_454] : memref<10240x128xf32, #tpu.memory_space<vmem_shared>> -> memref<10240x128xf32, #tpu.memory_space<vmem_shared>>
    tpu.wait_indirect_dma semaphore(%arg21 : memref<!tpu.dma_semaphore, #tpu.memory_space<semaphore_mem>>) src(%arg13 : memref<80x128xf32, #tpu.memory_space<vmem>>) dst(%dma_wait3A_455 : memref<10240x128xf32, #tpu.memory_space<vmem_shared>>)
    %dma_wait3A_456 = arith.constant 0 : i32
    %dma_wait3A_457 = tpu.memref_slice %arg18[%dma_wait3A_456] : memref<10240xf32, #tpu.memory_space<vmem_shared>> -> memref<10240xf32, #tpu.memory_space<vmem_shared>>
    tpu.wait_indirect_dma semaphore(%arg21 : memref<!tpu.dma_semaphore, #tpu.memory_space<semaphore_mem>>) src(%arg15 : memref<80xf32, #tpu.memory_space<vmem>>) dst(%dma_wait3A_457 : memref<10240xf32, #tpu.memory_space<vmem_shared>>)
    %barrier3A_458 = arith.constant 0 : index
    tpu.barrier barrier_id(%barrier3A_458)
    %eq3A = arith.constant 0 : i32
    %eq3A_459 = arith.cmpi eq, %arg0, %eq3A : i32
    %convert_element_type3A_460 = arith.extui %eq3A_459 : i1 to i32
    %cond3A_461 = arith.constant 0 : i32
    %cond3A_462 = arith.cmpi ne, %convert_element_type3A_460, %cond3A_461 : i32
    scf.if %cond3A_462 {
      "tpu.region"() ({
        %run_scoped3A = tpu.sem_alloc : memref<!tpu.dma_semaphore, #tpu.memory_space<semaphore_mem>>
        %dma_start3A_473 = arith.constant 0 : i32
        %dma_start3A_474 = tpu.memref_slice %arg4[%mul3A_2, %dma_start3A_473] : memref<10240x128xf32, #tpu.memory_space<hbm>> -> memref<640x128xf32, #tpu.memory_space<hbm>>
        %dma_start3A_475 = arith.constant 0 : i32
        %dma_start3A_476 = tpu.memref_slice %arg17[%mul3A_2, %dma_start3A_475] : memref<10240x128xf32, #tpu.memory_space<vmem_shared>> -> memref<640x128xf32, #tpu.memory_space<vmem_shared>>
        tpu.enqueue_dma source(%dma_start3A_476 : memref<640x128xf32, #tpu.memory_space<vmem_shared>>) target(%dma_start3A_474 : memref<640x128xf32, #tpu.memory_space<hbm>>) target_semaphore(%run_scoped3A : memref<!tpu.dma_semaphore, #tpu.memory_space<semaphore_mem>>)
        %dma_wait3A_477 = arith.constant 0 : i32
        %dma_wait3A_478 = tpu.memref_slice %arg4[%mul3A_2, %dma_wait3A_477] : memref<10240x128xf32, #tpu.memory_space<hbm>> -> memref<640x128xf32, #tpu.memory_space<hbm>>
        %dma_wait3A_479 = arith.constant 0 : i32
        %dma_wait3A_480 = tpu.memref_slice %arg17[%mul3A_2, %dma_wait3A_479] : memref<10240x128xf32, #tpu.memory_space<vmem_shared>> -> memref<640x128xf32, #tpu.memory_space<vmem_shared>>
        tpu.wait_dma2 semaphore(%run_scoped3A : memref<!tpu.dma_semaphore, #tpu.memory_space<semaphore_mem>>) src(%dma_wait3A_480 : memref<640x128xf32, #tpu.memory_space<vmem_shared>>) dst(%dma_wait3A_478 : memref<640x128xf32, #tpu.memory_space<hbm>>)
        tpu.yield
      }) : () -> ()
      %lt3A_468 = arith.constant 10 : i32
      %lt3A_469 = arith.cmpi slt, %arg1, %lt3A_468 : i32
      %convert_element_type3A_470 = arith.extui %lt3A_469 : i1 to i32
      %cond3A_471 = arith.constant 0 : i32
      %cond3A_472 = arith.cmpi ne, %convert_element_type3A_470, %cond3A_471 : i32
      scf.if %cond3A_472 {
        %mul3A_473 = arith.constant 1024 : i32
        %mul3A_474 = arith.muli %arg1, %mul3A_473 : i32
        %mul3A_475 = arith.constant 1024 : i32
        %mul3A_476 = arith.muli %arg1, %mul3A_475 : i32
        "tpu.region"() ({
          %run_scoped3A = tpu.sem_alloc : memref<!tpu.dma_semaphore, #tpu.memory_space<semaphore_mem>>
          %dma_start3A_477 = tpu.memref_slice %arg6[%mul3A_476] : memref<10240xf32, #tpu.memory_space<hbm>> -> memref<1024xf32, #tpu.memory_space<hbm>>
          %dma_start3A_478 = tpu.memref_slice %arg18[%mul3A_474] : memref<10240xf32, #tpu.memory_space<vmem_shared>> -> memref<1024xf32, #tpu.memory_space<vmem_shared>>
          tpu.enqueue_dma source(%dma_start3A_478 : memref<1024xf32, #tpu.memory_space<vmem_shared>>) target(%dma_start3A_477 : memref<1024xf32, #tpu.memory_space<hbm>>) target_semaphore(%run_scoped3A : memref<!tpu.dma_semaphore, #tpu.memory_space<semaphore_mem>>)
          %dma_wait3A_479 = tpu.memref_slice %arg6[%mul3A_476] : memref<10240xf32, #tpu.memory_space<hbm>> -> memref<1024xf32, #tpu.memory_space<hbm>>
          %dma_wait3A_480 = tpu.memref_slice %arg18[%mul3A_474] : memref<10240xf32, #tpu.memory_space<vmem_shared>> -> memref<1024xf32, #tpu.memory_space<vmem_shared>>
          tpu.wait_dma2 semaphore(%run_scoped3A : memref<!tpu.dma_semaphore, #tpu.memory_space<semaphore_mem>>) src(%dma_wait3A_480 : memref<1024xf32, #tpu.memory_space<vmem_shared>>) dst(%dma_wait3A_479 : memref<1024xf32, #tpu.memory_space<hbm>>)
          tpu.yield
        }) : () -> ()
      } else {
      }
    } else {
    }
    %eq3A_463 = arith.constant 1 : i32
    %eq3A_464 = arith.cmpi eq, %arg0, %eq3A_463 : i32
    %convert_element_type3A_465 = arith.extui %eq3A_464 : i1 to i32
    %cond3A_466 = arith.constant 0 : i32
    %cond3A_467 = arith.cmpi ne, %convert_element_type3A_465, %cond3A_466 : i32
    scf.if %cond3A_467 {
      "tpu.region"() ({
        %run_scoped3A = tpu.sem_alloc : memref<!tpu.dma_semaphore, #tpu.memory_space<semaphore_mem>>
        %dma_start3A_473 = arith.constant 0 : i32
        %dma_start3A_474 = tpu.memref_slice %arg5[%mul3A_2, %dma_start3A_473] : memref<10240x128xf32, #tpu.memory_space<hbm>> -> memref<640x128xf32, #tpu.memory_space<hbm>>
        %dma_start3A_475 = arith.constant 0 : i32
        %dma_start3A_476 = tpu.memref_slice %arg17[%mul3A_2, %dma_start3A_475] : memref<10240x128xf32, #tpu.memory_space<vmem_shared>> -> memref<640x128xf32, #tpu.memory_space<vmem_shared>>
        tpu.enqueue_dma source(%dma_start3A_476 : memref<640x128xf32, #tpu.memory_space<vmem_shared>>) target(%dma_start3A_474 : memref<640x128xf32, #tpu.memory_space<hbm>>) target_semaphore(%run_scoped3A : memref<!tpu.dma_semaphore, #tpu.memory_space<semaphore_mem>>)
        %dma_wait3A_477 = arith.constant 0 : i32
        %dma_wait3A_478 = tpu.memref_slice %arg5[%mul3A_2, %dma_wait3A_477] : memref<10240x128xf32, #tpu.memory_space<hbm>> -> memref<640x128xf32, #tpu.memory_space<hbm>>
        %dma_wait3A_479 = arith.constant 0 : i32
        %dma_wait3A_480 = tpu.memref_slice %arg17[%mul3A_2, %dma_wait3A_479] : memref<10240x128xf32, #tpu.memory_space<vmem_shared>> -> memref<640x128xf32, #tpu.memory_space<vmem_shared>>
        tpu.wait_dma2 semaphore(%run_scoped3A : memref<!tpu.dma_semaphore, #tpu.memory_space<semaphore_mem>>) src(%dma_wait3A_480 : memref<640x128xf32, #tpu.memory_space<vmem_shared>>) dst(%dma_wait3A_478 : memref<640x128xf32, #tpu.memory_space<hbm>>)
        tpu.yield
      }) : () -> ()
      %lt3A_468 = arith.constant 10 : i32
      %lt3A_469 = arith.cmpi slt, %arg1, %lt3A_468 : i32
      %convert_element_type3A_470 = arith.extui %lt3A_469 : i1 to i32
      %cond3A_471 = arith.constant 0 : i32
      %cond3A_472 = arith.cmpi ne, %convert_element_type3A_470, %cond3A_471 : i32
      scf.if %cond3A_472 {
        %mul3A_473 = arith.constant 1024 : i32
        %mul3A_474 = arith.muli %arg1, %mul3A_473 : i32
        %mul3A_475 = arith.constant 1024 : i32
        %mul3A_476 = arith.muli %arg1, %mul3A_475 : i32
        "tpu.region"() ({
          %run_scoped3A = tpu.sem_alloc : memref<!tpu.dma_semaphore, #tpu.memory_space<semaphore_mem>>
          %dma_start3A_477 = tpu.memref_slice %arg7[%mul3A_476] : memref<10240xf32, #tpu.memory_space<hbm>> -> memref<1024xf32, #tpu.memory_space<hbm>>
          %dma_start3A_478 = tpu.memref_slice %arg18[%mul3A_474] : memref<10240xf32, #tpu.memory_space<vmem_shared>> -> memref<1024xf32, #tpu.memory_space<vmem_shared>>
          tpu.enqueue_dma source(%dma_start3A_478 : memref<1024xf32, #tpu.memory_space<vmem_shared>>) target(%dma_start3A_477 : memref<1024xf32, #tpu.memory_space<hbm>>) target_semaphore(%run_scoped3A : memref<!tpu.dma_semaphore, #tpu.memory_space<semaphore_mem>>)
          %dma_wait3A_479 = tpu.memref_slice %arg7[%mul3A_476] : memref<10240xf32, #tpu.memory_space<hbm>> -> memref<1024xf32, #tpu.memory_space<hbm>>
          %dma_wait3A_480 = tpu.memref_slice %arg18[%mul3A_474] : memref<10240xf32, #tpu.memory_space<vmem_shared>> -> memref<1024xf32, #tpu.memory_space<vmem_shared>>
          tpu.wait_dma2 semaphore(%run_scoped3A : memref<!tpu.dma_semaphore, #tpu.memory_space<semaphore_mem>>) src(%dma_wait3A_480 : memref<1024xf32, #tpu.memory_space<vmem_shared>>) dst(%dma_wait3A_479 : memref<1024xf32, #tpu.memory_space<hbm>>)
          tpu.yield
        }) : () -> ()
      } else {
      }
    } else {
    }
    return
  }
}

#map = affine_map<(d0, d1) -> (0, 0)>
#map1 = affine_map<(d0, d1) -> (0)>
module attributes {stable_mosaic.version = 14 : i64} {
  func.func @body(%arg0: i32, %arg1: i32, %arg2: memref<10000x128xf32, #tpu.memory_space<hbm>>, %arg3: memref<320000xi32, #tpu.memory_space<hbm>>, %arg4: memref<10240x128xf32, #tpu.memory_space<hbm>>, %arg5: memref<10240x128xf32, #tpu.memory_space<hbm>>, %arg6: memref<10000xi32, #tpu.memory_space<vmem>>, %arg7: memref<80xi32, #tpu.memory_space<vmem>>, %arg8: memref<80xi32, #tpu.memory_space<vmem>>, %arg9: memref<80xi32, #tpu.memory_space<vmem>>, %arg10: memref<80xi32, #tpu.memory_space<vmem>>, %arg11: memref<80x128xf32, #tpu.memory_space<vmem>>, %arg12: memref<80x128xf32, #tpu.memory_space<vmem>>, %arg13: memref<80xf32, #tpu.memory_space<vmem>>, %arg14: memref<256xf32, #tpu.memory_space<vmem>>, %arg15: memref<10240x128xf32, #tpu.memory_space<vmem_shared>>, %arg16: memref<10240xf32, #tpu.memory_space<vmem_shared>>, %arg17: memref<!tpu.dma_semaphore, #tpu.memory_space<semaphore_mem>>, %arg18: memref<!tpu.dma_semaphore, #tpu.memory_space<semaphore_mem>>, %arg19: memref<!tpu.dma_semaphore, #tpu.memory_space<semaphore_mem>>, %arg20: memref<!tpu.dma_semaphore, #tpu.memory_space<semaphore_mem>>) attributes {dimension_semantics = [#tpu.dimension_semantics<core_parallel>, #tpu.dimension_semantics<subcore_parallel>], iteration_bounds = array<i64: 2, 16>, scalar_prefetch = 0 : i64, scratch_operands = 15 : i64, tpu.core_type = #tpu.core_type<sc_vector_subcore>, window_params = [{transform_indices = #map}, {transform_indices = #map1}, {transform_indices = #map}, {transform_indices = #map}]} {
    %mul3A = arith.constant 16 : i32
    %mul3A_0 = arith.muli %arg0, %mul3A : i32
    %add3A = arith.addi %mul3A_0, %arg1 : i32
    %mul3A_1 = arith.constant 640 : i32
    %mul3A_2 = arith.muli %arg1, %mul3A_1 : i32
    %mul3A_3 = arith.constant 10000 : i32
    %mul3A_4 = arith.muli %add3A, %mul3A_3 : i32
    %dma_start3A = tpu.memref_slice %arg3[%mul3A_4] : memref<320000xi32, #tpu.memory_space<hbm>> -> memref<10000xi32, #tpu.memory_space<hbm>>
    %dma_start3A_5 = tpu.memref_slice %arg3[%mul3A_4] : memref<320000xi32, #tpu.memory_space<hbm>> -> memref<10000xi32, #tpu.memory_space<hbm>>
    tpu.enqueue_dma source(%dma_start3A_5 : memref<10000xi32, #tpu.memory_space<hbm>>) target(%arg6 : memref<10000xi32, #tpu.memory_space<vmem>>) target_semaphore(%arg18 : memref<!tpu.dma_semaphore, #tpu.memory_space<semaphore_mem>>)
    %scan3A = arith.constant 0 : i32
    %scan3A_6 = arith.constant 0 : i32
    %scan3A_7 = arith.constant 80 : i32
    %scan3A_8 = arith.addi %scan3A_6, %scan3A_7 : i32
    %scan3A_9 = arith.constant 1 : i32
    %scan3A_10 = scf.for %scan3A_411 = %scan3A_6 to %scan3A_8 step %scan3A_9 iter_args(%scan3A_412 = %scan3A) -> (i32)  : i32 {
      %broadcast_in_dim3A = arith.constant 0.000000e+00 : f32
      %broadcast_in_dim3A_413 = vector.broadcast %broadcast_in_dim3A : f32 to vector<16xf32>
      %swap3A_414 = arith.index_cast %scan3A_411 : i32 to index
      %swap3A_415 = arith.constant 0 : index
      %swap3A_416 = tpu.vector_load %arg11[%swap3A_414, %swap3A_415] {strides = array<i32>} : memref<80x128xf32, #tpu.memory_space<vmem>>, vector<1x16xf32>,
      %swap3A_417 = vector.shape_cast %swap3A_416 : vector<1x16xf32> to vector<16xf32>
      %swap3A_418 = vector.shape_cast %broadcast_in_dim3A_413 : vector<16xf32> to vector<1x16xf32>
      tpu.vector_store %arg11[%swap3A_414, %swap3A_415], %swap3A_418 {strides = array<i32>} : memref<80x128xf32, #tpu.memory_space<vmem>>, vector<1x16xf32>,
      %broadcast_in_dim3A_419 = arith.constant 0.000000e+00 : f32
      %broadcast_in_dim3A_420 = vector.broadcast %broadcast_in_dim3A_419 : f32 to vector<16xf32>
      %swap3A_421 = arith.index_cast %scan3A_411 : i32 to index
      %swap3A_422 = arith.constant 16 : index
      %swap3A_423 = tpu.vector_load %arg11[%swap3A_421, %swap3A_422] {strides = array<i32>} : memref<80x128xf32, #tpu.memory_space<vmem>>, vector<1x16xf32>,
      %swap3A_424 = vector.shape_cast %swap3A_423 : vector<1x16xf32> to vector<16xf32>
      %swap3A_425 = vector.shape_cast %broadcast_in_dim3A_420 : vector<16xf32> to vector<1x16xf32>
      tpu.vector_store %arg11[%swap3A_421, %swap3A_422], %swap3A_425 {strides = array<i32>} : memref<80x128xf32, #tpu.memory_space<vmem>>, vector<1x16xf32>,
      %broadcast_in_dim3A_426 = arith.constant 0.000000e+00 : f32
      %broadcast_in_dim3A_427 = vector.broadcast %broadcast_in_dim3A_426 : f32 to vector<16xf32>
      %swap3A_428 = arith.index_cast %scan3A_411 : i32 to index
      %swap3A_429 = arith.constant 32 : index
      %swap3A_430 = tpu.vector_load %arg11[%swap3A_428, %swap3A_429] {strides = array<i32>} : memref<80x128xf32, #tpu.memory_space<vmem>>, vector<1x16xf32>,
      %swap3A_431 = vector.shape_cast %swap3A_430 : vector<1x16xf32> to vector<16xf32>
      %swap3A_432 = vector.shape_cast %broadcast_in_dim3A_427 : vector<16xf32> to vector<1x16xf32>
      tpu.vector_store %arg11[%swap3A_428, %swap3A_429], %swap3A_432 {strides = array<i32>} : memref<80x128xf32, #tpu.memory_space<vmem>>, vector<1x16xf32>,
      %broadcast_in_dim3A_433 = arith.constant 0.000000e+00 : f32
      %broadcast_in_dim3A_434 = vector.broadcast %broadcast_in_dim3A_433 : f32 to vector<16xf32>
      %swap3A_435 = arith.index_cast %scan3A_411 : i32 to index
      %swap3A_436 = arith.constant 48 : index
      %swap3A_437 = tpu.vector_load %arg11[%swap3A_435, %swap3A_436] {strides = array<i32>} : memref<80x128xf32, #tpu.memory_space<vmem>>, vector<1x16xf32>,
      %swap3A_438 = vector.shape_cast %swap3A_437 : vector<1x16xf32> to vector<16xf32>
      %swap3A_439 = vector.shape_cast %broadcast_in_dim3A_434 : vector<16xf32> to vector<1x16xf32>
      tpu.vector_store %arg11[%swap3A_435, %swap3A_436], %swap3A_439 {strides = array<i32>} : memref<80x128xf32, #tpu.memory_space<vmem>>, vector<1x16xf32>,
      %broadcast_in_dim3A_440 = arith.constant 0.000000e+00 : f32
      %broadcast_in_dim3A_441 = vector.broadcast %broadcast_in_dim3A_440 : f32 to vector<16xf32>
      %swap3A_442 = arith.index_cast %scan3A_411 : i32 to index
      %swap3A_443 = arith.constant 64 : index
      %swap3A_444 = tpu.vector_load %arg11[%swap3A_442, %swap3A_443] {strides = array<i32>} : memref<80x128xf32, #tpu.memory_space<vmem>>, vector<1x16xf32>,
      %swap3A_445 = vector.shape_cast %swap3A_444 : vector<1x16xf32> to vector<16xf32>
      %swap3A_446 = vector.shape_cast %broadcast_in_dim3A_441 : vector<16xf32> to vector<1x16xf32>
      tpu.vector_store %arg11[%swap3A_442, %swap3A_443], %swap3A_446 {strides = array<i32>} : memref<80x128xf32, #tpu.memory_space<vmem>>, vector<1x16xf32>,
      %broadcast_in_dim3A_447 = arith.constant 0.000000e+00 : f32
      %broadcast_in_dim3A_448 = vector.broadcast %broadcast_in_dim3A_447 : f32 to vector<16xf32>
      %swap3A_449 = arith.index_cast %scan3A_411 : i32 to index
      %swap3A_450 = arith.constant 80 : index
      %swap3A_451 = tpu.vector_load %arg11[%swap3A_449, %swap3A_450] {strides = array<i32>} : memref<80x128xf32, #tpu.memory_space<vmem>>, vector<1x16xf32>,
      %swap3A_452 = vector.shape_cast %swap3A_451 : vector<1x16xf32> to vector<16xf32>
      %swap3A_453 = vector.shape_cast %broadcast_in_dim3A_448 : vector<16xf32> to vector<1x16xf32>
      tpu.vector_store %arg11[%swap3A_449, %swap3A_450], %swap3A_453 {strides = array<i32>} : memref<80x128xf32, #tpu.memory_space<vmem>>, vector<1x16xf32>,
      %broadcast_in_dim3A_454 = arith.constant 0.000000e+00 : f32
      %broadcast_in_dim3A_455 = vector.broadcast %broadcast_in_dim3A_454 : f32 to vector<16xf32>
      %swap3A_456 = arith.index_cast %scan3A_411 : i32 to index
      %swap3A_457 = arith.constant 96 : index
      %swap3A_458 = tpu.vector_load %arg11[%swap3A_456, %swap3A_457] {strides = array<i32>} : memref<80x128xf32, #tpu.memory_space<vmem>>, vector<1x16xf32>,
      %swap3A_459 = vector.shape_cast %swap3A_458 : vector<1x16xf32> to vector<16xf32>
      %swap3A_460 = vector.shape_cast %broadcast_in_dim3A_455 : vector<16xf32> to vector<1x16xf32>
      tpu.vector_store %arg11[%swap3A_456, %swap3A_457], %swap3A_460 {strides = array<i32>} : memref<80x128xf32, #tpu.memory_space<vmem>>, vector<1x16xf32>,
      %broadcast_in_dim3A_461 = arith.constant 0.000000e+00 : f32
      %broadcast_in_dim3A_462 = vector.broadcast %broadcast_in_dim3A_461 : f32 to vector<16xf32>
      %swap3A_463 = arith.index_cast %scan3A_411 : i32 to index
      %swap3A_464 = arith.constant 112 : index
      %swap3A_465 = tpu.vector_load %arg11[%swap3A_463, %swap3A_464] {strides = array<i32>} : memref<80x128xf32, #tpu.memory_space<vmem>>, vector<1x16xf32>,
      %swap3A_466 = vector.shape_cast %swap3A_465 : vector<1x16xf32> to vector<16xf32>
      %swap3A_467 = vector.shape_cast %broadcast_in_dim3A_462 : vector<16xf32> to vector<1x16xf32>
      tpu.vector_store %arg11[%swap3A_463, %swap3A_464], %swap3A_467 {strides = array<i32>} : memref<80x128xf32, #tpu.memory_space<vmem>>, vector<1x16xf32>,
      %scan3A_468 = arith.constant 0 : i32
      scf.yield %scan3A_468 : i32
    }
    %scan3A_11 = arith.constant 80 : i32
    %add3A_12 = arith.constant 0 : i32
    %add3A_13 = arith.addi %mul3A_2, %add3A_12 : i32
    %dma_start3A_14 = arith.constant 0 : i32
    %dma_start3A_15 = tpu.memref_slice %arg15[%add3A_13, %dma_start3A_14] : memref<10240x128xf32, #tpu.memory_space<vmem_shared>> -> memref<80x128xf32, #tpu.memory_space<vmem_shared>>
    %dma_start3A_16 = arith.constant 0 : i32
    %dma_start3A_17 = tpu.memref_slice %arg15[%add3A_13, %dma_start3A_16] : memref<10240x128xf32, #tpu.memory_space<vmem_shared>> -> memref<80x128xf32, #tpu.memory_space<vmem_shared>>
    tpu.enqueue_dma source(%arg11 : memref<80x128xf32, #tpu.memory_space<vmem>>) target(%dma_start3A_17 : memref<80x128xf32, #tpu.memory_space<vmem_shared>>) target_semaphore(%arg19 : memref<!tpu.dma_semaphore, #tpu.memory_space<semaphore_mem>>)
    %add3A_18 = arith.constant 80 : i32
    %add3A_19 = arith.addi %mul3A_2, %add3A_18 : i32
    %dma_start3A_20 = arith.constant 0 : i32
    %dma_start3A_21 = tpu.memref_slice %arg15[%add3A_19, %dma_start3A_20] : memref<10240x128xf32, #tpu.memory_space<vmem_shared>> -> memref<80x128xf32, #tpu.memory_space<vmem_shared>>
    %dma_start3A_22 = arith.constant 0 : i32
    %dma_start3A_23 = tpu.memref_slice %arg15[%add3A_19, %dma_start3A_22] : memref<10240x128xf32, #tpu.memory_space<vmem_shared>> -> memref<80x128xf32, #tpu.memory_space<vmem_shared>>
    tpu.enqueue_dma source(%arg11 : memref<80x128xf32, #tpu.memory_space<vmem>>) target(%dma_start3A_23 : memref<80x128xf32, #tpu.memory_space<vmem_shared>>) target_semaphore(%arg19 : memref<!tpu.dma_semaphore, #tpu.memory_space<semaphore_mem>>)
    %add3A_24 = arith.constant 160 : i32
    %add3A_25 = arith.addi %mul3A_2, %add3A_24 : i32
    %dma_start3A_26 = arith.constant 0 : i32
    %dma_start3A_27 = tpu.memref_slice %arg15[%add3A_25, %dma_start3A_26] : memref<10240x128xf32, #tpu.memory_space<vmem_shared>> -> memref<80x128xf32, #tpu.memory_space<vmem_shared>>
    %dma_start3A_28 = arith.constant 0 : i32
    %dma_start3A_29 = tpu.memref_slice %arg15[%add3A_25, %dma_start3A_28] : memref<10240x128xf32, #tpu.memory_space<vmem_shared>> -> memref<80x128xf32, #tpu.memory_space<vmem_shared>>
    tpu.enqueue_dma source(%arg11 : memref<80x128xf32, #tpu.memory_space<vmem>>) target(%dma_start3A_29 : memref<80x128xf32, #tpu.memory_space<vmem_shared>>) target_semaphore(%arg19 : memref<!tpu.dma_semaphore, #tpu.memory_space<semaphore_mem>>)
    %add3A_30 = arith.constant 240 : i32
    %add3A_31 = arith.addi %mul3A_2, %add3A_30 : i32
    %dma_start3A_32 = arith.constant 0 : i32
    %dma_start3A_33 = tpu.memref_slice %arg15[%add3A_31, %dma_start3A_32] : memref<10240x128xf32, #tpu.memory_space<vmem_shared>> -> memref<80x128xf32, #tpu.memory_space<vmem_shared>>
    %dma_start3A_34 = arith.constant 0 : i32
    %dma_start3A_35 = tpu.memref_slice %arg15[%add3A_31, %dma_start3A_34] : memref<10240x128xf32, #tpu.memory_space<vmem_shared>> -> memref<80x128xf32, #tpu.memory_space<vmem_shared>>
    tpu.enqueue_dma source(%arg11 : memref<80x128xf32, #tpu.memory_space<vmem>>) target(%dma_start3A_35 : memref<80x128xf32, #tpu.memory_space<vmem_shared>>) target_semaphore(%arg19 : memref<!tpu.dma_semaphore, #tpu.memory_space<semaphore_mem>>)
    %add3A_36 = arith.constant 320 : i32
    %add3A_37 = arith.addi %mul3A_2, %add3A_36 : i32
    %dma_start3A_38 = arith.constant 0 : i32
    %dma_start3A_39 = tpu.memref_slice %arg15[%add3A_37, %dma_start3A_38] : memref<10240x128xf32, #tpu.memory_space<vmem_shared>> -> memref<80x128xf32, #tpu.memory_space<vmem_shared>>
    %dma_start3A_40 = arith.constant 0 : i32
    %dma_start3A_41 = tpu.memref_slice %arg15[%add3A_37, %dma_start3A_40] : memref<10240x128xf32, #tpu.memory_space<vmem_shared>> -> memref<80x128xf32, #tpu.memory_space<vmem_shared>>
    tpu.enqueue_dma source(%arg11 : memref<80x128xf32, #tpu.memory_space<vmem>>) target(%dma_start3A_41 : memref<80x128xf32, #tpu.memory_space<vmem_shared>>) target_semaphore(%arg19 : memref<!tpu.dma_semaphore, #tpu.memory_space<semaphore_mem>>)
    %add3A_42 = arith.constant 400 : i32
    %add3A_43 = arith.addi %mul3A_2, %add3A_42 : i32
    %dma_start3A_44 = arith.constant 0 : i32
    %dma_start3A_45 = tpu.memref_slice %arg15[%add3A_43, %dma_start3A_44] : memref<10240x128xf32, #tpu.memory_space<vmem_shared>> -> memref<80x128xf32, #tpu.memory_space<vmem_shared>>
    %dma_start3A_46 = arith.constant 0 : i32
    %dma_start3A_47 = tpu.memref_slice %arg15[%add3A_43, %dma_start3A_46] : memref<10240x128xf32, #tpu.memory_space<vmem_shared>> -> memref<80x128xf32, #tpu.memory_space<vmem_shared>>
    tpu.enqueue_dma source(%arg11 : memref<80x128xf32, #tpu.memory_space<vmem>>) target(%dma_start3A_47 : memref<80x128xf32, #tpu.memory_space<vmem_shared>>) target_semaphore(%arg19 : memref<!tpu.dma_semaphore, #tpu.memory_space<semaphore_mem>>)
    %add3A_48 = arith.constant 480 : i32
    %add3A_49 = arith.addi %mul3A_2, %add3A_48 : i32
    %dma_start3A_50 = arith.constant 0 : i32
    %dma_start3A_51 = tpu.memref_slice %arg15[%add3A_49, %dma_start3A_50] : memref<10240x128xf32, #tpu.memory_space<vmem_shared>> -> memref<80x128xf32, #tpu.memory_space<vmem_shared>>
    %dma_start3A_52 = arith.constant 0 : i32
    %dma_start3A_53 = tpu.memref_slice %arg15[%add3A_49, %dma_start3A_52] : memref<10240x128xf32, #tpu.memory_space<vmem_shared>> -> memref<80x128xf32, #tpu.memory_space<vmem_shared>>
    tpu.enqueue_dma source(%arg11 : memref<80x128xf32, #tpu.memory_space<vmem>>) target(%dma_start3A_53 : memref<80x128xf32, #tpu.memory_space<vmem_shared>>) target_semaphore(%arg19 : memref<!tpu.dma_semaphore, #tpu.memory_space<semaphore_mem>>)
    %add3A_54 = arith.constant 560 : i32
    %add3A_55 = arith.addi %mul3A_2, %add3A_54 : i32
    %dma_start3A_56 = arith.constant 0 : i32
    %dma_start3A_57 = tpu.memref_slice %arg15[%add3A_55, %dma_start3A_56] : memref<10240x128xf32, #tpu.memory_space<vmem_shared>> -> memref<80x128xf32, #tpu.memory_space<vmem_shared>>
    %dma_start3A_58 = arith.constant 0 : i32
    %dma_start3A_59 = tpu.memref_slice %arg15[%add3A_55, %dma_start3A_58] : memref<10240x128xf32, #tpu.memory_space<vmem_shared>> -> memref<80x128xf32, #tpu.memory_space<vmem_shared>>
    tpu.enqueue_dma source(%arg11 : memref<80x128xf32, #tpu.memory_space<vmem>>) target(%dma_start3A_59 : memref<80x128xf32, #tpu.memory_space<vmem_shared>>) target_semaphore(%arg19 : memref<!tpu.dma_semaphore, #tpu.memory_space<semaphore_mem>>)
    %add3A_60 = arith.constant 0 : i32
    %add3A_61 = arith.addi %mul3A_2, %add3A_60 : i32
    %dma_wait3A = arith.constant 0 : i32
    %dma_wait3A_62 = tpu.memref_slice %arg15[%add3A_61, %dma_wait3A] : memref<10240x128xf32, #tpu.memory_space<vmem_shared>> -> memref<80x128xf32, #tpu.memory_space<vmem_shared>>
    %dma_wait3A_63 = arith.constant 0 : i32
    %dma_wait3A_64 = tpu.memref_slice %arg15[%add3A_61, %dma_wait3A_63] : memref<10240x128xf32, #tpu.memory_space<vmem_shared>> -> memref<80x128xf32, #tpu.memory_space<vmem_shared>>
    tpu.wait_dma2 semaphore(%arg19 : memref<!tpu.dma_semaphore, #tpu.memory_space<semaphore_mem>>) src(%arg11 : memref<80x128xf32, #tpu.memory_space<vmem>>) dst(%dma_wait3A_64 : memref<80x128xf32, #tpu.memory_space<vmem_shared>>)
    %add3A_65 = arith.constant 80 : i32
    %add3A_66 = arith.addi %mul3A_2, %add3A_65 : i32
    %dma_wait3A_67 = arith.constant 0 : i32
    %dma_wait3A_68 = tpu.memref_slice %arg15[%add3A_66, %dma_wait3A_67] : memref<10240x128xf32, #tpu.memory_space<vmem_shared>> -> memref<80x128xf32, #tpu.memory_space<vmem_shared>>
    %dma_wait3A_69 = arith.constant 0 : i32
    %dma_wait3A_70 = tpu.memref_slice %arg15[%add3A_66, %dma_wait3A_69] : memref<10240x128xf32, #tpu.memory_space<vmem_shared>> -> memref<80x128xf32, #tpu.memory_space<vmem_shared>>
    tpu.wait_dma2 semaphore(%arg19 : memref<!tpu.dma_semaphore, #tpu.memory_space<semaphore_mem>>) src(%arg11 : memref<80x128xf32, #tpu.memory_space<vmem>>) dst(%dma_wait3A_70 : memref<80x128xf32, #tpu.memory_space<vmem_shared>>)
    %add3A_71 = arith.constant 160 : i32
    %add3A_72 = arith.addi %mul3A_2, %add3A_71 : i32
    %dma_wait3A_73 = arith.constant 0 : i32
    %dma_wait3A_74 = tpu.memref_slice %arg15[%add3A_72, %dma_wait3A_73] : memref<10240x128xf32, #tpu.memory_space<vmem_shared>> -> memref<80x128xf32, #tpu.memory_space<vmem_shared>>
    %dma_wait3A_75 = arith.constant 0 : i32
    %dma_wait3A_76 = tpu.memref_slice %arg15[%add3A_72, %dma_wait3A_75] : memref<10240x128xf32, #tpu.memory_space<vmem_shared>> -> memref<80x128xf32, #tpu.memory_space<vmem_shared>>
    tpu.wait_dma2 semaphore(%arg19 : memref<!tpu.dma_semaphore, #tpu.memory_space<semaphore_mem>>) src(%arg11 : memref<80x128xf32, #tpu.memory_space<vmem>>) dst(%dma_wait3A_76 : memref<80x128xf32, #tpu.memory_space<vmem_shared>>)
    %add3A_77 = arith.constant 240 : i32
    %add3A_78 = arith.addi %mul3A_2, %add3A_77 : i32
    %dma_wait3A_79 = arith.constant 0 : i32
    %dma_wait3A_80 = tpu.memref_slice %arg15[%add3A_78, %dma_wait3A_79] : memref<10240x128xf32, #tpu.memory_space<vmem_shared>> -> memref<80x128xf32, #tpu.memory_space<vmem_shared>>
    %dma_wait3A_81 = arith.constant 0 : i32
    %dma_wait3A_82 = tpu.memref_slice %arg15[%add3A_78, %dma_wait3A_81] : memref<10240x128xf32, #tpu.memory_space<vmem_shared>> -> memref<80x128xf32, #tpu.memory_space<vmem_shared>>
    tpu.wait_dma2 semaphore(%arg19 : memref<!tpu.dma_semaphore, #tpu.memory_space<semaphore_mem>>) src(%arg11 : memref<80x128xf32, #tpu.memory_space<vmem>>) dst(%dma_wait3A_82 : memref<80x128xf32, #tpu.memory_space<vmem_shared>>)
    %add3A_83 = arith.constant 320 : i32
    %add3A_84 = arith.addi %mul3A_2, %add3A_83 : i32
    %dma_wait3A_85 = arith.constant 0 : i32
    %dma_wait3A_86 = tpu.memref_slice %arg15[%add3A_84, %dma_wait3A_85] : memref<10240x128xf32, #tpu.memory_space<vmem_shared>> -> memref<80x128xf32, #tpu.memory_space<vmem_shared>>
    %dma_wait3A_87 = arith.constant 0 : i32
    %dma_wait3A_88 = tpu.memref_slice %arg15[%add3A_84, %dma_wait3A_87] : memref<10240x128xf32, #tpu.memory_space<vmem_shared>> -> memref<80x128xf32, #tpu.memory_space<vmem_shared>>
    tpu.wait_dma2 semaphore(%arg19 : memref<!tpu.dma_semaphore, #tpu.memory_space<semaphore_mem>>) src(%arg11 : memref<80x128xf32, #tpu.memory_space<vmem>>) dst(%dma_wait3A_88 : memref<80x128xf32, #tpu.memory_space<vmem_shared>>)
    %add3A_89 = arith.constant 400 : i32
    %add3A_90 = arith.addi %mul3A_2, %add3A_89 : i32
    %dma_wait3A_91 = arith.constant 0 : i32
    %dma_wait3A_92 = tpu.memref_slice %arg15[%add3A_90, %dma_wait3A_91] : memref<10240x128xf32, #tpu.memory_space<vmem_shared>> -> memref<80x128xf32, #tpu.memory_space<vmem_shared>>
    %dma_wait3A_93 = arith.constant 0 : i32
    %dma_wait3A_94 = tpu.memref_slice %arg15[%add3A_90, %dma_wait3A_93] : memref<10240x128xf32, #tpu.memory_space<vmem_shared>> -> memref<80x128xf32, #tpu.memory_space<vmem_shared>>
    tpu.wait_dma2 semaphore(%arg19 : memref<!tpu.dma_semaphore, #tpu.memory_space<semaphore_mem>>) src(%arg11 : memref<80x128xf32, #tpu.memory_space<vmem>>) dst(%dma_wait3A_94 : memref<80x128xf32, #tpu.memory_space<vmem_shared>>)
    %add3A_95 = arith.constant 480 : i32
    %add3A_96 = arith.addi %mul3A_2, %add3A_95 : i32
    %dma_wait3A_97 = arith.constant 0 : i32
    %dma_wait3A_98 = tpu.memref_slice %arg15[%add3A_96, %dma_wait3A_97] : memref<10240x128xf32, #tpu.memory_space<vmem_shared>> -> memref<80x128xf32, #tpu.memory_space<vmem_shared>>
    %dma_wait3A_99 = arith.constant 0 : i32
    %dma_wait3A_100 = tpu.memref_slice %arg15[%add3A_96, %dma_wait3A_99] : memref<10240x128xf32, #tpu.memory_space<vmem_shared>> -> memref<80x128xf32, #tpu.memory_space<vmem_shared>>
    tpu.wait_dma2 semaphore(%arg19 : memref<!tpu.dma_semaphore, #tpu.memory_space<semaphore_mem>>) src(%arg11 : memref<80x128xf32, #tpu.memory_space<vmem>>) dst(%dma_wait3A_100 : memref<80x128xf32, #tpu.memory_space<vmem_shared>>)
    %add3A_101 = arith.constant 560 : i32
    %add3A_102 = arith.addi %mul3A_2, %add3A_101 : i32
    %dma_wait3A_103 = arith.constant 0 : i32
    %dma_wait3A_104 = tpu.memref_slice %arg15[%add3A_102, %dma_wait3A_103] : memref<10240x128xf32, #tpu.memory_space<vmem_shared>> -> memref<80x128xf32, #tpu.memory_space<vmem_shared>>
    %dma_wait3A_105 = arith.constant 0 : i32
    %dma_wait3A_106 = tpu.memref_slice %arg15[%add3A_102, %dma_wait3A_105] : memref<10240x128xf32, #tpu.memory_space<vmem_shared>> -> memref<80x128xf32, #tpu.memory_space<vmem_shared>>
    tpu.wait_dma2 semaphore(%arg19 : memref<!tpu.dma_semaphore, #tpu.memory_space<semaphore_mem>>) src(%arg11 : memref<80x128xf32, #tpu.memory_space<vmem>>) dst(%dma_wait3A_106 : memref<80x128xf32, #tpu.memory_space<vmem_shared>>)
    %mul3A_107 = arith.constant 10000 : i32
    %mul3A_108 = arith.muli %add3A, %mul3A_107 : i32
    %dma_wait3A_109 = tpu.memref_slice %arg3[%mul3A_108] : memref<320000xi32, #tpu.memory_space<hbm>> -> memref<10000xi32, #tpu.memory_space<hbm>>
    %dma_wait3A_110 = tpu.memref_slice %arg3[%mul3A_108] : memref<320000xi32, #tpu.memory_space<hbm>> -> memref<10000xi32, #tpu.memory_space<hbm>>
    tpu.wait_dma2 semaphore(%arg18 : memref<!tpu.dma_semaphore, #tpu.memory_space<semaphore_mem>>) src(%dma_wait3A_110 : memref<10000xi32, #tpu.memory_space<hbm>>) dst(%arg6 : memref<10000xi32, #tpu.memory_space<vmem>>)
    %barrier3A = arith.constant 0 : index
    tpu.barrier barrier_id(%barrier3A)
    %get3A = arith.constant 0 : index
    %get3A_111 = tpu.vector_load %arg6[%get3A] {strides = array<i32>} : memref<10000xi32, #tpu.memory_space<vmem>>, vector<16xi32>,
    %get3A_112 = vector.shape_cast %get3A_111 : vector<16xi32> to vector<16xi32>
    %and3A = arith.constant 65535 : i32
    %and3A_113 = vector.broadcast %and3A : i32 to vector<16xi32>
    %and3A_114 = arith.andi %get3A_112, %and3A_113 : vector<16xi32>
    %swap3A = arith.constant 0 : index
    %swap3A_115 = tpu.vector_load %arg7[%swap3A] {strides = array<i32>} : memref<80xi32, #tpu.memory_space<vmem>>, vector<16xi32>,
    %swap3A_116 = vector.shape_cast %swap3A_115 : vector<16xi32> to vector<16xi32>
    %swap3A_117 = vector.shape_cast %and3A_114 : vector<16xi32> to vector<16xi32>
    tpu.vector_store %arg7[%swap3A], %swap3A_117 {strides = array<i32>} : memref<80xi32, #tpu.memory_space<vmem>>, vector<16xi32>,
    %shift_right_arithmetic3A = arith.constant 16 : i32
    %shift_right_arithmetic3A_118 = vector.broadcast %shift_right_arithmetic3A : i32 to vector<16xi32>
    %shift_right_arithmetic3A_119 = arith.shrsi %get3A_112, %shift_right_arithmetic3A_118 : vector<16xi32>
    %swap3A_120 = arith.constant 0 : index
    %swap3A_121 = tpu.vector_load %arg9[%swap3A_120] {strides = array<i32>} : memref<80xi32, #tpu.memory_space<vmem>>, vector<16xi32>,
    %swap3A_122 = vector.shape_cast %swap3A_121 : vector<16xi32> to vector<16xi32>
    %swap3A_123 = vector.shape_cast %shift_right_arithmetic3A_119 : vector<16xi32> to vector<16xi32>
    tpu.vector_store %arg9[%swap3A_120], %swap3A_123 {strides = array<i32>} : memref<80xi32, #tpu.memory_space<vmem>>, vector<16xi32>,
    %get3A_124 = arith.constant 16 : index
    %get3A_125 = tpu.vector_load %arg6[%get3A_124] {strides = array<i32>} : memref<10000xi32, #tpu.memory_space<vmem>>, vector<16xi32>,
    %get3A_126 = vector.shape_cast %get3A_125 : vector<16xi32> to vector<16xi32>
    %and3A_127 = arith.constant 65535 : i32
    %and3A_128 = vector.broadcast %and3A_127 : i32 to vector<16xi32>
    %and3A_129 = arith.andi %get3A_126, %and3A_128 : vector<16xi32>
    %swap3A_130 = arith.constant 16 : index
    %swap3A_131 = tpu.vector_load %arg7[%swap3A_130] {strides = array<i32>} : memref<80xi32, #tpu.memory_space<vmem>>, vector<16xi32>,
    %swap3A_132 = vector.shape_cast %swap3A_131 : vector<16xi32> to vector<16xi32>
    %swap3A_133 = vector.shape_cast %and3A_129 : vector<16xi32> to vector<16xi32>
    tpu.vector_store %arg7[%swap3A_130], %swap3A_133 {strides = array<i32>} : memref<80xi32, #tpu.memory_space<vmem>>, vector<16xi32>,
    %shift_right_arithmetic3A_134 = arith.constant 16 : i32
    %shift_right_arithmetic3A_135 = vector.broadcast %shift_right_arithmetic3A_134 : i32 to vector<16xi32>
    %shift_right_arithmetic3A_136 = arith.shrsi %get3A_126, %shift_right_arithmetic3A_135 : vector<16xi32>
    %swap3A_137 = arith.constant 16 : index
    %swap3A_138 = tpu.vector_load %arg9[%swap3A_137] {strides = array<i32>} : memref<80xi32, #tpu.memory_space<vmem>>, vector<16xi32>,
    %swap3A_139 = vector.shape_cast %swap3A_138 : vector<16xi32> to vector<16xi32>
    %swap3A_140 = vector.shape_cast %shift_right_arithmetic3A_136 : vector<16xi32> to vector<16xi32>
    tpu.vector_store %arg9[%swap3A_137], %swap3A_140 {strides = array<i32>} : memref<80xi32, #tpu.memory_space<vmem>>, vector<16xi32>,
    %get3A_141 = arith.constant 32 : index
    %get3A_142 = tpu.vector_load %arg6[%get3A_141] {strides = array<i32>} : memref<10000xi32, #tpu.memory_space<vmem>>, vector<16xi32>,
    %get3A_143 = vector.shape_cast %get3A_142 : vector<16xi32> to vector<16xi32>
    %and3A_144 = arith.constant 65535 : i32
    %and3A_145 = vector.broadcast %and3A_144 : i32 to vector<16xi32>
    %and3A_146 = arith.andi %get3A_143, %and3A_145 : vector<16xi32>
    %swap3A_147 = arith.constant 32 : index
    %swap3A_148 = tpu.vector_load %arg7[%swap3A_147] {strides = array<i32>} : memref<80xi32, #tpu.memory_space<vmem>>, vector<16xi32>,
    %swap3A_149 = vector.shape_cast %swap3A_148 : vector<16xi32> to vector<16xi32>
    %swap3A_150 = vector.shape_cast %and3A_146 : vector<16xi32> to vector<16xi32>
    tpu.vector_store %arg7[%swap3A_147], %swap3A_150 {strides = array<i32>} : memref<80xi32, #tpu.memory_space<vmem>>, vector<16xi32>,
    %shift_right_arithmetic3A_151 = arith.constant 16 : i32
    %shift_right_arithmetic3A_152 = vector.broadcast %shift_right_arithmetic3A_151 : i32 to vector<16xi32>
    %shift_right_arithmetic3A_153 = arith.shrsi %get3A_143, %shift_right_arithmetic3A_152 : vector<16xi32>
    %swap3A_154 = arith.constant 32 : index
    %swap3A_155 = tpu.vector_load %arg9[%swap3A_154] {strides = array<i32>} : memref<80xi32, #tpu.memory_space<vmem>>, vector<16xi32>,
    %swap3A_156 = vector.shape_cast %swap3A_155 : vector<16xi32> to vector<16xi32>
    %swap3A_157 = vector.shape_cast %shift_right_arithmetic3A_153 : vector<16xi32> to vector<16xi32>
    tpu.vector_store %arg9[%swap3A_154], %swap3A_157 {strides = array<i32>} : memref<80xi32, #tpu.memory_space<vmem>>, vector<16xi32>,
    %get3A_158 = arith.constant 48 : index
    %get3A_159 = tpu.vector_load %arg6[%get3A_158] {strides = array<i32>} : memref<10000xi32, #tpu.memory_space<vmem>>, vector<16xi32>,
    %get3A_160 = vector.shape_cast %get3A_159 : vector<16xi32> to vector<16xi32>
    %and3A_161 = arith.constant 65535 : i32
    %and3A_162 = vector.broadcast %and3A_161 : i32 to vector<16xi32>
    %and3A_163 = arith.andi %get3A_160, %and3A_162 : vector<16xi32>
    %swap3A_164 = arith.constant 48 : index
    %swap3A_165 = tpu.vector_load %arg7[%swap3A_164] {strides = array<i32>} : memref<80xi32, #tpu.memory_space<vmem>>, vector<16xi32>,
    %swap3A_166 = vector.shape_cast %swap3A_165 : vector<16xi32> to vector<16xi32>
    %swap3A_167 = vector.shape_cast %and3A_163 : vector<16xi32> to vector<16xi32>
    tpu.vector_store %arg7[%swap3A_164], %swap3A_167 {strides = array<i32>} : memref<80xi32, #tpu.memory_space<vmem>>, vector<16xi32>,
    %shift_right_arithmetic3A_168 = arith.constant 16 : i32
    %shift_right_arithmetic3A_169 = vector.broadcast %shift_right_arithmetic3A_168 : i32 to vector<16xi32>
    %shift_right_arithmetic3A_170 = arith.shrsi %get3A_160, %shift_right_arithmetic3A_169 : vector<16xi32>
    %swap3A_171 = arith.constant 48 : index
    %swap3A_172 = tpu.vector_load %arg9[%swap3A_171] {strides = array<i32>} : memref<80xi32, #tpu.memory_space<vmem>>, vector<16xi32>,
    %swap3A_173 = vector.shape_cast %swap3A_172 : vector<16xi32> to vector<16xi32>
    %swap3A_174 = vector.shape_cast %shift_right_arithmetic3A_170 : vector<16xi32> to vector<16xi32>
    tpu.vector_store %arg9[%swap3A_171], %swap3A_174 {strides = array<i32>} : memref<80xi32, #tpu.memory_space<vmem>>, vector<16xi32>,
    %get3A_175 = arith.constant 64 : index
    %get3A_176 = tpu.vector_load %arg6[%get3A_175] {strides = array<i32>} : memref<10000xi32, #tpu.memory_space<vmem>>, vector<16xi32>,
    %get3A_177 = vector.shape_cast %get3A_176 : vector<16xi32> to vector<16xi32>
    %and3A_178 = arith.constant 65535 : i32
    %and3A_179 = vector.broadcast %and3A_178 : i32 to vector<16xi32>
    %and3A_180 = arith.andi %get3A_177, %and3A_179 : vector<16xi32>
    %swap3A_181 = arith.constant 64 : index
    %swap3A_182 = tpu.vector_load %arg7[%swap3A_181] {strides = array<i32>} : memref<80xi32, #tpu.memory_space<vmem>>, vector<16xi32>,
    %swap3A_183 = vector.shape_cast %swap3A_182 : vector<16xi32> to vector<16xi32>
    %swap3A_184 = vector.shape_cast %and3A_180 : vector<16xi32> to vector<16xi32>
    tpu.vector_store %arg7[%swap3A_181], %swap3A_184 {strides = array<i32>} : memref<80xi32, #tpu.memory_space<vmem>>, vector<16xi32>,
    %shift_right_arithmetic3A_185 = arith.constant 16 : i32
    %shift_right_arithmetic3A_186 = vector.broadcast %shift_right_arithmetic3A_185 : i32 to vector<16xi32>
    %shift_right_arithmetic3A_187 = arith.shrsi %get3A_177, %shift_right_arithmetic3A_186 : vector<16xi32>
    %swap3A_188 = arith.constant 64 : index
    %swap3A_189 = tpu.vector_load %arg9[%swap3A_188] {strides = array<i32>} : memref<80xi32, #tpu.memory_space<vmem>>, vector<16xi32>,
    %swap3A_190 = vector.shape_cast %swap3A_189 : vector<16xi32> to vector<16xi32>
    %swap3A_191 = vector.shape_cast %shift_right_arithmetic3A_187 : vector<16xi32> to vector<16xi32>
    tpu.vector_store %arg9[%swap3A_188], %swap3A_191 {strides = array<i32>} : memref<80xi32, #tpu.memory_space<vmem>>, vector<16xi32>,
    %dma_start3A_192 = arith.constant 0 : i32
    %dma_start3A_193 = arith.constant 0 : i32
    %dma_start3A_194 = tpu.memref_slice %arg2[%dma_start3A_192, %dma_start3A_193] : memref<10000x128xf32, #tpu.memory_space<hbm>> -> memref<10000x128xf32, #tpu.memory_space<hbm>>
    tpu.enqueue_indirect_dma source(%dma_start3A_194 : memref<10000x128xf32, #tpu.memory_space<hbm>>) target(%arg11 : memref<80x128xf32, #tpu.memory_space<vmem>>) offsets(%arg7 : memref<80xi32, #tpu.memory_space<vmem>>) semaphore(%arg17 : memref<!tpu.dma_semaphore, #tpu.memory_space<semaphore_mem>>)
    %dma_wait3A_195 = arith.constant 0 : i32
    %dma_wait3A_196 = arith.constant 0 : i32
    %dma_wait3A_197 = tpu.memref_slice %arg2[%dma_wait3A_195, %dma_wait3A_196] : memref<10000x128xf32, #tpu.memory_space<hbm>> -> memref<10000x128xf32, #tpu.memory_space<hbm>>
    tpu.wait_indirect_dma semaphore(%arg17 : memref<!tpu.dma_semaphore, #tpu.memory_space<semaphore_mem>>) src(%dma_wait3A_197 : memref<10000x128xf32, #tpu.memory_space<hbm>>) dst(%arg11 : memref<80x128xf32, #tpu.memory_space<vmem>>)
    %dma_start3A_198 = arith.constant 0 : i32
    %dma_start3A_199 = arith.constant 0 : i32
    %dma_start3A_200 = tpu.memref_slice %arg15[%dma_start3A_198, %dma_start3A_199] : memref<10240x128xf32, #tpu.memory_space<vmem_shared>> -> memref<10240x128xf32, #tpu.memory_space<vmem_shared>>
    tpu.enqueue_indirect_dma source(%arg11 : memref<80x128xf32, #tpu.memory_space<vmem>>) target(%dma_start3A_200 : memref<10240x128xf32, #tpu.memory_space<vmem_shared>>) offsets(%arg9 : memref<80xi32, #tpu.memory_space<vmem>>) semaphore(%arg19 : memref<!tpu.dma_semaphore, #tpu.memory_space<semaphore_mem>>) {add = true}
    %get3A_201 = arith.constant 80 : index
    %get3A_202 = tpu.vector_load %arg6[%get3A_201] {strides = array<i32>} : memref<10000xi32, #tpu.memory_space<vmem>>, vector<16xi32>,
    %get3A_203 = vector.shape_cast %get3A_202 : vector<16xi32> to vector<16xi32>
    %and3A_204 = arith.constant 65535 : i32
    %and3A_205 = vector.broadcast %and3A_204 : i32 to vector<16xi32>
    %and3A_206 = arith.andi %get3A_203, %and3A_205 : vector<16xi32>
    %swap3A_207 = arith.constant 0 : index
    %swap3A_208 = tpu.vector_load %arg8[%swap3A_207] {strides = array<i32>} : memref<80xi32, #tpu.memory_space<vmem>>, vector<16xi32>,
    %swap3A_209 = vector.shape_cast %swap3A_208 : vector<16xi32> to vector<16xi32>
    %swap3A_210 = vector.shape_cast %and3A_206 : vector<16xi32> to vector<16xi32>
    tpu.vector_store %arg8[%swap3A_207], %swap3A_210 {strides = array<i32>} : memref<80xi32, #tpu.memory_space<vmem>>, vector<16xi32>,
    %shift_right_arithmetic3A_211 = arith.constant 16 : i32
    %shift_right_arithmetic3A_212 = vector.broadcast %shift_right_arithmetic3A_211 : i32 to vector<16xi32>
    %shift_right_arithmetic3A_213 = arith.shrsi %get3A_203, %shift_right_arithmetic3A_212 : vector<16xi32>
    %swap3A_214 = arith.constant 0 : index
    %swap3A_215 = tpu.vector_load %arg10[%swap3A_214] {strides = array<i32>} : memref<80xi32, #tpu.memory_space<vmem>>, vector<16xi32>,
    %swap3A_216 = vector.shape_cast %swap3A_215 : vector<16xi32> to vector<16xi32>
    %swap3A_217 = vector.shape_cast %shift_right_arithmetic3A_213 : vector<16xi32> to vector<16xi32>
    tpu.vector_store %arg10[%swap3A_214], %swap3A_217 {strides = array<i32>} : memref<80xi32, #tpu.memory_space<vmem>>, vector<16xi32>,
    %get3A_218 = arith.constant 96 : index
    %get3A_219 = tpu.vector_load %arg6[%get3A_218] {strides = array<i32>} : memref<10000xi32, #tpu.memory_space<vmem>>, vector<16xi32>,
    %get3A_220 = vector.shape_cast %get3A_219 : vector<16xi32> to vector<16xi32>
    %and3A_221 = arith.constant 65535 : i32
    %and3A_222 = vector.broadcast %and3A_221 : i32 to vector<16xi32>
    %and3A_223 = arith.andi %get3A_220, %and3A_222 : vector<16xi32>
    %swap3A_224 = arith.constant 16 : index
    %swap3A_225 = tpu.vector_load %arg8[%swap3A_224] {strides = array<i32>} : memref<80xi32, #tpu.memory_space<vmem>>, vector<16xi32>,
    %swap3A_226 = vector.shape_cast %swap3A_225 : vector<16xi32> to vector<16xi32>
    %swap3A_227 = vector.shape_cast %and3A_223 : vector<16xi32> to vector<16xi32>
    tpu.vector_store %arg8[%swap3A_224], %swap3A_227 {strides = array<i32>} : memref<80xi32, #tpu.memory_space<vmem>>, vector<16xi32>,
    %shift_right_arithmetic3A_228 = arith.constant 16 : i32
    %shift_right_arithmetic3A_229 = vector.broadcast %shift_right_arithmetic3A_228 : i32 to vector<16xi32>
    %shift_right_arithmetic3A_230 = arith.shrsi %get3A_220, %shift_right_arithmetic3A_229 : vector<16xi32>
    %swap3A_231 = arith.constant 16 : index
    %swap3A_232 = tpu.vector_load %arg10[%swap3A_231] {strides = array<i32>} : memref<80xi32, #tpu.memory_space<vmem>>, vector<16xi32>,
    %swap3A_233 = vector.shape_cast %swap3A_232 : vector<16xi32> to vector<16xi32>
    %swap3A_234 = vector.shape_cast %shift_right_arithmetic3A_230 : vector<16xi32> to vector<16xi32>
    tpu.vector_store %arg10[%swap3A_231], %swap3A_234 {strides = array<i32>} : memref<80xi32, #tpu.memory_space<vmem>>, vector<16xi32>,
    %get3A_235 = arith.constant 112 : index
    %get3A_236 = tpu.vector_load %arg6[%get3A_235] {strides = array<i32>} : memref<10000xi32, #tpu.memory_space<vmem>>, vector<16xi32>,
    %get3A_237 = vector.shape_cast %get3A_236 : vector<16xi32> to vector<16xi32>
    %and3A_238 = arith.constant 65535 : i32
    %and3A_239 = vector.broadcast %and3A_238 : i32 to vector<16xi32>
    %and3A_240 = arith.andi %get3A_237, %and3A_239 : vector<16xi32>
    %swap3A_241 = arith.constant 32 : index
    %swap3A_242 = tpu.vector_load %arg8[%swap3A_241] {strides = array<i32>} : memref<80xi32, #tpu.memory_space<vmem>>, vector<16xi32>,
    %swap3A_243 = vector.shape_cast %swap3A_242 : vector<16xi32> to vector<16xi32>
    %swap3A_244 = vector.shape_cast %and3A_240 : vector<16xi32> to vector<16xi32>
    tpu.vector_store %arg8[%swap3A_241], %swap3A_244 {strides = array<i32>} : memref<80xi32, #tpu.memory_space<vmem>>, vector<16xi32>,
    %shift_right_arithmetic3A_245 = arith.constant 16 : i32
    %shift_right_arithmetic3A_246 = vector.broadcast %shift_right_arithmetic3A_245 : i32 to vector<16xi32>
    %shift_right_arithmetic3A_247 = arith.shrsi %get3A_237, %shift_right_arithmetic3A_246 : vector<16xi32>
    %swap3A_248 = arith.constant 32 : index
    %swap3A_249 = tpu.vector_load %arg10[%swap3A_248] {strides = array<i32>} : memref<80xi32, #tpu.memory_space<vmem>>, vector<16xi32>,
    %swap3A_250 = vector.shape_cast %swap3A_249 : vector<16xi32> to vector<16xi32>
    %swap3A_251 = vector.shape_cast %shift_right_arithmetic3A_247 : vector<16xi32> to vector<16xi32>
    tpu.vector_store %arg10[%swap3A_248], %swap3A_251 {strides = array<i32>} : memref<80xi32, #tpu.memory_space<vmem>>, vector<16xi32>,
    %get3A_252 = arith.constant 128 : index
    %get3A_253 = tpu.vector_load %arg6[%get3A_252] {strides = array<i32>} : memref<10000xi32, #tpu.memory_space<vmem>>, vector<16xi32>,
    %get3A_254 = vector.shape_cast %get3A_253 : vector<16xi32> to vector<16xi32>
    %and3A_255 = arith.constant 65535 : i32
    %and3A_256 = vector.broadcast %and3A_255 : i32 to vector<16xi32>
    %and3A_257 = arith.andi %get3A_254, %and3A_256 : vector<16xi32>
    %swap3A_258 = arith.constant 48 : index
    %swap3A_259 = tpu.vector_load %arg8[%swap3A_258] {strides = array<i32>} : memref<80xi32, #tpu.memory_space<vmem>>, vector<16xi32>,
    %swap3A_260 = vector.shape_cast %swap3A_259 : vector<16xi32> to vector<16xi32>
    %swap3A_261 = vector.shape_cast %and3A_257 : vector<16xi32> to vector<16xi32>
    tpu.vector_store %arg8[%swap3A_258], %swap3A_261 {strides = array<i32>} : memref<80xi32, #tpu.memory_space<vmem>>, vector<16xi32>,
    %shift_right_arithmetic3A_262 = arith.constant 16 : i32
    %shift_right_arithmetic3A_263 = vector.broadcast %shift_right_arithmetic3A_262 : i32 to vector<16xi32>
    %shift_right_arithmetic3A_264 = arith.shrsi %get3A_254, %shift_right_arithmetic3A_263 : vector<16xi32>
    %swap3A_265 = arith.constant 48 : index
    %swap3A_266 = tpu.vector_load %arg10[%swap3A_265] {strides = array<i32>} : memref<80xi32, #tpu.memory_space<vmem>>, vector<16xi32>,
    %swap3A_267 = vector.shape_cast %swap3A_266 : vector<16xi32> to vector<16xi32>
    %swap3A_268 = vector.shape_cast %shift_right_arithmetic3A_264 : vector<16xi32> to vector<16xi32>
    tpu.vector_store %arg10[%swap3A_265], %swap3A_268 {strides = array<i32>} : memref<80xi32, #tpu.memory_space<vmem>>, vector<16xi32>,
    %get3A_269 = arith.constant 144 : index
    %get3A_270 = tpu.vector_load %arg6[%get3A_269] {strides = array<i32>} : memref<10000xi32, #tpu.memory_space<vmem>>, vector<16xi32>,
    %get3A_271 = vector.shape_cast %get3A_270 : vector<16xi32> to vector<16xi32>
    %and3A_272 = arith.constant 65535 : i32
    %and3A_273 = vector.broadcast %and3A_272 : i32 to vector<16xi32>
    %and3A_274 = arith.andi %get3A_271, %and3A_273 : vector<16xi32>
    %swap3A_275 = arith.constant 64 : index
    %swap3A_276 = tpu.vector_load %arg8[%swap3A_275] {strides = array<i32>} : memref<80xi32, #tpu.memory_space<vmem>>, vector<16xi32>,
    %swap3A_277 = vector.shape_cast %swap3A_276 : vector<16xi32> to vector<16xi32>
    %swap3A_278 = vector.shape_cast %and3A_274 : vector<16xi32> to vector<16xi32>
    tpu.vector_store %arg8[%swap3A_275], %swap3A_278 {strides = array<i32>} : memref<80xi32, #tpu.memory_space<vmem>>, vector<16xi32>,
    %shift_right_arithmetic3A_279 = arith.constant 16 : i32
    %shift_right_arithmetic3A_280 = vector.broadcast %shift_right_arithmetic3A_279 : i32 to vector<16xi32>
    %shift_right_arithmetic3A_281 = arith.shrsi %get3A_271, %shift_right_arithmetic3A_280 : vector<16xi32>
    %swap3A_282 = arith.constant 64 : index
    %swap3A_283 = tpu.vector_load %arg10[%swap3A_282] {strides = array<i32>} : memref<80xi32, #tpu.memory_space<vmem>>, vector<16xi32>,
    %swap3A_284 = vector.shape_cast %swap3A_283 : vector<16xi32> to vector<16xi32>
    %swap3A_285 = vector.shape_cast %shift_right_arithmetic3A_281 : vector<16xi32> to vector<16xi32>
    tpu.vector_store %arg10[%swap3A_282], %swap3A_285 {strides = array<i32>} : memref<80xi32, #tpu.memory_space<vmem>>, vector<16xi32>,
    %dma_start3A_286 = arith.constant 0 : i32
    %dma_start3A_287 = arith.constant 0 : i32
    %dma_start3A_288 = tpu.memref_slice %arg2[%dma_start3A_286, %dma_start3A_287] : memref<10000x128xf32, #tpu.memory_space<hbm>> -> memref<10000x128xf32, #tpu.memory_space<hbm>>
    tpu.enqueue_indirect_dma source(%dma_start3A_288 : memref<10000x128xf32, #tpu.memory_space<hbm>>) target(%arg12 : memref<80x128xf32, #tpu.memory_space<vmem>>) offsets(%arg8 : memref<80xi32, #tpu.memory_space<vmem>>) semaphore(%arg18 : memref<!tpu.dma_semaphore, #tpu.memory_space<semaphore_mem>>)
    %scan3A_289 = arith.constant 0 : i32
    %scan3A_290 = arith.constant 61 : i32
    %scan3A_291 = arith.addi %scan3A_289, %scan3A_290 : i32
    %scan3A_292 = arith.constant 1 : i32
    scf.for %scan3A_411 = %scan3A_289 to %scan3A_291 step %scan3A_292  : i32 {
      %mul3A_412 = arith.constant 1 : i32
      %mul3A_413 = arith.muli %scan3A_411, %mul3A_412 : i32
      %add3A_414 = arith.constant 0 : i32
      %add3A_415 = arith.addi %add3A_414, %mul3A_413 : i32
      %mul3A_416 = arith.constant 2 : i32
      %mul3A_417 = arith.muli %mul3A_416, %add3A_415 : i32
      %add3A_418 = arith.constant 1 : i32
      %add3A_419 = arith.addi %mul3A_417, %add3A_418 : i32
      %dma_wait3A_420 = arith.constant 0 : i32
      %dma_wait3A_421 = arith.constant 0 : i32
      %dma_wait3A_422 = tpu.memref_slice %arg15[%dma_wait3A_420, %dma_wait3A_421] : memref<10240x128xf32, #tpu.memory_space<vmem_shared>> -> memref<10240x128xf32, #tpu.memory_space<vmem_shared>>
      tpu.wait_indirect_dma semaphore(%arg19 : memref<!tpu.dma_semaphore, #tpu.memory_space<semaphore_mem>>) src(%arg11 : memref<80x128xf32, #tpu.memory_space<vmem>>) dst(%dma_wait3A_422 : memref<10240x128xf32, #tpu.memory_space<vmem_shared>>)
      %add3A_423 = arith.constant 1 : i32
      %add3A_424 = arith.addi %add3A_419, %add3A_423 : i32
      %mul3A_425 = arith.constant 80 : i32
      %mul3A_426 = arith.muli %add3A_424, %mul3A_425 : i32
      %add3A_427 = arith.constant 0 : i32
      %add3A_428 = arith.addi %mul3A_426, %add3A_427 : i32
      %get3A_429 = arith.index_cast %add3A_428 : i32 to index
      %get3A_430 = tpu.vector_load %arg6[%get3A_429] {strides = array<i32>} : memref<10000xi32, #tpu.memory_space<vmem>>, vector<16xi32>,
      %get3A_431 = vector.shape_cast %get3A_430 : vector<16xi32> to vector<16xi32>
      %and3A_432 = arith.constant 65535 : i32
      %and3A_433 = vector.broadcast %and3A_432 : i32 to vector<16xi32>
      %and3A_434 = arith.andi %get3A_431, %and3A_433 : vector<16xi32>
      %swap3A_435 = arith.constant 0 : index
      %swap3A_436 = tpu.vector_load %arg7[%swap3A_435] {strides = array<i32>} : memref<80xi32, #tpu.memory_space<vmem>>, vector<16xi32>,
      %swap3A_437 = vector.shape_cast %swap3A_436 : vector<16xi32> to vector<16xi32>
      %swap3A_438 = vector.shape_cast %and3A_434 : vector<16xi32> to vector<16xi32>
      tpu.vector_store %arg7[%swap3A_435], %swap3A_438 {strides = array<i32>} : memref<80xi32, #tpu.memory_space<vmem>>, vector<16xi32>,
      %shift_right_arithmetic3A_439 = arith.constant 16 : i32
      %shift_right_arithmetic3A_440 = vector.broadcast %shift_right_arithmetic3A_439 : i32 to vector<16xi32>
      %shift_right_arithmetic3A_441 = arith.shrsi %get3A_431, %shift_right_arithmetic3A_440 : vector<16xi32>
      %swap3A_442 = arith.constant 0 : index
      %swap3A_443 = tpu.vector_load %arg9[%swap3A_442] {strides = array<i32>} : memref<80xi32, #tpu.memory_space<vmem>>, vector<16xi32>,
      %swap3A_444 = vector.shape_cast %swap3A_443 : vector<16xi32> to vector<16xi32>
      %swap3A_445 = vector.shape_cast %shift_right_arithmetic3A_441 : vector<16xi32> to vector<16xi32>
      tpu.vector_store %arg9[%swap3A_442], %swap3A_445 {strides = array<i32>} : memref<80xi32, #tpu.memory_space<vmem>>, vector<16xi32>,
      %mul3A_446 = arith.constant 80 : i32
      %mul3A_447 = arith.muli %add3A_424, %mul3A_446 : i32
      %add3A_448 = arith.constant 16 : i32
      %add3A_449 = arith.addi %mul3A_447, %add3A_448 : i32
      %get3A_450 = arith.index_cast %add3A_449 : i32 to index
      %get3A_451 = tpu.vector_load %arg6[%get3A_450] {strides = array<i32>} : memref<10000xi32, #tpu.memory_space<vmem>>, vector<16xi32>,
      %get3A_452 = vector.shape_cast %get3A_451 : vector<16xi32> to vector<16xi32>
      %and3A_453 = arith.constant 65535 : i32
      %and3A_454 = vector.broadcast %and3A_453 : i32 to vector<16xi32>
      %and3A_455 = arith.andi %get3A_452, %and3A_454 : vector<16xi32>
      %swap3A_456 = arith.constant 16 : index
      %swap3A_457 = tpu.vector_load %arg7[%swap3A_456] {strides = array<i32>} : memref<80xi32, #tpu.memory_space<vmem>>, vector<16xi32>,
      %swap3A_458 = vector.shape_cast %swap3A_457 : vector<16xi32> to vector<16xi32>
      %swap3A_459 = vector.shape_cast %and3A_455 : vector<16xi32> to vector<16xi32>
      tpu.vector_store %arg7[%swap3A_456], %swap3A_459 {strides = array<i32>} : memref<80xi32, #tpu.memory_space<vmem>>, vector<16xi32>,
      %shift_right_arithmetic3A_460 = arith.constant 16 : i32
      %shift_right_arithmetic3A_461 = vector.broadcast %shift_right_arithmetic3A_460 : i32 to vector<16xi32>
      %shift_right_arithmetic3A_462 = arith.shrsi %get3A_452, %shift_right_arithmetic3A_461 : vector<16xi32>
      %swap3A_463 = arith.constant 16 : index
      %swap3A_464 = tpu.vector_load %arg9[%swap3A_463] {strides = array<i32>} : memref<80xi32, #tpu.memory_space<vmem>>, vector<16xi32>,
      %swap3A_465 = vector.shape_cast %swap3A_464 : vector<16xi32> to vector<16xi32>
      %swap3A_466 = vector.shape_cast %shift_right_arithmetic3A_462 : vector<16xi32> to vector<16xi32>
      tpu.vector_store %arg9[%swap3A_463], %swap3A_466 {strides = array<i32>} : memref<80xi32, #tpu.memory_space<vmem>>, vector<16xi32>,
      %mul3A_467 = arith.constant 80 : i32
      %mul3A_468 = arith.muli %add3A_424, %mul3A_467 : i32
      %add3A_469 = arith.constant 32 : i32
      %add3A_470 = arith.addi %mul3A_468, %add3A_469 : i32
      %get3A_471 = arith.index_cast %add3A_470 : i32 to index
      %get3A_472 = tpu.vector_load %arg6[%get3A_471] {strides = array<i32>} : memref<10000xi32, #tpu.memory_space<vmem>>, vector<16xi32>,
      %get3A_473 = vector.shape_cast %get3A_472 : vector<16xi32> to vector<16xi32>
      %and3A_474 = arith.constant 65535 : i32
      %and3A_475 = vector.broadcast %and3A_474 : i32 to vector<16xi32>
      %and3A_476 = arith.andi %get3A_473, %and3A_475 : vector<16xi32>
      %swap3A_477 = arith.constant 32 : index
      %swap3A_478 = tpu.vector_load %arg7[%swap3A_477] {strides = array<i32>} : memref<80xi32, #tpu.memory_space<vmem>>, vector<16xi32>,
      %swap3A_479 = vector.shape_cast %swap3A_478 : vector<16xi32> to vector<16xi32>
      %swap3A_480 = vector.shape_cast %and3A_476 : vector<16xi32> to vector<16xi32>
      tpu.vector_store %arg7[%swap3A_477], %swap3A_480 {strides = array<i32>} : memref<80xi32, #tpu.memory_space<vmem>>, vector<16xi32>,
      %shift_right_arithmetic3A_481 = arith.constant 16 : i32
      %shift_right_arithmetic3A_482 = vector.broadcast %shift_right_arithmetic3A_481 : i32 to vector<16xi32>
      %shift_right_arithmetic3A_483 = arith.shrsi %get3A_473, %shift_right_arithmetic3A_482 : vector<16xi32>
      %swap3A_484 = arith.constant 32 : index
      %swap3A_485 = tpu.vector_load %arg9[%swap3A_484] {strides = array<i32>} : memref<80xi32, #tpu.memory_space<vmem>>, vector<16xi32>,
      %swap3A_486 = vector.shape_cast %swap3A_485 : vector<16xi32> to vector<16xi32>
      %swap3A_487 = vector.shape_cast %shift_right_arithmetic3A_483 : vector<16xi32> to vector<16xi32>
      tpu.vector_store %arg9[%swap3A_484], %swap3A_487 {strides = array<i32>} : memref<80xi32, #tpu.memory_space<vmem>>, vector<16xi32>,
      %mul3A_488 = arith.constant 80 : i32
      %mul3A_489 = arith.muli %add3A_424, %mul3A_488 : i32
      %add3A_490 = arith.constant 48 : i32
      %add3A_491 = arith.addi %mul3A_489, %add3A_490 : i32
      %get3A_492 = arith.index_cast %add3A_491 : i32 to index
      %get3A_493 = tpu.vector_load %arg6[%get3A_492] {strides = array<i32>} : memref<10000xi32, #tpu.memory_space<vmem>>, vector<16xi32>,
      %get3A_494 = vector.shape_cast %get3A_493 : vector<16xi32> to vector<16xi32>
      %and3A_495 = arith.constant 65535 : i32
      %and3A_496 = vector.broadcast %and3A_495 : i32 to vector<16xi32>
      %and3A_497 = arith.andi %get3A_494, %and3A_496 : vector<16xi32>
      %swap3A_498 = arith.constant 48 : index
      %swap3A_499 = tpu.vector_load %arg7[%swap3A_498] {strides = array<i32>} : memref<80xi32, #tpu.memory_space<vmem>>, vector<16xi32>,
      %swap3A_500 = vector.shape_cast %swap3A_499 : vector<16xi32> to vector<16xi32>
      %swap3A_501 = vector.shape_cast %and3A_497 : vector<16xi32> to vector<16xi32>
      tpu.vector_store %arg7[%swap3A_498], %swap3A_501 {strides = array<i32>} : memref<80xi32, #tpu.memory_space<vmem>>, vector<16xi32>,
      %shift_right_arithmetic3A_502 = arith.constant 16 : i32
      %shift_right_arithmetic3A_503 = vector.broadcast %shift_right_arithmetic3A_502 : i32 to vector<16xi32>
      %shift_right_arithmetic3A_504 = arith.shrsi %get3A_494, %shift_right_arithmetic3A_503 : vector<16xi32>
      %swap3A_505 = arith.constant 48 : index
      %swap3A_506 = tpu.vector_load %arg9[%swap3A_505] {strides = array<i32>} : memref<80xi32, #tpu.memory_space<vmem>>, vector<16xi32>,
      %swap3A_507 = vector.shape_cast %swap3A_506 : vector<16xi32> to vector<16xi32>
      %swap3A_508 = vector.shape_cast %shift_right_arithmetic3A_504 : vector<16xi32> to vector<16xi32>
      tpu.vector_store %arg9[%swap3A_505], %swap3A_508 {strides = array<i32>} : memref<80xi32, #tpu.memory_space<vmem>>, vector<16xi32>,
      %mul3A_509 = arith.constant 80 : i32
      %mul3A_510 = arith.muli %add3A_424, %mul3A_509 : i32
      %add3A_511 = arith.constant 64 : i32
      %add3A_512 = arith.addi %mul3A_510, %add3A_511 : i32
      %get3A_513 = arith.index_cast %add3A_512 : i32 to index
      %get3A_514 = tpu.vector_load %arg6[%get3A_513] {strides = array<i32>} : memref<10000xi32, #tpu.memory_space<vmem>>, vector<16xi32>,
      %get3A_515 = vector.shape_cast %get3A_514 : vector<16xi32> to vector<16xi32>
      %and3A_516 = arith.constant 65535 : i32
      %and3A_517 = vector.broadcast %and3A_516 : i32 to vector<16xi32>
      %and3A_518 = arith.andi %get3A_515, %and3A_517 : vector<16xi32>
      %swap3A_519 = arith.constant 64 : index
      %swap3A_520 = tpu.vector_load %arg7[%swap3A_519] {strides = array<i32>} : memref<80xi32, #tpu.memory_space<vmem>>, vector<16xi32>,
      %swap3A_521 = vector.shape_cast %swap3A_520 : vector<16xi32> to vector<16xi32>
      %swap3A_522 = vector.shape_cast %and3A_518 : vector<16xi32> to vector<16xi32>
      tpu.vector_store %arg7[%swap3A_519], %swap3A_522 {strides = array<i32>} : memref<80xi32, #tpu.memory_space<vmem>>, vector<16xi32>,
      %shift_right_arithmetic3A_523 = arith.constant 16 : i32
      %shift_right_arithmetic3A_524 = vector.broadcast %shift_right_arithmetic3A_523 : i32 to vector<16xi32>
      %shift_right_arithmetic3A_525 = arith.shrsi %get3A_515, %shift_right_arithmetic3A_524 : vector<16xi32>
      %swap3A_526 = arith.constant 64 : index
      %swap3A_527 = tpu.vector_load %arg9[%swap3A_526] {strides = array<i32>} : memref<80xi32, #tpu.memory_space<vmem>>, vector<16xi32>,
      %swap3A_528 = vector.shape_cast %swap3A_527 : vector<16xi32> to vector<16xi32>
      %swap3A_529 = vector.shape_cast %shift_right_arithmetic3A_525 : vector<16xi32> to vector<16xi32>
      tpu.vector_store %arg9[%swap3A_526], %swap3A_529 {strides = array<i32>} : memref<80xi32, #tpu.memory_space<vmem>>, vector<16xi32>,
      %dma_start3A_530 = arith.constant 0 : i32
      %dma_start3A_531 = arith.constant 0 : i32
      %dma_start3A_532 = tpu.memref_slice %arg2[%dma_start3A_530, %dma_start3A_531] : memref<10000x128xf32, #tpu.memory_space<hbm>> -> memref<10000x128xf32, #tpu.memory_space<hbm>>
      tpu.enqueue_indirect_dma source(%dma_start3A_532 : memref<10000x128xf32, #tpu.memory_space<hbm>>) target(%arg11 : memref<80x128xf32, #tpu.memory_space<vmem>>) offsets(%arg7 : memref<80xi32, #tpu.memory_space<vmem>>) semaphore(%arg17 : memref<!tpu.dma_semaphore, #tpu.memory_space<semaphore_mem>>)
      %dma_wait3A_533 = arith.constant 0 : i32
      %dma_wait3A_534 = arith.constant 0 : i32
      %dma_wait3A_535 = tpu.memref_slice %arg2[%dma_wait3A_533, %dma_wait3A_534] : memref<10000x128xf32, #tpu.memory_space<hbm>> -> memref<10000x128xf32, #tpu.memory_space<hbm>>
      tpu.wait_indirect_dma semaphore(%arg18 : memref<!tpu.dma_semaphore, #tpu.memory_space<semaphore_mem>>) src(%dma_wait3A_535 : memref<10000x128xf32, #tpu.memory_space<hbm>>) dst(%arg12 : memref<80x128xf32, #tpu.memory_space<vmem>>)
      %dma_start3A_536 = arith.constant 0 : i32
      %dma_start3A_537 = arith.constant 0 : i32
      %dma_start3A_538 = tpu.memref_slice %arg15[%dma_start3A_536, %dma_start3A_537] : memref<10240x128xf32, #tpu.memory_space<vmem_shared>> -> memref<10240x128xf32, #tpu.memory_space<vmem_shared>>
      tpu.enqueue_indirect_dma source(%arg12 : memref<80x128xf32, #tpu.memory_space<vmem>>) target(%dma_start3A_538 : memref<10240x128xf32, #tpu.memory_space<vmem_shared>>) offsets(%arg10 : memref<80xi32, #tpu.memory_space<vmem>>) semaphore(%arg20 : memref<!tpu.dma_semaphore, #tpu.memory_space<semaphore_mem>>) {add = true}
      %dma_wait3A_539 = arith.constant 0 : i32
      %dma_wait3A_540 = arith.constant 0 : i32
      %dma_wait3A_541 = tpu.memref_slice %arg15[%dma_wait3A_539, %dma_wait3A_540] : memref<10240x128xf32, #tpu.memory_space<vmem_shared>> -> memref<10240x128xf32, #tpu.memory_space<vmem_shared>>
      tpu.wait_indirect_dma semaphore(%arg20 : memref<!tpu.dma_semaphore, #tpu.memory_space<semaphore_mem>>) src(%arg12 : memref<80x128xf32, #tpu.memory_space<vmem>>) dst(%dma_wait3A_541 : memref<10240x128xf32, #tpu.memory_space<vmem_shared>>)
      %add3A_542 = arith.constant 2 : i32
      %add3A_543 = arith.addi %add3A_419, %add3A_542 : i32
      %mul3A_544 = arith.constant 80 : i32
      %mul3A_545 = arith.muli %add3A_543, %mul3A_544 : i32
      %add3A_546 = arith.constant 0 : i32
      %add3A_547 = arith.addi %mul3A_545, %add3A_546 : i32
      %get3A_548 = arith.index_cast %add3A_547 : i32 to index
      %get3A_549 = tpu.vector_load %arg6[%get3A_548] {strides = array<i32>} : memref<10000xi32, #tpu.memory_space<vmem>>, vector<16xi32>,
      %get3A_550 = vector.shape_cast %get3A_549 : vector<16xi32> to vector<16xi32>
      %and3A_551 = arith.constant 65535 : i32
      %and3A_552 = vector.broadcast %and3A_551 : i32 to vector<16xi32>
      %and3A_553 = arith.andi %get3A_550, %and3A_552 : vector<16xi32>
      %swap3A_554 = arith.constant 0 : index
      %swap3A_555 = tpu.vector_load %arg8[%swap3A_554] {strides = array<i32>} : memref<80xi32, #tpu.memory_space<vmem>>, vector<16xi32>,
      %swap3A_556 = vector.shape_cast %swap3A_555 : vector<16xi32> to vector<16xi32>
      %swap3A_557 = vector.shape_cast %and3A_553 : vector<16xi32> to vector<16xi32>
      tpu.vector_store %arg8[%swap3A_554], %swap3A_557 {strides = array<i32>} : memref<80xi32, #tpu.memory_space<vmem>>, vector<16xi32>,
      %shift_right_arithmetic3A_558 = arith.constant 16 : i32
      %shift_right_arithmetic3A_559 = vector.broadcast %shift_right_arithmetic3A_558 : i32 to vector<16xi32>
      %shift_right_arithmetic3A_560 = arith.shrsi %get3A_550, %shift_right_arithmetic3A_559 : vector<16xi32>
      %swap3A_561 = arith.constant 0 : index
      %swap3A_562 = tpu.vector_load %arg10[%swap3A_561] {strides = array<i32>} : memref<80xi32, #tpu.memory_space<vmem>>, vector<16xi32>,
      %swap3A_563 = vector.shape_cast %swap3A_562 : vector<16xi32> to vector<16xi32>
      %swap3A_564 = vector.shape_cast %shift_right_arithmetic3A_560 : vector<16xi32> to vector<16xi32>
      tpu.vector_store %arg10[%swap3A_561], %swap3A_564 {strides = array<i32>} : memref<80xi32, #tpu.memory_space<vmem>>, vector<16xi32>,
      %mul3A_565 = arith.constant 80 : i32
      %mul3A_566 = arith.muli %add3A_543, %mul3A_565 : i32
      %add3A_567 = arith.constant 16 : i32
      %add3A_568 = arith.addi %mul3A_566, %add3A_567 : i32
      %get3A_569 = arith.index_cast %add3A_568 : i32 to index
      %get3A_570 = tpu.vector_load %arg6[%get3A_569] {strides = array<i32>} : memref<10000xi32, #tpu.memory_space<vmem>>, vector<16xi32>,
      %get3A_571 = vector.shape_cast %get3A_570 : vector<16xi32> to vector<16xi32>
      %and3A_572 = arith.constant 65535 : i32
      %and3A_573 = vector.broadcast %and3A_572 : i32 to vector<16xi32>
      %and3A_574 = arith.andi %get3A_571, %and3A_573 : vector<16xi32>
      %swap3A_575 = arith.constant 16 : index
      %swap3A_576 = tpu.vector_load %arg8[%swap3A_575] {strides = array<i32>} : memref<80xi32, #tpu.memory_space<vmem>>, vector<16xi32>,
      %swap3A_577 = vector.shape_cast %swap3A_576 : vector<16xi32> to vector<16xi32>
      %swap3A_578 = vector.shape_cast %and3A_574 : vector<16xi32> to vector<16xi32>
      tpu.vector_store %arg8[%swap3A_575], %swap3A_578 {strides = array<i32>} : memref<80xi32, #tpu.memory_space<vmem>>, vector<16xi32>,
      %shift_right_arithmetic3A_579 = arith.constant 16 : i32
      %shift_right_arithmetic3A_580 = vector.broadcast %shift_right_arithmetic3A_579 : i32 to vector<16xi32>
      %shift_right_arithmetic3A_581 = arith.shrsi %get3A_571, %shift_right_arithmetic3A_580 : vector<16xi32>
      %swap3A_582 = arith.constant 16 : index
      %swap3A_583 = tpu.vector_load %arg10[%swap3A_582] {strides = array<i32>} : memref<80xi32, #tpu.memory_space<vmem>>, vector<16xi32>,
      %swap3A_584 = vector.shape_cast %swap3A_583 : vector<16xi32> to vector<16xi32>
      %swap3A_585 = vector.shape_cast %shift_right_arithmetic3A_581 : vector<16xi32> to vector<16xi32>
      tpu.vector_store %arg10[%swap3A_582], %swap3A_585 {strides = array<i32>} : memref<80xi32, #tpu.memory_space<vmem>>, vector<16xi32>,
      %mul3A_586 = arith.constant 80 : i32
      %mul3A_587 = arith.muli %add3A_543, %mul3A_586 : i32
      %add3A_588 = arith.constant 32 : i32
      %add3A_589 = arith.addi %mul3A_587, %add3A_588 : i32
      %get3A_590 = arith.index_cast %add3A_589 : i32 to index
      %get3A_591 = tpu.vector_load %arg6[%get3A_590] {strides = array<i32>} : memref<10000xi32, #tpu.memory_space<vmem>>, vector<16xi32>,
      %get3A_592 = vector.shape_cast %get3A_591 : vector<16xi32> to vector<16xi32>
      %and3A_593 = arith.constant 65535 : i32
      %and3A_594 = vector.broadcast %and3A_593 : i32 to vector<16xi32>
      %and3A_595 = arith.andi %get3A_592, %and3A_594 : vector<16xi32>
      %swap3A_596 = arith.constant 32 : index
      %swap3A_597 = tpu.vector_load %arg8[%swap3A_596] {strides = array<i32>} : memref<80xi32, #tpu.memory_space<vmem>>, vector<16xi32>,
      %swap3A_598 = vector.shape_cast %swap3A_597 : vector<16xi32> to vector<16xi32>
      %swap3A_599 = vector.shape_cast %and3A_595 : vector<16xi32> to vector<16xi32>
      tpu.vector_store %arg8[%swap3A_596], %swap3A_599 {strides = array<i32>} : memref<80xi32, #tpu.memory_space<vmem>>, vector<16xi32>,
      %shift_right_arithmetic3A_600 = arith.constant 16 : i32
      %shift_right_arithmetic3A_601 = vector.broadcast %shift_right_arithmetic3A_600 : i32 to vector<16xi32>
      %shift_right_arithmetic3A_602 = arith.shrsi %get3A_592, %shift_right_arithmetic3A_601 : vector<16xi32>
      %swap3A_603 = arith.constant 32 : index
      %swap3A_604 = tpu.vector_load %arg10[%swap3A_603] {strides = array<i32>} : memref<80xi32, #tpu.memory_space<vmem>>, vector<16xi32>,
      %swap3A_605 = vector.shape_cast %swap3A_604 : vector<16xi32> to vector<16xi32>
      %swap3A_606 = vector.shape_cast %shift_right_arithmetic3A_602 : vector<16xi32> to vector<16xi32>
      tpu.vector_store %arg10[%swap3A_603], %swap3A_606 {strides = array<i32>} : memref<80xi32, #tpu.memory_space<vmem>>, vector<16xi32>,
      %mul3A_607 = arith.constant 80 : i32
      %mul3A_608 = arith.muli %add3A_543, %mul3A_607 : i32
      %add3A_609 = arith.constant 48 : i32
      %add3A_610 = arith.addi %mul3A_608, %add3A_609 : i32
      %get3A_611 = arith.index_cast %add3A_610 : i32 to index
      %get3A_612 = tpu.vector_load %arg6[%get3A_611] {strides = array<i32>} : memref<10000xi32, #tpu.memory_space<vmem>>, vector<16xi32>,
      %get3A_613 = vector.shape_cast %get3A_612 : vector<16xi32> to vector<16xi32>
      %and3A_614 = arith.constant 65535 : i32
      %and3A_615 = vector.broadcast %and3A_614 : i32 to vector<16xi32>
      %and3A_616 = arith.andi %get3A_613, %and3A_615 : vector<16xi32>
      %swap3A_617 = arith.constant 48 : index
      %swap3A_618 = tpu.vector_load %arg8[%swap3A_617] {strides = array<i32>} : memref<80xi32, #tpu.memory_space<vmem>>, vector<16xi32>,
      %swap3A_619 = vector.shape_cast %swap3A_618 : vector<16xi32> to vector<16xi32>
      %swap3A_620 = vector.shape_cast %and3A_616 : vector<16xi32> to vector<16xi32>
      tpu.vector_store %arg8[%swap3A_617], %swap3A_620 {strides = array<i32>} : memref<80xi32, #tpu.memory_space<vmem>>, vector<16xi32>,
      %shift_right_arithmetic3A_621 = arith.constant 16 : i32
      %shift_right_arithmetic3A_622 = vector.broadcast %shift_right_arithmetic3A_621 : i32 to vector<16xi32>
      %shift_right_arithmetic3A_623 = arith.shrsi %get3A_613, %shift_right_arithmetic3A_622 : vector<16xi32>
      %swap3A_624 = arith.constant 48 : index
      %swap3A_625 = tpu.vector_load %arg10[%swap3A_624] {strides = array<i32>} : memref<80xi32, #tpu.memory_space<vmem>>, vector<16xi32>,
      %swap3A_626 = vector.shape_cast %swap3A_625 : vector<16xi32> to vector<16xi32>
      %swap3A_627 = vector.shape_cast %shift_right_arithmetic3A_623 : vector<16xi32> to vector<16xi32>
      tpu.vector_store %arg10[%swap3A_624], %swap3A_627 {strides = array<i32>} : memref<80xi32, #tpu.memory_space<vmem>>, vector<16xi32>,
      %mul3A_628 = arith.constant 80 : i32
      %mul3A_629 = arith.muli %add3A_543, %mul3A_628 : i32
      %add3A_630 = arith.constant 64 : i32
      %add3A_631 = arith.addi %mul3A_629, %add3A_630 : i32
      %get3A_632 = arith.index_cast %add3A_631 : i32 to index
      %get3A_633 = tpu.vector_load %arg6[%get3A_632] {strides = array<i32>} : memref<10000xi32, #tpu.memory_space<vmem>>, vector<16xi32>,
      %get3A_634 = vector.shape_cast %get3A_633 : vector<16xi32> to vector<16xi32>
      %and3A_635 = arith.constant 65535 : i32
      %and3A_636 = vector.broadcast %and3A_635 : i32 to vector<16xi32>
      %and3A_637 = arith.andi %get3A_634, %and3A_636 : vector<16xi32>
      %swap3A_638 = arith.constant 64 : index
      %swap3A_639 = tpu.vector_load %arg8[%swap3A_638] {strides = array<i32>} : memref<80xi32, #tpu.memory_space<vmem>>, vector<16xi32>,
      %swap3A_640 = vector.shape_cast %swap3A_639 : vector<16xi32> to vector<16xi32>
      %swap3A_641 = vector.shape_cast %and3A_637 : vector<16xi32> to vector<16xi32>
      tpu.vector_store %arg8[%swap3A_638], %swap3A_641 {strides = array<i32>} : memref<80xi32, #tpu.memory_space<vmem>>, vector<16xi32>,
      %shift_right_arithmetic3A_642 = arith.constant 16 : i32
      %shift_right_arithmetic3A_643 = vector.broadcast %shift_right_arithmetic3A_642 : i32 to vector<16xi32>
      %shift_right_arithmetic3A_644 = arith.shrsi %get3A_634, %shift_right_arithmetic3A_643 : vector<16xi32>
      %swap3A_645 = arith.constant 64 : index
      %swap3A_646 = tpu.vector_load %arg10[%swap3A_645] {strides = array<i32>} : memref<80xi32, #tpu.memory_space<vmem>>, vector<16xi32>,
      %swap3A_647 = vector.shape_cast %swap3A_646 : vector<16xi32> to vector<16xi32>
      %swap3A_648 = vector.shape_cast %shift_right_arithmetic3A_644 : vector<16xi32> to vector<16xi32>
      tpu.vector_store %arg10[%swap3A_645], %swap3A_648 {strides = array<i32>} : memref<80xi32, #tpu.memory_space<vmem>>, vector<16xi32>,
      %dma_start3A_649 = arith.constant 0 : i32
      %dma_start3A_650 = arith.constant 0 : i32
      %dma_start3A_651 = tpu.memref_slice %arg2[%dma_start3A_649, %dma_start3A_650] : memref<10000x128xf32, #tpu.memory_space<hbm>> -> memref<10000x128xf32, #tpu.memory_space<hbm>>
      tpu.enqueue_indirect_dma source(%dma_start3A_651 : memref<10000x128xf32, #tpu.memory_space<hbm>>) target(%arg12 : memref<80x128xf32, #tpu.memory_space<vmem>>) offsets(%arg8 : memref<80xi32, #tpu.memory_space<vmem>>) semaphore(%arg18 : memref<!tpu.dma_semaphore, #tpu.memory_space<semaphore_mem>>)
      %dma_wait3A_652 = arith.constant 0 : i32
      %dma_wait3A_653 = arith.constant 0 : i32
      %dma_wait3A_654 = tpu.memref_slice %arg2[%dma_wait3A_652, %dma_wait3A_653] : memref<10000x128xf32, #tpu.memory_space<hbm>> -> memref<10000x128xf32, #tpu.memory_space<hbm>>
      tpu.wait_indirect_dma semaphore(%arg17 : memref<!tpu.dma_semaphore, #tpu.memory_space<semaphore_mem>>) src(%dma_wait3A_654 : memref<10000x128xf32, #tpu.memory_space<hbm>>) dst(%arg11 : memref<80x128xf32, #tpu.memory_space<vmem>>)
      %dma_start3A_655 = arith.constant 0 : i32
      %dma_start3A_656 = arith.constant 0 : i32
      %dma_start3A_657 = tpu.memref_slice %arg15[%dma_start3A_655, %dma_start3A_656] : memref<10240x128xf32, #tpu.memory_space<vmem_shared>> -> memref<10240x128xf32, #tpu.memory_space<vmem_shared>>
      tpu.enqueue_indirect_dma source(%arg11 : memref<80x128xf32, #tpu.memory_space<vmem>>) target(%dma_start3A_657 : memref<10240x128xf32, #tpu.memory_space<vmem_shared>>) offsets(%arg9 : memref<80xi32, #tpu.memory_space<vmem>>) semaphore(%arg19 : memref<!tpu.dma_semaphore, #tpu.memory_space<semaphore_mem>>) {add = true}
    }
    %scan3A_293 = arith.constant 61 : i32
    %dma_wait3A_294 = arith.constant 0 : i32
    %dma_wait3A_295 = arith.constant 0 : i32
    %dma_wait3A_296 = tpu.memref_slice %arg15[%dma_wait3A_294, %dma_wait3A_295] : memref<10240x128xf32, #tpu.memory_space<vmem_shared>> -> memref<10240x128xf32, #tpu.memory_space<vmem_shared>>
    tpu.wait_indirect_dma semaphore(%arg19 : memref<!tpu.dma_semaphore, #tpu.memory_space<semaphore_mem>>) src(%arg11 : memref<80x128xf32, #tpu.memory_space<vmem>>) dst(%dma_wait3A_296 : memref<10240x128xf32, #tpu.memory_space<vmem_shared>>)
    %get3A_297 = arith.constant 9920 : index
    %get3A_298 = tpu.vector_load %arg6[%get3A_297] {strides = array<i32>} : memref<10000xi32, #tpu.memory_space<vmem>>, vector<16xi32>,
    %get3A_299 = vector.shape_cast %get3A_298 : vector<16xi32> to vector<16xi32>
    %and3A_300 = arith.constant 65535 : i32
    %and3A_301 = vector.broadcast %and3A_300 : i32 to vector<16xi32>
    %and3A_302 = arith.andi %get3A_299, %and3A_301 : vector<16xi32>
    %swap3A_303 = arith.constant 0 : index
    %swap3A_304 = tpu.vector_load %arg7[%swap3A_303] {strides = array<i32>} : memref<80xi32, #tpu.memory_space<vmem>>, vector<16xi32>,
    %swap3A_305 = vector.shape_cast %swap3A_304 : vector<16xi32> to vector<16xi32>
    %swap3A_306 = vector.shape_cast %and3A_302 : vector<16xi32> to vector<16xi32>
    tpu.vector_store %arg7[%swap3A_303], %swap3A_306 {strides = array<i32>} : memref<80xi32, #tpu.memory_space<vmem>>, vector<16xi32>,
    %shift_right_arithmetic3A_307 = arith.constant 16 : i32
    %shift_right_arithmetic3A_308 = vector.broadcast %shift_right_arithmetic3A_307 : i32 to vector<16xi32>
    %shift_right_arithmetic3A_309 = arith.shrsi %get3A_299, %shift_right_arithmetic3A_308 : vector<16xi32>
    %swap3A_310 = arith.constant 0 : index
    %swap3A_311 = tpu.vector_load %arg9[%swap3A_310] {strides = array<i32>} : memref<80xi32, #tpu.memory_space<vmem>>, vector<16xi32>,
    %swap3A_312 = vector.shape_cast %swap3A_311 : vector<16xi32> to vector<16xi32>
    %swap3A_313 = vector.shape_cast %shift_right_arithmetic3A_309 : vector<16xi32> to vector<16xi32>
    tpu.vector_store %arg9[%swap3A_310], %swap3A_313 {strides = array<i32>} : memref<80xi32, #tpu.memory_space<vmem>>, vector<16xi32>,
    %get3A_314 = arith.constant 9936 : index
    %get3A_315 = tpu.vector_load %arg6[%get3A_314] {strides = array<i32>} : memref<10000xi32, #tpu.memory_space<vmem>>, vector<16xi32>,
    %get3A_316 = vector.shape_cast %get3A_315 : vector<16xi32> to vector<16xi32>
    %and3A_317 = arith.constant 65535 : i32
    %and3A_318 = vector.broadcast %and3A_317 : i32 to vector<16xi32>
    %and3A_319 = arith.andi %get3A_316, %and3A_318 : vector<16xi32>
    %swap3A_320 = arith.constant 16 : index
    %swap3A_321 = tpu.vector_load %arg7[%swap3A_320] {strides = array<i32>} : memref<80xi32, #tpu.memory_space<vmem>>, vector<16xi32>,
    %swap3A_322 = vector.shape_cast %swap3A_321 : vector<16xi32> to vector<16xi32>
    %swap3A_323 = vector.shape_cast %and3A_319 : vector<16xi32> to vector<16xi32>
    tpu.vector_store %arg7[%swap3A_320], %swap3A_323 {strides = array<i32>} : memref<80xi32, #tpu.memory_space<vmem>>, vector<16xi32>,
    %shift_right_arithmetic3A_324 = arith.constant 16 : i32
    %shift_right_arithmetic3A_325 = vector.broadcast %shift_right_arithmetic3A_324 : i32 to vector<16xi32>
    %shift_right_arithmetic3A_326 = arith.shrsi %get3A_316, %shift_right_arithmetic3A_325 : vector<16xi32>
    %swap3A_327 = arith.constant 16 : index
    %swap3A_328 = tpu.vector_load %arg9[%swap3A_327] {strides = array<i32>} : memref<80xi32, #tpu.memory_space<vmem>>, vector<16xi32>,
    %swap3A_329 = vector.shape_cast %swap3A_328 : vector<16xi32> to vector<16xi32>
    %swap3A_330 = vector.shape_cast %shift_right_arithmetic3A_326 : vector<16xi32> to vector<16xi32>
    tpu.vector_store %arg9[%swap3A_327], %swap3A_330 {strides = array<i32>} : memref<80xi32, #tpu.memory_space<vmem>>, vector<16xi32>,
    %get3A_331 = arith.constant 9952 : index
    %get3A_332 = tpu.vector_load %arg6[%get3A_331] {strides = array<i32>} : memref<10000xi32, #tpu.memory_space<vmem>>, vector<16xi32>,
    %get3A_333 = vector.shape_cast %get3A_332 : vector<16xi32> to vector<16xi32>
    %and3A_334 = arith.constant 65535 : i32
    %and3A_335 = vector.broadcast %and3A_334 : i32 to vector<16xi32>
    %and3A_336 = arith.andi %get3A_333, %and3A_335 : vector<16xi32>
    %swap3A_337 = arith.constant 32 : index
    %swap3A_338 = tpu.vector_load %arg7[%swap3A_337] {strides = array<i32>} : memref<80xi32, #tpu.memory_space<vmem>>, vector<16xi32>,
    %swap3A_339 = vector.shape_cast %swap3A_338 : vector<16xi32> to vector<16xi32>
    %swap3A_340 = vector.shape_cast %and3A_336 : vector<16xi32> to vector<16xi32>
    tpu.vector_store %arg7[%swap3A_337], %swap3A_340 {strides = array<i32>} : memref<80xi32, #tpu.memory_space<vmem>>, vector<16xi32>,
    %shift_right_arithmetic3A_341 = arith.constant 16 : i32
    %shift_right_arithmetic3A_342 = vector.broadcast %shift_right_arithmetic3A_341 : i32 to vector<16xi32>
    %shift_right_arithmetic3A_343 = arith.shrsi %get3A_333, %shift_right_arithmetic3A_342 : vector<16xi32>
    %swap3A_344 = arith.constant 32 : index
    %swap3A_345 = tpu.vector_load %arg9[%swap3A_344] {strides = array<i32>} : memref<80xi32, #tpu.memory_space<vmem>>, vector<16xi32>,
    %swap3A_346 = vector.shape_cast %swap3A_345 : vector<16xi32> to vector<16xi32>
    %swap3A_347 = vector.shape_cast %shift_right_arithmetic3A_343 : vector<16xi32> to vector<16xi32>
    tpu.vector_store %arg9[%swap3A_344], %swap3A_347 {strides = array<i32>} : memref<80xi32, #tpu.memory_space<vmem>>, vector<16xi32>,
    %get3A_348 = arith.constant 9968 : index
    %get3A_349 = tpu.vector_load %arg6[%get3A_348] {strides = array<i32>} : memref<10000xi32, #tpu.memory_space<vmem>>, vector<16xi32>,
    %get3A_350 = vector.shape_cast %get3A_349 : vector<16xi32> to vector<16xi32>
    %and3A_351 = arith.constant 65535 : i32
    %and3A_352 = vector.broadcast %and3A_351 : i32 to vector<16xi32>
    %and3A_353 = arith.andi %get3A_350, %and3A_352 : vector<16xi32>
    %swap3A_354 = arith.constant 48 : index
    %swap3A_355 = tpu.vector_load %arg7[%swap3A_354] {strides = array<i32>} : memref<80xi32, #tpu.memory_space<vmem>>, vector<16xi32>,
    %swap3A_356 = vector.shape_cast %swap3A_355 : vector<16xi32> to vector<16xi32>
    %swap3A_357 = vector.shape_cast %and3A_353 : vector<16xi32> to vector<16xi32>
    tpu.vector_store %arg7[%swap3A_354], %swap3A_357 {strides = array<i32>} : memref<80xi32, #tpu.memory_space<vmem>>, vector<16xi32>,
    %shift_right_arithmetic3A_358 = arith.constant 16 : i32
    %shift_right_arithmetic3A_359 = vector.broadcast %shift_right_arithmetic3A_358 : i32 to vector<16xi32>
    %shift_right_arithmetic3A_360 = arith.shrsi %get3A_350, %shift_right_arithmetic3A_359 : vector<16xi32>
    %swap3A_361 = arith.constant 48 : index
    %swap3A_362 = tpu.vector_load %arg9[%swap3A_361] {strides = array<i32>} : memref<80xi32, #tpu.memory_space<vmem>>, vector<16xi32>,
    %swap3A_363 = vector.shape_cast %swap3A_362 : vector<16xi32> to vector<16xi32>
    %swap3A_364 = vector.shape_cast %shift_right_arithmetic3A_360 : vector<16xi32> to vector<16xi32>
    tpu.vector_store %arg9[%swap3A_361], %swap3A_364 {strides = array<i32>} : memref<80xi32, #tpu.memory_space<vmem>>, vector<16xi32>,
    %get3A_365 = arith.constant 9984 : index
    %get3A_366 = tpu.vector_load %arg6[%get3A_365] {strides = array<i32>} : memref<10000xi32, #tpu.memory_space<vmem>>, vector<16xi32>,
    %get3A_367 = vector.shape_cast %get3A_366 : vector<16xi32> to vector<16xi32>
    %and3A_368 = arith.constant 65535 : i32
    %and3A_369 = vector.broadcast %and3A_368 : i32 to vector<16xi32>
    %and3A_370 = arith.andi %get3A_367, %and3A_369 : vector<16xi32>
    %swap3A_371 = arith.constant 64 : index
    %swap3A_372 = tpu.vector_load %arg7[%swap3A_371] {strides = array<i32>} : memref<80xi32, #tpu.memory_space<vmem>>, vector<16xi32>,
    %swap3A_373 = vector.shape_cast %swap3A_372 : vector<16xi32> to vector<16xi32>
    %swap3A_374 = vector.shape_cast %and3A_370 : vector<16xi32> to vector<16xi32>
    tpu.vector_store %arg7[%swap3A_371], %swap3A_374 {strides = array<i32>} : memref<80xi32, #tpu.memory_space<vmem>>, vector<16xi32>,
    %shift_right_arithmetic3A_375 = arith.constant 16 : i32
    %shift_right_arithmetic3A_376 = vector.broadcast %shift_right_arithmetic3A_375 : i32 to vector<16xi32>
    %shift_right_arithmetic3A_377 = arith.shrsi %get3A_367, %shift_right_arithmetic3A_376 : vector<16xi32>
    %swap3A_378 = arith.constant 64 : index
    %swap3A_379 = tpu.vector_load %arg9[%swap3A_378] {strides = array<i32>} : memref<80xi32, #tpu.memory_space<vmem>>, vector<16xi32>,
    %swap3A_380 = vector.shape_cast %swap3A_379 : vector<16xi32> to vector<16xi32>
    %swap3A_381 = vector.shape_cast %shift_right_arithmetic3A_377 : vector<16xi32> to vector<16xi32>
    tpu.vector_store %arg9[%swap3A_378], %swap3A_381 {strides = array<i32>} : memref<80xi32, #tpu.memory_space<vmem>>, vector<16xi32>,
    %dma_start3A_382 = arith.constant 0 : i32
    %dma_start3A_383 = arith.constant 0 : i32
    %dma_start3A_384 = tpu.memref_slice %arg2[%dma_start3A_382, %dma_start3A_383] : memref<10000x128xf32, #tpu.memory_space<hbm>> -> memref<10000x128xf32, #tpu.memory_space<hbm>>
    tpu.enqueue_indirect_dma source(%dma_start3A_384 : memref<10000x128xf32, #tpu.memory_space<hbm>>) target(%arg11 : memref<80x128xf32, #tpu.memory_space<vmem>>) offsets(%arg7 : memref<80xi32, #tpu.memory_space<vmem>>) semaphore(%arg17 : memref<!tpu.dma_semaphore, #tpu.memory_space<semaphore_mem>>)
    %dma_wait3A_385 = arith.constant 0 : i32
    %dma_wait3A_386 = arith.constant 0 : i32
    %dma_wait3A_387 = tpu.memref_slice %arg2[%dma_wait3A_385, %dma_wait3A_386] : memref<10000x128xf32, #tpu.memory_space<hbm>> -> memref<10000x128xf32, #tpu.memory_space<hbm>>
    tpu.wait_indirect_dma semaphore(%arg18 : memref<!tpu.dma_semaphore, #tpu.memory_space<semaphore_mem>>) src(%dma_wait3A_387 : memref<10000x128xf32, #tpu.memory_space<hbm>>) dst(%arg12 : memref<80x128xf32, #tpu.memory_space<vmem>>)
    %dma_start3A_388 = arith.constant 0 : i32
    %dma_start3A_389 = arith.constant 0 : i32
    %dma_start3A_390 = tpu.memref_slice %arg15[%dma_start3A_388, %dma_start3A_389] : memref<10240x128xf32, #tpu.memory_space<vmem_shared>> -> memref<10240x128xf32, #tpu.memory_space<vmem_shared>>
    tpu.enqueue_indirect_dma source(%arg12 : memref<80x128xf32, #tpu.memory_space<vmem>>) target(%dma_start3A_390 : memref<10240x128xf32, #tpu.memory_space<vmem_shared>>) offsets(%arg10 : memref<80xi32, #tpu.memory_space<vmem>>) semaphore(%arg20 : memref<!tpu.dma_semaphore, #tpu.memory_space<semaphore_mem>>) {add = true}
    %dma_wait3A_391 = arith.constant 0 : i32
    %dma_wait3A_392 = arith.constant 0 : i32
    %dma_wait3A_393 = tpu.memref_slice %arg15[%dma_wait3A_391, %dma_wait3A_392] : memref<10240x128xf32, #tpu.memory_space<vmem_shared>> -> memref<10240x128xf32, #tpu.memory_space<vmem_shared>>
    tpu.wait_indirect_dma semaphore(%arg20 : memref<!tpu.dma_semaphore, #tpu.memory_space<semaphore_mem>>) src(%arg12 : memref<80x128xf32, #tpu.memory_space<vmem>>) dst(%dma_wait3A_393 : memref<10240x128xf32, #tpu.memory_space<vmem_shared>>)
    %dma_wait3A_394 = arith.constant 0 : i32
    %dma_wait3A_395 = arith.constant 0 : i32
    %dma_wait3A_396 = tpu.memref_slice %arg2[%dma_wait3A_394, %dma_wait3A_395] : memref<10000x128xf32, #tpu.memory_space<hbm>> -> memref<10000x128xf32, #tpu.memory_space<hbm>>
    tpu.wait_indirect_dma semaphore(%arg17 : memref<!tpu.dma_semaphore, #tpu.memory_space<semaphore_mem>>) src(%dma_wait3A_396 : memref<10000x128xf32, #tpu.memory_space<hbm>>) dst(%arg11 : memref<80x128xf32, #tpu.memory_space<vmem>>)
    %dma_start3A_397 = arith.constant 0 : i32
    %dma_start3A_398 = arith.constant 0 : i32
    %dma_start3A_399 = tpu.memref_slice %arg15[%dma_start3A_397, %dma_start3A_398] : memref<10240x128xf32, #tpu.memory_space<vmem_shared>> -> memref<10240x128xf32, #tpu.memory_space<vmem_shared>>
    tpu.enqueue_indirect_dma source(%arg11 : memref<80x128xf32, #tpu.memory_space<vmem>>) target(%dma_start3A_399 : memref<10240x128xf32, #tpu.memory_space<vmem_shared>>) offsets(%arg9 : memref<80xi32, #tpu.memory_space<vmem>>) semaphore(%arg19 : memref<!tpu.dma_semaphore, #tpu.memory_space<semaphore_mem>>) {add = true}
    %dma_wait3A_400 = arith.constant 0 : i32
    %dma_wait3A_401 = arith.constant 0 : i32
    %dma_wait3A_402 = tpu.memref_slice %arg15[%dma_wait3A_400, %dma_wait3A_401] : memref<10240x128xf32, #tpu.memory_space<vmem_shared>> -> memref<10240x128xf32, #tpu.memory_space<vmem_shared>>
    tpu.wait_indirect_dma semaphore(%arg19 : memref<!tpu.dma_semaphore, #tpu.memory_space<semaphore_mem>>) src(%arg11 : memref<80x128xf32, #tpu.memory_space<vmem>>) dst(%dma_wait3A_402 : memref<10240x128xf32, #tpu.memory_space<vmem_shared>>)
    %barrier3A_403 = arith.constant 0 : index
    tpu.barrier barrier_id(%barrier3A_403)
    %eq3A = arith.constant 0 : i32
    %eq3A_404 = arith.cmpi eq, %arg0, %eq3A : i32
    %convert_element_type3A = arith.extui %eq3A_404 : i1 to i32
    %cond3A = arith.constant 0 : i32
    %cond3A_405 = arith.cmpi ne, %convert_element_type3A, %cond3A : i32
    scf.if %cond3A_405 {
      "tpu.region"() ({
        %run_scoped3A = tpu.sem_alloc : memref<!tpu.dma_semaphore, #tpu.memory_space<semaphore_mem>>
        %dma_start3A_411 = arith.constant 0 : i32
        %dma_start3A_412 = tpu.memref_slice %arg4[%mul3A_2, %dma_start3A_411] : memref<10240x128xf32, #tpu.memory_space<hbm>> -> memref<640x128xf32, #tpu.memory_space<hbm>>
        %dma_start3A_413 = arith.constant 0 : i32
        %dma_start3A_414 = tpu.memref_slice %arg15[%mul3A_2, %dma_start3A_413] : memref<10240x128xf32, #tpu.memory_space<vmem_shared>> -> memref<640x128xf32, #tpu.memory_space<vmem_shared>>
        tpu.enqueue_dma source(%dma_start3A_414 : memref<640x128xf32, #tpu.memory_space<vmem_shared>>) target(%dma_start3A_412 : memref<640x128xf32, #tpu.memory_space<hbm>>) target_semaphore(%run_scoped3A : memref<!tpu.dma_semaphore, #tpu.memory_space<semaphore_mem>>)
        %dma_wait3A_415 = arith.constant 0 : i32
        %dma_wait3A_416 = tpu.memref_slice %arg4[%mul3A_2, %dma_wait3A_415] : memref<10240x128xf32, #tpu.memory_space<hbm>> -> memref<640x128xf32, #tpu.memory_space<hbm>>
        %dma_wait3A_417 = arith.constant 0 : i32
        %dma_wait3A_418 = tpu.memref_slice %arg15[%mul3A_2, %dma_wait3A_417] : memref<10240x128xf32, #tpu.memory_space<vmem_shared>> -> memref<640x128xf32, #tpu.memory_space<vmem_shared>>
        tpu.wait_dma2 semaphore(%run_scoped3A : memref<!tpu.dma_semaphore, #tpu.memory_space<semaphore_mem>>) src(%dma_wait3A_418 : memref<640x128xf32, #tpu.memory_space<vmem_shared>>) dst(%dma_wait3A_416 : memref<640x128xf32, #tpu.memory_space<hbm>>)
        tpu.yield
      }) : () -> ()
    } else {
    }
    %eq3A_406 = arith.constant 1 : i32
    %eq3A_407 = arith.cmpi eq, %arg0, %eq3A_406 : i32
    %convert_element_type3A_408 = arith.extui %eq3A_407 : i1 to i32
    %cond3A_409 = arith.constant 0 : i32
    %cond3A_410 = arith.cmpi ne, %convert_element_type3A_408, %cond3A_409 : i32
    scf.if %cond3A_410 {
      "tpu.region"() ({
        %run_scoped3A = tpu.sem_alloc : memref<!tpu.dma_semaphore, #tpu.memory_space<semaphore_mem>>
        %dma_start3A_411 = arith.constant 0 : i32
        %dma_start3A_412 = tpu.memref_slice %arg5[%mul3A_2, %dma_start3A_411] : memref<10240x128xf32, #tpu.memory_space<hbm>> -> memref<640x128xf32, #tpu.memory_space<hbm>>
        %dma_start3A_413 = arith.constant 0 : i32
        %dma_start3A_414 = tpu.memref_slice %arg15[%mul3A_2, %dma_start3A_413] : memref<10240x128xf32, #tpu.memory_space<vmem_shared>> -> memref<640x128xf32, #tpu.memory_space<vmem_shared>>
        tpu.enqueue_dma source(%dma_start3A_414 : memref<640x128xf32, #tpu.memory_space<vmem_shared>>) target(%dma_start3A_412 : memref<640x128xf32, #tpu.memory_space<hbm>>) target_semaphore(%run_scoped3A : memref<!tpu.dma_semaphore, #tpu.memory_space<semaphore_mem>>)
        %dma_wait3A_415 = arith.constant 0 : i32
        %dma_wait3A_416 = tpu.memref_slice %arg5[%mul3A_2, %dma_wait3A_415] : memref<10240x128xf32, #tpu.memory_space<hbm>> -> memref<640x128xf32, #tpu.memory_space<hbm>>
        %dma_wait3A_417 = arith.constant 0 : i32
        %dma_wait3A_418 = tpu.memref_slice %arg15[%mul3A_2, %dma_wait3A_417] : memref<10240x128xf32, #tpu.memory_space<vmem_shared>> -> memref<640x128xf32, #tpu.memory_space<vmem_shared>>
        tpu.wait_dma2 semaphore(%run_scoped3A : memref<!tpu.dma_semaphore, #tpu.memory_space<semaphore_mem>>) src(%dma_wait3A_418 : memref<640x128xf32, #tpu.memory_space<vmem_shared>>) dst(%dma_wait3A_416 : memref<640x128xf32, #tpu.memory_space<hbm>>)
        tpu.yield
      }) : () -> ()
    } else {
    }
    return
  }
}

module attributes {stable_mosaic.version = 14 : i64} {
  func.func @_tc_pre_body(%arg0: i32, %arg1: memref<2000x128xf32, #tpu.memory_space<vmem>>, %arg2: memref<128x128xf32, #tpu.memory_space<vmem>>, %arg3: memref<1x128xf32, #tpu.memory_space<vmem>>, %arg4: memref<2000x128xf32, #tpu.memory_space<vmem>>) attributes {dimension_semantics = [#tpu.dimension_semantics<arbitrary>], iteration_bounds = array<i64: 5>, scalar_prefetch = 0 : i64, scratch_operands = 0 : i64, tpu.core_type = #tpu.core_type<tc>, window_params = [{transform_indices = @transform_0, window_bounds = array<i64: 2000, 128>}, {pipeline_mode = #tpu.pipeline_mode<synchronous>, transform_indices = @transform_1, window_bounds = array<i64: 128, 128>}, {pipeline_mode = #tpu.pipeline_mode<synchronous>, transform_indices = @transform_2, window_bounds = array<i64: 1, 128>}, {transform_indices = @transform_3, window_bounds = array<i64: 2000, 128>}]} {
    %get3A = arith.constant 0 : index
    %get3A_0 = arith.constant 0 : index
    %get3A_1 = vector.load %arg1[%get3A, %get3A_0] : memref<2000x128xf32, #tpu.memory_space<vmem>>, vector<2000x128xf32>
    %get3A_2 = arith.constant 0 : index
    %get3A_3 = arith.constant 0 : index
    %get3A_4 = vector.load %arg2[%get3A_2, %get3A_3] : memref<128x128xf32, #tpu.memory_space<vmem>>, vector<128x128xf32>
    %dot_general3A = arith.constant dense<0.000000e+00> : vector<2000x128xf32>
    %dot_general3A_5 = tpu.matmul %get3A_1, %get3A_4, %dot_general3A {dimension_numbers = #tpu.dot_dimension_numbers<[1], [0], [0], [1], [0, 0, 1, 1], [], []>, transpose_lhs_hint = false} : vector<2000x128xf32>, vector<128x128xf32>, vector<2000x128xf32> -> vector<2000x128xf32>
    %get3A_6 = arith.constant 0 : index
    %get3A_7 = arith.constant 0 : index
    %get3A_8 = vector.load %arg3[%get3A_6, %get3A_7] : memref<1x128xf32, #tpu.memory_space<vmem>>, vector<1x128xf32>
    %add3A = vector.broadcast %get3A_8 : vector<1x128xf32> to vector<2000x128xf32>
    %add3A_9 = arith.addf %dot_general3A_5, %add3A : vector<2000x128xf32>
    %swap3A = arith.constant 0 : index
    %swap3A_10 = arith.constant 0 : index
    %swap3A_11 = vector.load %arg4[%swap3A, %swap3A_10] : memref<2000x128xf32, #tpu.memory_space<vmem>>, vector<2000x128xf32>
    tpu.vector_store %arg4[%swap3A, %swap3A_10], %add3A_9 {strides = array<i32>} : memref<2000x128xf32, #tpu.memory_space<vmem>>, vector<2000x128xf32>,
    return
  }
  func.func @transform_0(%arg0: i32) -> (i32, i32) {
    %c0_i32 = arith.constant 0 : i32
    %c0_i32_0 = arith.constant 0 : i32
    return %arg0, %c0_i32 : i32, i32
  }
  func.func @transform_1(%arg0: i32) -> (i32, i32) {
    %c0_i32 = arith.constant 0 : i32
    %c0_i32_0 = arith.constant 0 : i32
    %c0_i32_1 = arith.constant 0 : i32
    return %c0_i32, %c0_i32_0 : i32, i32
  }
  func.func @transform_2(%arg0: i32) -> (i32, i32) {
    %c0_i32 = arith.constant 0 : i32
    %c0_i32_0 = arith.constant 0 : i32
    %c0_i32_1 = arith.constant 0 : i32
    return %c0_i32, %c0_i32_0 : i32, i32
  }
  func.func @transform_3(%arg0: i32) -> (i32, i32) {
    %c0_i32 = arith.constant 0 : i32
    %c0_i32_0 = arith.constant 0 : i32
    return %arg0, %c0_i32 : i32, i32
  }
}

module attributes {stable_mosaic.version = 14 : i64} {
  func.func @_pack_body(%arg0: memref<2x320000xi32, #tpu.memory_space<vmem>>, %arg1: memref<320000xi32, #tpu.memory_space<vmem>>) attributes {dimension_semantics = [], scalar_prefetch = 0 : i64, scratch_operands = 0 : i64, tpu.core_type = #tpu.core_type<tc>} {
    %get3A = arith.constant 0 : index
    %get3A_0 = arith.constant 0 : index
    %get3A_1 = vector.load %arg0[%get3A, %get3A_0] : memref<2x320000xi32, #tpu.memory_space<vmem>>, vector<1x320000xi32>
    %get3A_2 = vector.shape_cast %get3A_1 : vector<1x320000xi32> to vector<320000xi32>
    %get3A_3 = arith.constant 1 : index
    %get3A_4 = arith.constant 0 : index
    %get3A_5 = vector.load %arg0[%get3A_3, %get3A_4] : memref<2x320000xi32, #tpu.memory_space<vmem>>, vector<1x320000xi32>
    %get3A_6 = vector.shape_cast %get3A_5 : vector<1x320000xi32> to vector<320000xi32>
    %shift_left3A = arith.constant 16 : i32
    %shift_left3A_7 = vector.broadcast %shift_left3A : i32 to vector<320000xi32>
    %shift_left3A_8 = arith.shli %get3A_6, %shift_left3A_7 : vector<320000xi32>
    %or3A = arith.ori %get3A_2, %shift_left3A_8 : vector<320000xi32>
    %swap3A = arith.constant 0 : index
    %swap3A_9 = vector.load %arg1[%swap3A] : memref<320000xi32, #tpu.memory_space<vmem>>, vector<320000xi32>
    tpu.vector_store %arg1[%swap3A], %or3A {strides = array<i32>} : memref<320000xi32, #tpu.memory_space<vmem>>, vector<320000xi32>,
    return
  }
}

module attributes {stable_mosaic.version = 14 : i64} {
  func.func @_tc_post_body(%arg0: i32, %arg1: memref<2000x128xf32, #tpu.memory_space<vmem>>, %arg2: memref<2000x128xf32, #tpu.memory_space<vmem>>, %arg3: memref<2000x1xf32, #tpu.memory_space<vmem>>, %arg4: memref<2000x1xf32, #tpu.memory_space<vmem>>, %arg5: memref<2000x128xf32, #tpu.memory_space<vmem>>, %arg6: memref<128x128xf32, #tpu.memory_space<vmem>>, %arg7: memref<2000x128xf32, #tpu.memory_space<vmem>>) attributes {dimension_semantics = [#tpu.dimension_semantics<arbitrary>], iteration_bounds = array<i64: 5>, scalar_prefetch = 0 : i64, scratch_operands = 0 : i64, tpu.core_type = #tpu.core_type<tc>, window_params = [{transform_indices = @transform_0, window_bounds = array<i64: 2000, 128>}, {transform_indices = @transform_1, window_bounds = array<i64: 2000, 128>}, {transform_indices = @transform_2, window_bounds = array<i64: 2000, 1>}, {transform_indices = @transform_3, window_bounds = array<i64: 2000, 1>}, {transform_indices = @transform_4, window_bounds = array<i64: 2000, 128>}, {pipeline_mode = #tpu.pipeline_mode<synchronous>, transform_indices = @transform_5, window_bounds = array<i64: 128, 128>}, {transform_indices = @transform_6, window_bounds = array<i64: 2000, 128>}]} {
    %get3A = arith.constant 0 : index
    %get3A_0 = arith.constant 0 : index
    %get3A_1 = vector.load %arg1[%get3A, %get3A_0] : memref<2000x128xf32, #tpu.memory_space<vmem>>, vector<2000x128xf32>
    %get3A_2 = arith.constant 0 : index
    %get3A_3 = arith.constant 0 : index
    %get3A_4 = vector.load %arg2[%get3A_2, %get3A_3] : memref<2000x128xf32, #tpu.memory_space<vmem>>, vector<2000x128xf32>
    %add3A = arith.addf %get3A_1, %get3A_4 : vector<2000x128xf32>
    %get3A_5 = arith.constant 0 : index
    %get3A_6 = arith.constant 0 : index
    %get3A_7 = vector.load %arg3[%get3A_5, %get3A_6] : memref<2000x1xf32, #tpu.memory_space<vmem>>, vector<2000x1xf32>
    %get3A_8 = arith.constant 0 : index
    %get3A_9 = arith.constant 0 : index
    %get3A_10 = vector.load %arg4[%get3A_8, %get3A_9] : memref<2000x1xf32, #tpu.memory_space<vmem>>, vector<2000x1xf32>
    %add3A_11 = arith.addf %get3A_7, %get3A_10 : vector<2000x1xf32>
    %max3A = arith.constant 1.000000e+00 : f32
    %max3A_12 = vector.broadcast %max3A : f32 to vector<2000x1xf32>
    %max3A_13 = arith.maximumf %add3A_11, %max3A_12 : vector<2000x1xf32>
    %div3A = vector.broadcast %max3A_13 : vector<2000x1xf32> to vector<2000x128xf32>
    %div3A_14 = arith.divf %add3A, %div3A : vector<2000x128xf32>
    %get3A_15 = arith.constant 0 : index
    %get3A_16 = arith.constant 0 : index
    %get3A_17 = vector.load %arg6[%get3A_15, %get3A_16] : memref<128x128xf32, #tpu.memory_space<vmem>>, vector<128x128xf32>
    %dot_general3A = arith.constant dense<0.000000e+00> : vector<2000x128xf32>
    %dot_general3A_18 = tpu.matmul %div3A_14, %get3A_17, %dot_general3A {dimension_numbers = #tpu.dot_dimension_numbers<[1], [0], [0], [1], [0, 0, 1, 1], [], []>, transpose_lhs_hint = false} : vector<2000x128xf32>, vector<128x128xf32>, vector<2000x128xf32> -> vector<2000x128xf32>
    %get3A_19 = arith.constant 0 : index
    %get3A_20 = arith.constant 0 : index
    %get3A_21 = vector.load %arg5[%get3A_19, %get3A_20] : memref<2000x128xf32, #tpu.memory_space<vmem>>, vector<2000x128xf32>
    %add3A_22 = arith.addf %dot_general3A_18, %get3A_21 : vector<2000x128xf32>
    %max3A_23 = arith.constant 0.000000e+00 : f32
    %max3A_24 = vector.broadcast %max3A_23 : f32 to vector<2000x128xf32>
    %max3A_25 = arith.maximumf %add3A_22, %max3A_24 : vector<2000x128xf32>
    %swap3A = arith.constant 0 : index
    %swap3A_26 = arith.constant 0 : index
    %swap3A_27 = vector.load %arg7[%swap3A, %swap3A_26] : memref<2000x128xf32, #tpu.memory_space<vmem>>, vector<2000x128xf32>
    tpu.vector_store %arg7[%swap3A, %swap3A_26], %max3A_25 {strides = array<i32>} : memref<2000x128xf32, #tpu.memory_space<vmem>>, vector<2000x128xf32>,
    return
  }
  func.func @transform_0(%arg0: i32) -> (i32, i32) {
    %c0_i32 = arith.constant 0 : i32
    %c0_i32_0 = arith.constant 0 : i32
    return %arg0, %c0_i32 : i32, i32
  }
  func.func @transform_1(%arg0: i32) -> (i32, i32) {
    %c0_i32 = arith.constant 0 : i32
    %c0_i32_0 = arith.constant 0 : i32
    return %arg0, %c0_i32 : i32, i32
  }
  func.func @transform_2(%arg0: i32) -> (i32, i32) {
    %c0_i32 = arith.constant 0 : i32
    %c0_i32_0 = arith.constant 0 : i32
    return %arg0, %c0_i32 : i32, i32
  }
  func.func @transform_3(%arg0: i32) -> (i32, i32) {
    %c0_i32 = arith.constant 0 : i32
    %c0_i32_0 = arith.constant 0 : i32
    return %arg0, %c0_i32 : i32, i32
  }
  func.func @transform_4(%arg0: i32) -> (i32, i32) {
    %c0_i32 = arith.constant 0 : i32
    %c0_i32_0 = arith.constant 0 : i32
    return %arg0, %c0_i32 : i32, i32
  }
  func.func @transform_5(%arg0: i32) -> (i32, i32) {
    %c0_i32 = arith.constant 0 : i32
    %c0_i32_0 = arith.constant 0 : i32
    %c0_i32_1 = arith.constant 0 : i32
    return %c0_i32, %c0_i32_0 : i32, i32
  }
  func.func @transform_6(%arg0: i32) -> (i32, i32) {
    %c0_i32 = arith.constant 0 : i32
    %c0_i32_0 = arith.constant 0 : i32
    return %arg0, %c0_i32 : i32, i32
  }
}

module attributes {stable_mosaic.version = 14 : i64} {
  func.func @_tc_post_body(%arg0: i32, %arg1: memref<2000x128xf32, #tpu.memory_space<vmem>>, %arg2: memref<2000x128xf32, #tpu.memory_space<vmem>>, %arg3: memref<2000x1xf32, #tpu.memory_space<vmem>>, %arg4: memref<2000x1xf32, #tpu.memory_space<vmem>>, %arg5: memref<2000x128xf32, #tpu.memory_space<vmem>>, %arg6: memref<128x128xf32, #tpu.memory_space<vmem>>, %arg7: memref<2000x128xf32, #tpu.memory_space<vmem>>) attributes {dimension_semantics = [#tpu.dimension_semantics<arbitrary>], iteration_bounds = array<i64: 5>, scalar_prefetch = 0 : i64, scratch_operands = 0 : i64, tpu.core_type = #tpu.core_type<tc>, window_params = [{transform_indices = @transform_0, window_bounds = array<i64: 2000, 128>}, {transform_indices = @transform_1, window_bounds = array<i64: 2000, 128>}, {transform_indices = @transform_2, window_bounds = array<i64: 2000, 1>}, {transform_indices = @transform_3, window_bounds = array<i64: 2000, 1>}, {transform_indices = @transform_4, window_bounds = array<i64: 2000, 128>}, {pipeline_mode = #tpu.pipeline_mode<synchronous>, transform_indices = @transform_5, window_bounds = array<i64: 128, 128>}, {transform_indices = @transform_6, window_bounds = array<i64: 2000, 128>}]} {
    %get3A = arith.constant 0 : index
    %get3A_0 = arith.constant 0 : index
    %get3A_1 = vector.load %arg1[%get3A, %get3A_0] : memref<2000x128xf32, #tpu.memory_space<vmem>>, vector<2000x128xf32>
    %get3A_2 = arith.constant 0 : index
    %get3A_3 = arith.constant 0 : index
    %get3A_4 = vector.load %arg2[%get3A_2, %get3A_3] : memref<2000x128xf32, #tpu.memory_space<vmem>>, vector<2000x128xf32>
    %add3A = arith.addf %get3A_1, %get3A_4 : vector<2000x128xf32>
    %get3A_5 = arith.constant 0 : index
    %get3A_6 = arith.constant 0 : index
    %get3A_7 = vector.load %arg3[%get3A_5, %get3A_6] : memref<2000x1xf32, #tpu.memory_space<vmem>>, vector<2000x1xf32>
    %get3A_8 = arith.constant 0 : index
    %get3A_9 = arith.constant 0 : index
    %get3A_10 = vector.load %arg4[%get3A_8, %get3A_9] : memref<2000x1xf32, #tpu.memory_space<vmem>>, vector<2000x1xf32>
    %add3A_11 = arith.addf %get3A_7, %get3A_10 : vector<2000x1xf32>
    %max3A = arith.constant 1.000000e+00 : f32
    %max3A_12 = vector.broadcast %max3A : f32 to vector<2000x1xf32>
    %max3A_13 = arith.maximumf %add3A_11, %max3A_12 : vector<2000x1xf32>
    %div3A = vector.broadcast %max3A_13 : vector<2000x1xf32> to vector<2000x128xf32>
    %div3A_14 = arith.divf %add3A, %div3A : vector<2000x128xf32>
    %get3A_15 = arith.constant 0 : index
    %get3A_16 = arith.constant 0 : index
    %get3A_17 = vector.load %arg6[%get3A_15, %get3A_16] : memref<128x128xf32, #tpu.memory_space<vmem>>, vector<128x128xf32>
    %dot_general3A = arith.constant dense<0.000000e+00> : vector<2000x128xf32>
    %dot_general3A_18 = tpu.matmul %div3A_14, %get3A_17, %dot_general3A {dimension_numbers = #tpu.dot_dimension_numbers<[1], [0], [0], [1], [0, 0, 1, 1], [], []>, transpose_lhs_hint = false} : vector<2000x128xf32>, vector<128x128xf32>, vector<2000x128xf32> -> vector<2000x128xf32>
    %get3A_19 = arith.constant 0 : index
    %get3A_20 = arith.constant 0 : index
    %get3A_21 = vector.load %arg5[%get3A_19, %get3A_20] : memref<2000x128xf32, #tpu.memory_space<vmem>>, vector<2000x128xf32>
    %add3A_22 = arith.addf %dot_general3A_18, %get3A_21 : vector<2000x128xf32>
    %swap3A = arith.constant 0 : index
    %swap3A_23 = arith.constant 0 : index
    %swap3A_24 = vector.load %arg7[%swap3A, %swap3A_23] : memref<2000x128xf32, #tpu.memory_space<vmem>>, vector<2000x128xf32>
    tpu.vector_store %arg7[%swap3A, %swap3A_23], %add3A_22 {strides = array<i32>} : memref<2000x128xf32, #tpu.memory_space<vmem>>, vector<2000x128xf32>,
    return
  }
  func.func @transform_0(%arg0: i32) -> (i32, i32) {
    %c0_i32 = arith.constant 0 : i32
    %c0_i32_0 = arith.constant 0 : i32
    return %arg0, %c0_i32 : i32, i32
  }
  func.func @transform_1(%arg0: i32) -> (i32, i32) {
    %c0_i32 = arith.constant 0 : i32
    %c0_i32_0 = arith.constant 0 : i32
    return %arg0, %c0_i32 : i32, i32
  }
  func.func @transform_2(%arg0: i32) -> (i32, i32) {
    %c0_i32 = arith.constant 0 : i32
    %c0_i32_0 = arith.constant 0 : i32
    return %arg0, %c0_i32 : i32, i32
  }
  func.func @transform_3(%arg0: i32) -> (i32, i32) {
    %c0_i32 = arith.constant 0 : i32
    %c0_i32_0 = arith.constant 0 : i32
    return %arg0, %c0_i32 : i32, i32
  }
  func.func @transform_4(%arg0: i32) -> (i32, i32) {
    %c0_i32 = arith.constant 0 : i32
    %c0_i32_0 = arith.constant 0 : i32
    return %arg0, %c0_i32 : i32, i32
  }
  func.func @transform_5(%arg0: i32) -> (i32, i32) {
    %c0_i32 = arith.constant 0 : i32
    %c0_i32_0 = arith.constant 0 : i32
    %c0_i32_1 = arith.constant 0 : i32
    return %c0_i32, %c0_i32_0 : i32, i32
  }
  func.func @transform_6(%arg0: i32) -> (i32, i32) {
    %c0_i32 = arith.constant 0 : i32
    %c0_i32_0 = arith.constant 0 : i32
    return %arg0, %c0_i32 : i32, i32
  }
}

</mosaic_0001>

<sc_bundles>
// kernel: kernel.12.cloned.1.call-start
scs
__scs_entry_jumppad:
0x0: {  	(pc) =	sbr.rel $0x88, $3  }
0x1: {  	(tag) =	ssettag $0x0;
	lr =	simm.s32 $0x1  }
0x2: {  	[smem:$0x3F99] =	sst lr;
	_ =	strace $0xD0000000  }
0x3: {  	_ = 	snop  }
0x4: {  	_ = 	snop  }
0x5: {  	_ = 	snop  }
0x6: {  	_ = 	snop  }
0x7: {  	_ = 	snop  }
__scs_overlays_trampoline_lowered:
0x8: {  	[smem:$0x3FA8] =	sst s0  }
0x9: {  	[smem:$0x3FA9] =	sst s1  }
0xa: {  	[smem:$0x3FAA] =	sst s2  }
0xb: {  	[smem:$0x3FAB] =	sst s3  }
0xc: {  	[smem:$0x3FAC] =	sst s4  }
0xd: {  	[smem:$0x3FAD] =	sst s5  }
0xe: {  	[smem:$0x3FAE] =	sst s6  }
0xf: {  	[smem:$0x3FAF] =	sst s7  }
0x10: {  	[smem:$0x3FB0] =	sst s8  }
0x11: {  	[smem:$0x3FB1] =	sst s9;
	s0 =	simm.s32 @!p0 $0x0  }
0x12: {  	s1 =	sld [smem:$0x3F97];
	s0 =	simm.s32 @p0 $0x1  }
0x13: {  	[smem:$0x3FB2] =	sst s0;
	s0 =	simm.s32 @!p1 $0x0  }
0x14: {  	s2 =	sld [smem:$0x3F96];
	s0 =	simm.s32 @p1 $0x1  }
0x15: {  	[smem:$0x3FB3] =	sst s0;
	s0 =	simm.s32 @!p2 $0x0  }
0x16: {  	s3 =	sld [smem:$0x3FDB];
	s0 =	simm.s32 @p2 $0x1  }
0x17: {  	s4 =	simm.s32 $0x1BF5;
	[smem:$0x3FB5] =	sst s0  }
0x18: {  	s0 =	sld [smem:$0x3F98];
	_ =	swait.ge [sflag:s4], $0x0  }
0x19: {  	s7 =	sld [smem:$0x3F99]  }
0x1a: {  	s8 =	sadd.s32 $0xFFFFE003, lr  }
0x1b: {  	s9 =	sadd.s32 $0xFFFFFEF7, lr;
	s5 =	simm.s32 $0xFFFFFFFF;
	p2 =	slt.u32 s8, $0xFFFFF086  }
0x1c: {  	p1 =	slt.u32 s9, $0xF7A;
	s5 =	simm.s32 @!p2 $0x0  }
0x1d: {  	s5 =	simm.s32 @p1 $0x1;
	p0 =	seq.s32 s7, s2  }
0x1e: {  	s7 =	smul.u32 @!p0 $0xF7A, s2;
	p2 =	seq.s32 @!p0 s5, $0x0  }
0x1f: {  	s9 =	smul.u32 $0xF7A, s1;
	s8 =	simm.s32 @!p0 $0x1BF5;
	p2 =	por !p2, p0  }
0x20: {  	[sflag:s8] =	ssyncset.s32 @!p0 $0xFFFFF086;
	s6 =	sadd.s32 @!p0 s3, s7;
	s7 =	simm.s32 @!p0 $0x108  }
0x21: {  	s3 =	sadd.s32 s3, s9;
	s6 =	sadd.s32 @!p0 $0x88, s6;
	s7 =	simm.s32 @p2 $0x1082  }
0x22: {  	[simem:s7], [sflag:s8] =	dma.local @!p0 [hbm:s6], $0xF7A  }
0x23: {  	s9 =	sor.u32 $0xD0000000, s2;
	s6 =	simm.s32 $0x108;
	_ =	swait.ge @!p0 [sflag:s8], $0x0  }
0x24: {  	s3 =	sadd.s32 $0x88, s3;
	s6 =	simm.s32 @!p1 $0x1082;
	[sflag:s4] =	ssyncset.s32 $0xFFFFF086  }
0x25: {  	[simem:s6], [sflag:s4] =	dma.local [hbm:s3], $0xF7A  }
0x26: {  	[smem:$0x3F99] =	sst s1;
	(tag) =	ssettag s2;
	_ =	strace s9  }
0x27: {  	s1 =	sld [smem:$0x3FA9]  }
0x28: {  	s2 =	sld [smem:$0x3FAA]  }
0x29: {  	s4 =	sld [smem:$0x3FAC]  }
0x2a: {  	p0 =	seq.s32 s5, $0x0;
	s5 =	sld [smem:$0x3FAD]  }
0x2b: {  	s6 =	sld [smem:$0x3FAE]  }
0x2c: {  	s7 =	sld [smem:$0x3FAF]  }
0x2d: {  	s3 =	simm.s32 $0x108;
	s8 =	sld [smem:$0x3FB0]  }
0x2e: {  	s3 =	simm.s32 @!p0 $0x1082;
	s9 =	sld [smem:$0x3FB1]  }
0x2f: {  	lr =	sadd.s32 s0, s3;
	s0 =	sld [smem:$0x3FA8]  }
0x30: {  	s3 =	sld [smem:$0x3FAB]  }
0x31: {  	[smem:$0x3FB4] =	sst s10  }
0x32: {  	s10 =	sld [smem:$0x3FB2];
	_ =	sdelay $0x3  }
0x33: {  	p0 =	seq.s32 s10, $0x1;
	s10 =	sld [smem:$0x3FB4];
	_ =	sdelay $0x3  }
0x34: {  	[smem:$0x3FB4] =	sst s10  }
0x35: {  	s10 =	sld [smem:$0x3FB3];
	_ =	sdelay $0x3  }
0x36: {  	p1 =	seq.s32 s10, $0x1;
	s10 =	sld [smem:$0x3FB4];
	_ =	sdelay $0x3  }
0x37: {  	[smem:$0x3FB4] =	sst s10  }
0x38: {  	s10 =	sld [smem:$0x3FB5]  }
0x39: {  	_ = 	snop;
	(pc) =	sbr.ind lr, $3  }
0x3a: {  	_ = 	snop  }
0x3b: {  	_ = 	snop  }
0x3c: {  	p2 =	seq.s32 s10, $0x1;
	s10 =	sld [smem:$0x3FB4]  }
0x3d: {  	_ =	shalt  }
0x3e: {  	_ =	shalt  }
0x3f: {  	_ =	shalt  }
0x40: {  	_ =	shalt  }
0x41: {  	_ =	shalt  }
0x42: {  	_ =	shalt  }
0x43: {  	_ =	shalt  }
0x44: {  	_ =	shalt  }
0x45: {  	_ =	shalt  }
0x46: {  	_ =	shalt  }
0x47: {  	_ =	shalt  }
0x48: {  	_ =	shalt  }
0x49: {  	_ =	shalt  }
0x4a: {  	_ =	shalt  }
0x4b: {  	_ =	shalt  }
0x4c: {  	_ =	shalt  }
0x4d: {  	_ =	shalt  }
0x4e: {  	_ =	shalt  }
0x4f: {  	_ =	shalt  }
0x50: {  	_ =	shalt  }
0x51: {  	_ =	shalt  }
0x52: {  	_ =	shalt  }
0x53: {  	_ =	shalt  }
0x54: {  	_ =	shalt  }
0x55: {  	_ =	shalt  }
0x56: {  	_ =	shalt  }
0x57: {  	_ =	shalt  }
0x58: {  	_ =	shalt  }
0x59: {  	_ =	shalt  }
0x5a: {  	_ =	shalt  }
0x5b: {  	_ =	shalt  }
0x5c: {  	_ =	shalt  }
0x5d: {  	_ =	shalt  }
0x5e: {  	_ =	shalt  }
0x5f: {  	_ =	shalt  }
0x60: {  	_ =	shalt  }
0x61: {  	_ =	shalt  }
0x62: {  	_ =	shalt  }
0x63: {  	_ =	shalt  }
0x64: {  	_ =	shalt  }
0x65: {  	_ =	shalt  }
0x66: {  	_ =	shalt  }
0x67: {  	_ =	shalt  }
0x68: {  	_ =	shalt  }
0x69: {  	_ =	shalt  }
0x6a: {  	_ =	shalt  }
0x6b: {  	_ =	shalt  }
0x6c: {  	_ =	shalt  }
0x6d: {  	_ =	shalt  }
0x6e: {  	_ =	shalt  }
0x6f: {  	_ =	shalt  }
0x70: {  	_ =	shalt  }
0x71: {  	_ =	shalt  }
0x72: {  	_ =	shalt  }
0x73: {  	_ =	shalt  }
0x74: {  	_ =	shalt  }
0x75: {  	_ =	shalt  }
0x76: {  	_ =	shalt  }
0x77: {  	_ =	shalt  }
0x78: {  	_ =	shalt  }
0x79: {  	_ =	shalt  }
0x7a: {  	_ =	shalt  }
0x7b: {  	_ =	shalt  }
0x7c: {  	_ =	shalt  }
0x7d: {  	_ =	shalt  }
0x7e: {  	_ =	shalt  }
0x7f: {  	_ =	shalt  }
0x80: {  	_ =	shalt  }
0x81: {  	_ =	shalt  }
0x82: {  	_ =	shalt  }
0x83: {  	_ =	shalt  }
0x84: {  	_ =	shalt  }
0x85: {  	_ =	shalt  }
0x86: {  	_ =	shalt  }
0x87: {  	_ =	shalt  }
.Lfunc_end0:
.L_simem_size_0:
called_computation.1_lowered:
.L_overlay_start_0:
0x88: {  	s2 =	sld [smem:$0x3FD9]  }
0x89: {  	s3 =	sld [smem:$0x3FFE];
	_ =	sdelay $0x1  }
0x8a: {  	s1 =	srdreg.scid  }
0x8b: {  	s0 =	sand.u32 $0x1, s1  }
0x8c: {  	s17 =	sshll.u32 s0, $0xA;
	s2 =	sadd.s32 s3, s2  }
0x8d: {  	s2 =	sadd.s32 s2, s17  }
0x8e: {  	[smem:$0x3FC0] =	sst s2  }
0x8f: {  	_ = 	snop  }
0x90: {  	s2 =	sld [smem:$0x3FD0];
	(tm) =	ssettm $0x1  }
0x91: {  	s18 =	sld [smem:$0x3FFB];
	_ =	sdelay $0x3  }
0x92: {  	_ =	strace s18  }
0x93: {  	s3 =	sld [smem:$0x3FFC];
	_ =	sdelay $0x3  }
0x94: {  	_ =	strace s3  }
0x95: {  	s3 =	sld [smem:$0x3FFD];
	_ =	sdelay $0x3  }
0x96: {  	_ =	strace s3  }
0x97: {  	_ =	strace $0x8FFFFFFF  }
0x98: {  	s19 =	sld [smem:$0x3FDB];
	_ =	sdelay $0x1  }
0x99: {  	s4 =	simm.s32 $_scs_section_size  }
0x9a: {  	s5 =	simm.s32 $_size__tile_overlayer_lowered;
	s6 =	simm.s32 $_tile_overlayer_lowered  }
0x9b: {  	s22 =	simm.s32 $0x1BFF;
	s21 =	sshll.u32 s6, $0x1;
	s3 =	sadd.s32 s4, s19  }
0x9c: {  	s7 =	simm.s32 $0x0;
	s20 =	sshll.u32 s5, $0x1;
	s5 =	sadd.s32 s21, s3  }
0x9d: {  	[timem:s7], [sflag:s22] =	dma.local [hbm:s5], s20  }
0x9e: {  	_ =	swait.ge [sflag:s22], s20  }
0x9f: {  	s4 =	ssub.s32 $0x0, s20;
	[sflag:s22] =	ssyncset.done $0x0  }
0xa0: {  	[sflag:s22] =	ssyncadd.s32 s4;
	_ =	sdelay $0x1  }
0xa1: {  	s23 =	simm.s32 $0x1B8B  }
0xa2: {  	_ =	swait.ge [sflag:s23], $0x1  }
0xa3: {  	[sflag:s23] =	ssyncset.done $0x0  }
0xa4: {  	s25 =	simm.s32 $0x1B8E;
	s24 =	sld [smem:$0x3FFE];
	[sflag:s23] =	ssyncadd.s32 $0xFFFFFFFF  }
0xa5: {  	s26 =	simm.s32 $execute0_lowered;
	[smem:$0x3FD2] =	sst s25  }
0xa6: {  	s5 =	sshll.u32 s26, $0x1;
	_ =	strace $0x80000049;
	[dreg:$0x1] =	wrdreg $0xFFFFFFFF  }
0xa7: {  	s28 =	simm.s32 $_size_execute0_lowered;
	s3 =	sadd.s32 s3, s5;
	[dreg:$0x0] =	wrdreg $0x0  }
0xa8: {  	s5 =	sshll.u32 s28, $0x1;
	[dreg:$0x2] =	wrdreg s3  }
0xa9: {  	[dreg:$0x3] =	wrdreg s5  }
0xaa: {  	[dreg:$0x4] =	wrdreg $0xC0  }
0xab: {  	_ =	task [dreg:s7], $0x5FFFF  }
0xac: {  	[dreg:$0x1] =	wrdreg $0xFFFFFFFF  }
0xad: {  	[dreg:$0x0] =	wrdreg $0x60  }
0xae: {  	[dreg:$0x2] =	wrdreg s2  }
0xaf: {  	[dreg:$0x3] =	wrdreg s24  }
0xb0: {  	[dreg:$0x4] =	wrdreg $0x79800  }
0xb1: {  	[dreg:$0x5] =	wrdreg $0x9  }
0xb2: {  	_ =	task.clear_ibuf [dreg:s7], $0x6FFFF;
	_ =	strace $0x90000049  }
0xb3: {  	s29 =	simm.s32 $0x9;
	_ =	strace $0x8000004B  }
0xb4: {  	_ =	swait.ge [sflag:s29], $0x1  }
0xb5: {  	[sflag:s29] =	ssyncadd.s32 $0xFFFFFFFF  }
0xb6: {  	_ =	strace $0x9000004B  }
0xb7: {  	_ =	sfence  }
0xb8: {  	s30 =	sld [smem:$0x0];
	_ =	sdelay $0x2  }
0xb9: {  	s31 =	sshll.u32 s1, $0xD;
	s1 =	sshrl.u32 s1, $0x2  }
0xba: {  	s3 =	sand.u32 $0x4000, s31;
	s1 =	sadd.s32 s1, s30  }
0xbb: {  	s0 =	sor.u32 s3, s0;
	s1 =	sshll.u32 s1, $0x11  }
0xbc: {  	s0 =	sor.u32 s1, s0  }
0xbd: {  	s0 =	sadd.s32 $0x8F2B, s0  }
0xbe: {  	[sflag:s0] =	ssyncadd.remote.s32 $0x1  }
0xbf: {  	_ =	sfence.sel $0xFFFF  }
0xc0: {  	[dreg:$0x0] =	wrdreg $0xFFFFFFFF;
	(pc) =	sbr.abs _section_cstart, $3  }
0xc1: {  	[dreg:$0x1] =	wrdreg $0xFFFFFFFF  }
0xc2: {  	_ =	task.clear_ibuf [dreg:s7], $0x2FFFF;
	_ =	strace $0x9FFFFFFF  }
0xc3: {  	(tm) =	ssettm $0x7FFFFFFF  }
tec
execute0_lowered:
.L_overlay_start_1:
0x0: {  	(tag) =	ssettag $0x1  }
0x1: {  	s1 =	rddreg [dreg:$0x0]  }
0x2: {  	s14 =	rddreg [dreg:$0x1]  }
0x3: {  	s0 =	srdreg.scid;
	s3 =	rddreg [dreg:$0x2];
	s17 =	simm.s32 $0x3  }
0x4: {  	s18 =	simm.s32 $0x2;
	s19 =	simm.s32 $0x50;
	s20 =	simm.s32 $0x2780  }
0x5: {  	s21 =	simm.s32 $0x1;
	s22 =	simm.s32 $0x2880;
	s23 =	simm.s32 $0x2800  }
0x6: {  	s24 =	simm.s32 $0x5180;
	s25 =	simm.s32 $0x2900;
	s26 =	simm.s32 $0x4  }
0x7: {  	s28 =	simm.s32 $0x5;
	s2 =	sand.u32 $0x1, s0;
	s0 =	stileid.u32  }
0x8: {  	s29 =	simm.s32 $0x0;
	s4 =	sshll.u32 s2, $0x4;
	s6 =	smul.u32 $0x50000, s0  }
0x9: {  	s7 =	ssub.s32 $0x2, s2;
	p0 =	seq.s32 s2, $0x1;
	s2 =	simm.s32 $0x35A00  }
0xa: {  	s16 =	smul.u32 $0x2800, s0;
	s5 =	sor.u32 s0, s4;
	s4 =	simm.s32 $0x0  }
0xb: {  	s8 =	sshrl.u32 s7, $0x1;
	s2 =	simm.s32 @!p0 $0xDA00;
	s5 =	smul.u32 $0x4E2, s5  }
0xc: {  	[smem:$0x7FF] =	sst s4;
	s6 =	sshrl.u32 s6, $0x2;
	s15 =	ssub.s32 s7, s8  }
0xd: {  	s2 =	sadd.s32 s2, s14;
	_ =	strace $0x8000004A;
	s6 =	sadd.s32 s6, s3  }
0xe: {  	s5 =	sadd.s32 s5, s14;
	s7 =	sadd.s32 $0x2800, s6;
	s8 =	sadd.s32 $0x5000, s6  }
0xf: {  	s9 =	sadd.s32 $0x7800, s6;
	s10 =	sadd.s32 $0xA000, s6;
	s11 =	sadd.s32 $0xC800, s6  }
0x10: {  	s12 =	sadd.s32 $0xF000, s6;
	s13 =	sadd.s32 $0x11800, s6;
	s14 =	smax.u32 s15, $0x1  }
0x11: {  	v0 =	vimm.f32 $0.0e+00;
	s15 =	sadd.s32 s2, s16;
	s16 =	simm.s32 $0x2980;
	s5 =	sadd.s32 $0x3C00, s5  }
.LBB2_1:
0x12: {  	[tilespmem:s4], [sflag:$0x2] =	stream.linear.gather [hbm4b:s5+s4], $0x2710, $0x38;
	[tilespmem:$0x1B980] =	vst v63  }
0x13: {  	s2 =	simm.s32 $0x0;
	s30 =	simm.s32 $0x200  }
.LBB2_2:
0x14: {  	p0 =	sne.s32 s30, $0x9E00;
	[tilespmem:s2+$0x29F0] =	vst v0  }
0x15: {  	[tilespmem:s2+$0x2980] =	vst v0  }
0x16: {  	[tilespmem:s2+$0x2990] =	vst v0  }
.Ltmp0:
0x17: {  	[tilespmem:s2+$0x29A0] =	vst v0;
	(pc) =	sbr.rel @p0 .LBB2_2-.Ltmp0, $4  }
0x18: {  	[tilespmem:s2+$0x29B0] =	vst v0  }
0x19: {  	[tilespmem:s2+$0x29C0] =	vst v0  }
0x1a: {  	[tilespmem:s2+$0x29D0] =	vst v0  }
0x1b: {  	[tilespmem:s2+$0x29E0] =	vst v0;
	s2 =	sshra.s32 s30, $0x2;
	s30 =	sadd.s32 $0x200, s30  }
0x1c: {  	[tilespmem:s2+$0x29F0] =	vst v0  }
0x1d: {  	[tilespmem:s2+$0x2980] =	vst v0  }
0x1e: {  	[tilespmem:s2+$0x2990] =	vst v0  }
0x1f: {  	[tilespmem:s2+$0x29A0] =	vst v0  }
0x20: {  	[tilespmem:s2+$0x29B0] =	vst v0  }
0x21: {  	[tilespmem:s2+$0x29C0] =	vst v0  }
0x22: {  	[tilespmem:s2+$0x29D0] =	vst v0  }
0x23: {  	[tilespmem:s2+$0x29E0] =	vst v0  }
0x24: {  	[spmem:s6] =	stream.linear.scatter [tilespmem:s16], [sflag:$0x3], $0x2800, $0x38;
	[tilespmem:$0x1B980] =	vst v63  }
0x25: {  	_ = 	snop  }
0x26: {  	[spmem:s7] =	stream.linear.scatter [tilespmem:s16], [sflag:$0x3], $0x2800, $0x38;
	[tilespmem:$0x1B980] =	vst v63  }
0x27: {  	_ = 	snop  }
0x28: {  	[spmem:s8] =	stream.linear.scatter [tilespmem:s16], [sflag:$0x3], $0x2800, $0x38;
	[tilespmem:$0x1B980] =	vst v63  }
0x29: {  	_ = 	snop  }
0x2a: {  	[spmem:s9] =	stream.linear.scatter [tilespmem:s16], [sflag:$0x3], $0x2800, $0x38;
	[tilespmem:$0x1B980] =	vst v63  }
0x2b: {  	_ = 	snop  }
0x2c: {  	[spmem:s10] =	stream.linear.scatter [tilespmem:s16], [sflag:$0x3], $0x2800, $0x38;
	[tilespmem:$0x1B980] =	vst v63  }
0x2d: {  	_ = 	snop  }
0x2e: {  	[spmem:s11] =	stream.linear.scatter [tilespmem:s16], [sflag:$0x3], $0x2800, $0x38;
	[tilespmem:$0x1B980] =	vst v63  }
0x2f: {  	_ = 	snop  }
0x30: {  	[spmem:s12] =	stream.linear.scatter [tilespmem:s16], [sflag:$0x3], $0x2800, $0x38;
	[tilespmem:$0x1B980] =	vst v63  }
0x31: {  	_ = 	snop  }
0x32: {  	[spmem:s13] =	stream.linear.scatter [tilespmem:s16], [sflag:$0x3], $0x2800, $0x38;
	[tilespmem:$0x1B980] =	vst v63  }
0x33: {  	_ =	swait.ge [sflag:s17], $0x2800  }
0x34: {  	[sflag:s17] =	ssyncset.done $0x0  }
0x35: {  	[sflag:s17] =	ssyncadd.s32 $0xFFFFD800  }
0x36: {  	_ =	swait.ge [sflag:s17], $0x2800  }
0x37: {  	[sflag:s17] =	ssyncset.done $0x0  }
0x38: {  	[sflag:s17] =	ssyncadd.s32 $0xFFFFD800  }
0x39: {  	_ =	swait.ge [sflag:s17], $0x2800  }
0x3a: {  	[sflag:s17] =	ssyncset.done $0x0  }
0x3b: {  	[sflag:s17] =	ssyncadd.s32 $0xFFFFD800  }
0x3c: {  	_ =	swait.ge [sflag:s17], $0x2800  }
0x3d: {  	[sflag:s17] =	ssyncset.done $0x0  }
0x3e: {  	[sflag:s17] =	ssyncadd.s32 $0xFFFFD800  }
0x3f: {  	_ =	swait.ge [sflag:s17], $0x2800  }
0x40: {  	[sflag:s17] =	ssyncset.done $0x0  }
0x41: {  	[sflag:s17] =	ssyncadd.s32 $0xFFFFD800  }
0x42: {  	_ =	swait.ge [sflag:s17], $0x2800  }
0x43: {  	[sflag:s17] =	ssyncset.done $0x0  }
0x44: {  	[sflag:s17] =	ssyncadd.s32 $0xFFFFD800  }
0x45: {  	_ =	swait.ge [sflag:s17], $0x2800  }
0x46: {  	[sflag:s17] =	ssyncset.done $0x0  }
0x47: {  	[sflag:s17] =	ssyncadd.s32 $0xFFFFD800  }
0x48: {  	_ =	swait.ge [sflag:s17], $0x2800  }
0x49: {  	[sflag:s17] =	ssyncset.done $0x0  }
0x4a: {  	[sflag:s17] =	ssyncadd.s32 $0xFFFFD800  }
0x4b: {  	_ =	swait.ge [sflag:s18], $0x2710  }
0x4c: {  	[sflag:s18] =	ssyncset.done $0x0  }
0x4d: {  	[sflag:s18] =	ssyncadd.s32 $0xFFFFD8F0  }
0x4e: {  	[bflag:$0x0] =	sbarrier.arrive $0xFFFF  }
0x4f: {  	v1 =	vld [tilespmem:$0x0];
	_ =	sdelay $0x1  }
0x50: {  	v2 =	vld [tilespmem:$0x10];
	_ =	sdelay $0x1  }
0x51: {  	v3 =	vld [tilespmem:$0x20]  }
0x52: {  	v4 =	vand.u32 $0xFFFF, v1  }
0x53: {  	v61 =	vld [tilespmem:$0x30];
	v1 =	vshra.s32 v1, $0x10;
	[tilespmem:$0x2780] =	vst v4  }
0x54: {  	[tilespmem:$0x2880] =	vst v1;
	v1 =	vand.u32 $0xFFFF, v2  }
0x55: {  	[tilespmem:$0x2790] =	vst v1;
	v1 =	vshra.s32 v2, $0x10;
	v2 =	vld [tilespmem:$0x40]  }
0x56: {  	[tilespmem:$0x2890] =	vst v1;
	v1 =	vand.u32 $0xFFFF, v3  }
0x57: {  	[tilespmem:$0x27A0] =	vst v1;
	v1 =	vshra.s32 v3, $0x10  }
0x58: {  	[tilespmem:$0x28A0] =	vst v1;
	v1 =	vand.u32 $0xFFFF, v61  }
0x59: {  	[tilespmem:$0x27B0] =	vst v1;
	v1 =	vshra.s32 v61, $0x10  }
0x5a: {  	[tilespmem:$0x28B0] =	vst v1;
	v1 =	vand.u32 $0xFFFF, v2  }
0x5b: {  	[tilespmem:$0x27C0] =	vst v1;
	v1 =	vshra.s32 v2, $0x10  }
0x5c: {  	[tilespmem:$0x28C0] =	vst v1  }
0x5d: {  	[tilespmem:s16], [sflag:$0x1] =	stream.indirect.gather [hbm4b:s1+s19], $0x80, s20, s19, $0xb8;
	[tilespmem:$0x1B980] =	vst v63  }
0x5e: {  	_ =	swait.ge [sflag:s21], $0x2800  }
0x5f: {  	[sflag:s21] =	ssyncset.done $0x0  }
0x60: {  	[sflag:s21] =	ssyncadd.s32 $0xFFFFD800  }
0x61: {  	[spmem:s3] =	stream.indirect.scatter.add.f32 [tilespmem:s16], [sflag:$0x3], $0x80, s22, s19, $0xb8;
	[tilespmem:$0x1B980] =	vst v63  }
0x62: {  	v1 =	vld [tilespmem:$0x50];
	_ =	sdelay $0x1  }
0x63: {  	v2 =	vld [tilespmem:$0x60];
	_ =	sdelay $0x1  }
0x64: {  	v3 =	vld [tilespmem:$0x70]  }
0x65: {  	v62 =	vand.u32 $0xFFFF, v1  }
0x66: {  	v63 =	vld [tilespmem:$0x80];
	v1 =	vshra.s32 v1, $0x10;
	[tilespmem:$0x2800] =	vst v62  }
0x67: {  	[tilespmem:$0x2900] =	vst v1;
	v1 =	vand.u32 $0xFFFF, v2  }
0x68: {  	[tilespmem:$0x2810] =	vst v1;
	v1 =	vshra.s32 v2, $0x10;
	v2 =	vld [tilespmem:$0x90]  }
0x69: {  	[tilespmem:$0x2910] =	vst v1;
	v1 =	vand.u32 $0xFFFF, v3  }
0x6a: {  	[tilespmem:$0x2820] =	vst v1;
	v1 =	vshra.s32 v3, $0x10  }
0x6b: {  	[tilespmem:$0x2920] =	vst v1;
	v1 =	vand.u32 $0xFFFF, v63  }
0x6c: {  	[tilespmem:$0x2830] =	vst v1;
	v1 =	vshra.s32 v63, $0x10  }
0x6d: {  	[tilespmem:$0x2930] =	vst v1;
	v1 =	vand.u32 $0xFFFF, v2  }
0x6e: {  	[tilespmem:$0x2840] =	vst v1;
	v1 =	vshra.s32 v2, $0x10  }
0x6f: {  	[tilespmem:$0x2940] =	vst v1  }
0x70: {  	[tilespmem:s24], [sflag:$0x2] =	stream.indirect.gather [hbm4b:s1+s19], $0x80, s23, s19, $0xb8;
	[tilespmem:$0x1B980] =	vst v63  }
0x71: {  	_ =	swait.ge [sflag:s17], $0x2800  }
0x72: {  	[sflag:s17] =	ssyncset.done $0x0  }
0x73: {  	s30 =	simm.s32 $0x130;
	[sflag:s17] =	ssyncadd.s32 $0xFFFFD800  }
0x74: {  	v1 =	vld [tilespmem:s30+$0xFFFFFF70];
	_ =	sdelay $0x4  }
0x75: {  	v2 =	vand.u32 $0xFFFF, v1  }
0x76: {  	v1 =	vshra.s32 v1, $0x10;
	[tilespmem:$0x2780] =	vst v2  }
0x77: {  	[tilespmem:$0x2880] =	vst v1  }
0x78: {  	v1 =	vld [tilespmem:s30+$0xFFFFFF80];
	_ =	sdelay $0x4  }
0x79: {  	v2 =	vand.u32 $0xFFFF, v1  }
0x7a: {  	v1 =	vshra.s32 v1, $0x10;
	[tilespmem:$0x2790] =	vst v2  }
0x7b: {  	[tilespmem:$0x2890] =	vst v1  }
0x7c: {  	v1 =	vld [tilespmem:s30+$0xFFFFFF90];
	_ =	sdelay $0x4  }
0x7d: {  	v2 =	vand.u32 $0xFFFF, v1  }
0x7e: {  	v1 =	vshra.s32 v1, $0x10;
	[tilespmem:$0x27A0] =	vst v2  }
0x7f: {  	[tilespmem:$0x28A0] =	vst v1  }
0x80: {  	v1 =	vld [tilespmem:s30+$0xFFFFFFA0];
	_ =	sdelay $0x4  }
0x81: {  	v2 =	vand.u32 $0xFFFF, v1  }
0x82: {  	v1 =	vshra.s32 v1, $0x10;
	[tilespmem:$0x27B0] =	vst v2  }
0x83: {  	[tilespmem:$0x28B0] =	vst v1  }
0x84: {  	v1 =	vld [tilespmem:s30+$0xFFFFFFB0];
	_ =	sdelay $0x4  }
0x85: {  	v2 =	vand.u32 $0xFFFF, v1  }
0x86: {  	v1 =	vshra.s32 v1, $0x10;
	[tilespmem:$0x27C0] =	vst v2  }
0x87: {  	[tilespmem:$0x28C0] =	vst v1  }
0x88: {  	[tilespmem:s16], [sflag:$0x1] =	stream.indirect.gather [hbm4b:s1+s19], $0x80, s20, s19, $0xb8;
	[tilespmem:$0x1B980] =	vst v63  }
0x89: {  	_ =	swait.ge [sflag:s18], $0x2800  }
0x8a: {  	[sflag:s18] =	ssyncset.done $0x0  }
0x8b: {  	[sflag:s18] =	ssyncadd.s32 $0xFFFFD800  }
0x8c: {  	[spmem:s3] =	stream.indirect.scatter.add.f32 [tilespmem:s24], [sflag:$0x4], $0x80, s25, s19, $0xb8;
	[tilespmem:$0x1B980] =	vst v63  }
0x8d: {  	_ =	swait.ge [sflag:s26], $0x2800  }
0x8e: {  	[sflag:s26] =	ssyncset.done $0x0  }
0x8f: {  	[sflag:s26] =	ssyncadd.s32 $0xFFFFD800  }
0x90: {  	v1 =	vld [tilespmem:s30+$0xFFFFFFC0];
	_ =	sdelay $0x4  }
0x91: {  	v2 =	vand.u32 $0xFFFF, v1  }
0x92: {  	s2 =	simm.s32 $0x0;
	v1 =	vshra.s32 v1, $0x10;
	[tilespmem:$0x2800] =	vst v2  }
0x93: {  	s2 =	sand.u32 $0x3FE0, s2;
	[tilespmem:$0x2900] =	vst v1  }
0x94: {  	v1 =	vld [tilespmem:s2+$0x100];
	_ =	sdelay $0x4  }
0x95: {  	v2 =	vand.u32 $0xFFFF, v1  }
0x96: {  	v1 =	vshra.s32 v1, $0x10;
	[tilespmem:$0x2810] =	vst v2  }
0x97: {  	[tilespmem:$0x2910] =	vst v1  }
0x98: {  	v1 =	vld [tilespmem:s30+$0xFFFFFFE0];
	_ =	sdelay $0x4  }
0x99: {  	v2 =	vand.u32 $0xFFFF, v1  }
0x9a: {  	v1 =	vshra.s32 v1, $0x10;
	[tilespmem:$0x2820] =	vst v2  }
0x9b: {  	[tilespmem:$0x2920] =	vst v1  }
0x9c: {  	v1 =	vld [tilespmem:s30+$0xFFFFFFF0];
	_ =	sdelay $0x4  }
0x9d: {  	v2 =	vand.u32 $0xFFFF, v1  }
0x9e: {  	v1 =	vshra.s32 v1, $0x10;
	[tilespmem:$0x2830] =	vst v2  }
0x9f: {  	[tilespmem:$0x2930] =	vst v1  }
0xa0: {  	s31 =	simm.s32 $0xA0;
	v1 =	vld [tilespmem:s30+$0x0]  }
.LBB2_4:
0xa1: {  	p0 =	sne.s32 s31, $0x2580  }
0xa2: {  	s30 =	sadd.s32 $0xA0, s30;
	s2 =	smov.u32 s31;
	s31 =	sadd.s32 $0xA0, s31  }
0xa3: {  	_ =	sdelay $0x1  }
0xa4: {  	v2 =	vand.u32 $0xFFFF, v1;
	v1 =	vshra.s32 v1, $0x10  }
0xa5: {  	[tilespmem:$0x2840] =	vst v2  }
0xa6: {  	[tilespmem:$0x2940] =	vst v1  }
0xa7: {  	[tilespmem:s24], [sflag:$0x2] =	stream.indirect.gather [hbm4b:s1+s19], $0x80, s23, s19, $0xb8;
	[tilespmem:$0x1B980] =	vst v63  }
0xa8: {  	_ =	swait.ge [sflag:s21], $0x2800  }
0xa9: {  	[sflag:s21] =	ssyncset.done $0x0  }
0xaa: {  	[sflag:s21] =	ssyncadd.s32 $0xFFFFD800  }
0xab: {  	[spmem:s3] =	stream.indirect.scatter.add.f32 [tilespmem:s16], [sflag:$0x3], $0x80, s22, s19, $0xb8;
	[tilespmem:$0x1B980] =	vst v63  }
0xac: {  	_ =	swait.ge [sflag:s17], $0x2800  }
0xad: {  	[sflag:s17] =	ssyncset.done $0x0  }
0xae: {  	[sflag:s17] =	ssyncadd.s32 $0xFFFFD800  }
0xaf: {  	v1 =	vld [tilespmem:s30+$0xFFFFFF70];
	_ =	sdelay $0x4  }
0xb0: {  	v2 =	vand.u32 $0xFFFF, v1;
	v1 =	vshra.s32 v1, $0x10  }
0xb1: {  	[tilespmem:$0x2780] =	vst v2  }
0xb2: {  	[tilespmem:$0x2880] =	vst v1  }
0xb3: {  	v1 =	vld [tilespmem:s30+$0xFFFFFF80];
	_ =	sdelay $0x4  }
0xb4: {  	v2 =	vand.u32 $0xFFFF, v1;
	v1 =	vshra.s32 v1, $0x10  }
0xb5: {  	[tilespmem:$0x2790] =	vst v2  }
0xb6: {  	[tilespmem:$0x2890] =	vst v1  }
0xb7: {  	v1 =	vld [tilespmem:s30+$0xFFFFFF90];
	_ =	sdelay $0x4  }
0xb8: {  	v2 =	vand.u32 $0xFFFF, v1;
	v1 =	vshra.s32 v1, $0x10  }
0xb9: {  	[tilespmem:$0x27A0] =	vst v2  }
0xba: {  	[tilespmem:$0x28A0] =	vst v1  }
0xbb: {  	v1 =	vld [tilespmem:s30+$0xFFFFFFA0];
	_ =	sdelay $0x4  }
0xbc: {  	v2 =	vand.u32 $0xFFFF, v1;
	v1 =	vshra.s32 v1, $0x10  }
0xbd: {  	[tilespmem:$0x27B0] =	vst v2  }
0xbe: {  	[tilespmem:$0x28B0] =	vst v1  }
0xbf: {  	v1 =	vld [tilespmem:s30+$0xFFFFFFB0];
	_ =	sdelay $0x4  }
0xc0: {  	v2 =	vand.u32 $0xFFFF, v1;
	v1 =	vshra.s32 v1, $0x10  }
0xc1: {  	[tilespmem:$0x27C0] =	vst v2  }
0xc2: {  	[tilespmem:$0x28C0] =	vst v1  }
0xc3: {  	[tilespmem:s16], [sflag:$0x1] =	stream.indirect.gather [hbm4b:s1+s19], $0x80, s20, s19, $0xb8;
	[tilespmem:$0x1B980] =	vst v63  }
0xc4: {  	_ =	swait.ge [sflag:s18], $0x2800  }
0xc5: {  	[sflag:s18] =	ssyncset.done $0x0  }
0xc6: {  	[sflag:s18] =	ssyncadd.s32 $0xFFFFD800  }
0xc7: {  	[spmem:s3] =	stream.indirect.scatter.add.f32 [tilespmem:s24], [sflag:$0x4], $0x80, s25, s19, $0xb8;
	[tilespmem:$0x1B980] =	vst v63  }
0xc8: {  	_ =	swait.ge [sflag:s26], $0x2800  }
0xc9: {  	[sflag:s26] =	ssyncset.done $0x0  }
0xca: {  	[sflag:s26] =	ssyncadd.s32 $0xFFFFD800  }
0xcb: {  	v1 =	vld [tilespmem:s30+$0xFFFFFFC0]  }
0xcc: {  	s2 =	sand.u32 $0x3FE0, s2;
	_ =	sdelay $0x3  }
0xcd: {  	v2 =	vand.u32 $0xFFFF, v1;
	v1 =	vshra.s32 v1, $0x10  }
0xce: {  	[tilespmem:$0x2800] =	vst v2  }
0xcf: {  	[tilespmem:$0x2900] =	vst v1  }
0xd0: {  	v1 =	vld [tilespmem:s2+$0x100];
	_ =	sdelay $0x4  }
0xd1: {  	v2 =	vand.u32 $0xFFFF, v1;
	v1 =	vshra.s32 v1, $0x10  }
0xd2: {  	[tilespmem:$0x2810] =	vst v2  }
0xd3: {  	[tilespmem:$0x2910] =	vst v1  }
0xd4: {  	v1 =	vld [tilespmem:s30+$0xFFFFFFE0];
	_ =	sdelay $0x4  }
0xd5: {  	v2 =	vand.u32 $0xFFFF, v1;
	v1 =	vshra.s32 v1, $0x10  }
0xd6: {  	[tilespmem:$0x2820] =	vst v2  }
0xd7: {  	[tilespmem:$0x2920] =	vst v1  }
0xd8: {  	v1 =	vld [tilespmem:s30+$0xFFFFFFF0];
	_ =	sdelay $0x3  }
.Ltmp1:
0xd9: {  	(pc) =	sbr.rel @p0 .LBB2_4-.Ltmp1, $4  }
0xda: {  	v2 =	vand.u32 $0xFFFF, v1;
	v1 =	vshra.s32 v1, $0x10  }
0xdb: {  	[tilespmem:$0x2830] =	vst v2  }
0xdc: {  	[tilespmem:$0x2930] =	vst v1  }
0xdd: {  	v1 =	vld [tilespmem:s30+$0x0]  }
0xde: {  	_ =	sdelay $0x3  }
0xdf: {  	v2 =	vand.u32 $0xFFFF, v1  }
0xe0: {  	v1 =	vshra.s32 v1, $0x10;
	[tilespmem:$0x2840] =	vst v2  }
0xe1: {  	[tilespmem:$0x2940] =	vst v1  }
0xe2: {  	[tilespmem:s24], [sflag:$0x2] =	stream.indirect.gather [hbm4b:s1+s19], $0x80, s23, s19, $0xb8;
	[tilespmem:$0x1B980] =	vst v63  }
0xe3: {  	_ =	swait.ge [sflag:s21], $0x2800  }
0xe4: {  	[sflag:s21] =	ssyncset.done $0x0  }
0xe5: {  	[sflag:s21] =	ssyncadd.s32 $0xFFFFD800  }
0xe6: {  	[spmem:s3] =	stream.indirect.scatter.add.f32 [tilespmem:s16], [sflag:$0x3], $0x80, s22, s19, $0xb8;
	[tilespmem:$0x1B980] =	vst v63  }
0xe7: {  	_ =	swait.ge [sflag:s17], $0x2800  }
0xe8: {  	[sflag:s17] =	ssyncset.done $0x0  }
0xe9: {  	[sflag:s17] =	ssyncadd.s32 $0xFFFFD800  }
0xea: {  	v1 =	vld [tilespmem:$0x26C0];
	_ =	sdelay $0x1  }
0xeb: {  	v2 =	vld [tilespmem:$0x26D0];
	_ =	sdelay $0x1  }
0xec: {  	v3 =	vld [tilespmem:$0x26E0]  }
0xed: {  	v4 =	vand.u32 $0xFFFF, v1  }
0xee: {  	v63 =	vld [tilespmem:$0x26F0];
	v1 =	vshra.s32 v1, $0x10;
	[tilespmem:$0x2780] =	vst v4  }
0xef: {  	[tilespmem:$0x2880] =	vst v1;
	v1 =	vand.u32 $0xFFFF, v2  }
0xf0: {  	[tilespmem:$0x2790] =	vst v1;
	v1 =	vshra.s32 v2, $0x10;
	v2 =	vld [tilespmem:$0x2700]  }
0xf1: {  	[tilespmem:$0x2890] =	vst v1;
	v1 =	vand.u32 $0xFFFF, v3  }
0xf2: {  	[tilespmem:$0x27A0] =	vst v1;
	v1 =	vshra.s32 v3, $0x10  }
0xf3: {  	[tilespmem:$0x28A0] =	vst v1;
	v1 =	vand.u32 $0xFFFF, v63  }
0xf4: {  	[tilespmem:$0x27B0] =	vst v1;
	v1 =	vshra.s32 v63, $0x10  }
0xf5: {  	[tilespmem:$0x28B0] =	vst v1;
	v1 =	vand.u32 $0xFFFF, v2  }
0xf6: {  	[tilespmem:$0x27C0] =	vst v1;
	v1 =	vshra.s32 v2, $0x10  }
0xf7: {  	[tilespmem:$0x28C0] =	vst v1  }
0xf8: {  	[tilespmem:s16], [sflag:$0x1] =	stream.indirect.gather [hbm4b:s1+s19], $0x80, s20, s19, $0xb8;
	[tilespmem:$0x1B980] =	vst v63  }
0xf9: {  	_ =	swait.ge [sflag:s18], $0x2800  }
0xfa: {  	[sflag:s18] =	ssyncset.done $0x0  }
0xfb: {  	[sflag:s18] =	ssyncadd.s32 $0xFFFFD800  }
0xfc: {  	[spmem:s3] =	stream.indirect.scatter.add.f32 [tilespmem:s24], [sflag:$0x4], $0x80, s25, s19, $0xb8;
	[tilespmem:$0x1B980] =	vst v63  }
0xfd: {  	_ =	swait.ge [sflag:s26], $0x2800  }
0xfe: {  	[sflag:s26] =	ssyncset.done $0x0  }
0xff: {  	[sflag:s26] =	ssyncadd.s32 $0xFFFFD800  }
0x100: {  	_ =	swait.ge [sflag:s21], $0x2800  }
0x101: {  	[sflag:s21] =	ssyncset.done $0x0  }
0x102: {  	[sflag:s21] =	ssyncadd.s32 $0xFFFFD800  }
0x103: {  	[spmem:s3] =	stream.indirect.scatter.add.f32 [tilespmem:s16], [sflag:$0x3], $0x80, s22, s19, $0xb8;
	[tilespmem:$0x1B980] =	vst v63  }
0x104: {  	_ =	swait.ge [sflag:s17], $0x2800  }
0x105: {  	s2 =	sshll.u32 s0, $0x6;
	s29 =	sadd.s32 $0x1, s29;
	[sflag:s17] =	ssyncset.done $0x0  }
0x106: {  	s30 =	sshrl.u32 s6, $0x3;
	p0 =	sne.s32 s29, s14;
	[sflag:s17] =	ssyncadd.s32 $0xFFFFD800  }
.Ltmp2:
0x107: {  	s2 =	sor.u32 $0x1C05, s2;
	[bflag:$0x0] =	sbarrier.arrive $0xFFFF;
	(pc) =	sbr.rel @p0 .LBB2_1-.Ltmp2, $4  }
0x108: {  	[hbm:s15], [sflag:s2] =	dma.local [spmem:s30], $0x2800  }
0x109: {  	_ =	swait.ge [sflag:s28], $0x2800  }
0x10a: {  	[sflag:s28] =	ssyncset.done $0x0  }
0x10b: {  	[sflag:s28] =	ssyncadd.s32 $0xFFFFD800  }
0x10c: {  	_ =	sfence.sel $0x180000  }
0x10d: {  	[bflag:$0x0] =	sbarrier.arrive $0xFFFF  }
0x10e: {  	_ =	strace $0x9000004A  }
0x10f: {  	[bflag:$0x2] =	sbarrier.arrive $0xFFFF  }
0x110: {  	p0 =	sne.s32 s0, $0x0;
	s0 =	rddreg [dreg:$0x3]  }
0x111: {  	s0 =	sadd.s32 @!p0 $0x100000, s0  }
0x112: {  	[sflag:s0] =	ssyncadd.tile.s32 @!p0 $0x1;
	_ =	shalt  }
.Lfunc_end2:
_tile_overlayer_lowered:
.L_overlay_start_2:
0x113: {  	(tag) =	ssettag $0x2  }
0x114: {  	s0 =	rddreg [dreg:$0x0];
	s2 =	stileid.u32  }
0x115: {  	s1 =	rddreg [dreg:$0x1];
	p0 =	sne.s32 s2, $0x0  }
0x116: {  	s3 =	rddreg [dreg:$0x2];
	[bflag:$0x3] =	sbarrier.arrive $0xFFFF;
	s2 =	simm.s32 @!p0 $0x1C05  }
0x117: {  	[timem:s3], [sflag:s2] =	dma.local @!p0 [hbm:s0], s1  }
0x118: {  	s0 =	simm.s32 @!p0 $0x5  }
0x119: {  	_ =	swait.ge @!p0 [sflag:s0], s1  }
0x11a: {  	s1 =	ssub.s32 @!p0 $0x0, s1;
	[sflag:s0] =	ssyncset.done @!p0 $0x0  }
0x11b: {  	[sflag:s0] =	ssyncadd.s32 @!p0 s1  }
0x11c: {  	[bflag:$0x3] =	sbarrier.arrive $0xFFFF  }
0x11d: {  	_ =	shalt  }

// kernel: kernel.9.cloned.1.call-start
scs
__scs_entry_jumppad:
0x0: {  	(pc) =	sbr.rel $0x88, $3  }
0x1: {  	(tag) =	ssettag $0x0;
	lr =	simm.s32 $0x1  }
0x2: {  	[smem:$0x3F99] =	sst lr;
	_ =	strace $0xD0000000  }
0x3: {  	_ = 	snop  }
0x4: {  	_ = 	snop  }
0x5: {  	_ = 	snop  }
0x6: {  	_ = 	snop  }
0x7: {  	_ = 	snop  }
__scs_overlays_trampoline_lowered:
0x8: {  	[smem:$0x3FA8] =	sst s0  }
0x9: {  	[smem:$0x3FA9] =	sst s1  }
0xa: {  	[smem:$0x3FAA] =	sst s2  }
0xb: {  	[smem:$0x3FAB] =	sst s3  }
0xc: {  	[smem:$0x3FAC] =	sst s4  }
0xd: {  	[smem:$0x3FAD] =	sst s5  }
0xe: {  	[smem:$0x3FAE] =	sst s6  }
0xf: {  	[smem:$0x3FAF] =	sst s7  }
0x10: {  	[smem:$0x3FB0] =	sst s8  }
0x11: {  	[smem:$0x3FB1] =	sst s9;
	s0 =	simm.s32 @!p0 $0x0  }
0x12: {  	s1 =	sld [smem:$0x3F97];
	s0 =	simm.s32 @p0 $0x1  }
0x13: {  	[smem:$0x3FB2] =	sst s0;
	s0 =	simm.s32 @!p1 $0x0  }
0x14: {  	s2 =	sld [smem:$0x3F96];
	s0 =	simm.s32 @p1 $0x1  }
0x15: {  	[smem:$0x3FB3] =	sst s0;
	s0 =	simm.s32 @!p2 $0x0  }
0x16: {  	s3 =	sld [smem:$0x3FDB];
	s0 =	simm.s32 @p2 $0x1  }
0x17: {  	s4 =	simm.s32 $0x1BF5;
	[smem:$0x3FB5] =	sst s0  }
0x18: {  	s0 =	sld [smem:$0x3F98];
	_ =	swait.ge [sflag:s4], $0x0  }
0x19: {  	s7 =	sld [smem:$0x3F99]  }
0x1a: {  	s8 =	sadd.s32 $0xFFFFE003, lr  }
0x1b: {  	s9 =	sadd.s32 $0xFFFFFEF7, lr;
	s5 =	simm.s32 $0xFFFFFFFF;
	p2 =	slt.u32 s8, $0xFFFFF086  }
0x1c: {  	p1 =	slt.u32 s9, $0xF7A;
	s5 =	simm.s32 @!p2 $0x0  }
0x1d: {  	s5 =	simm.s32 @p1 $0x1;
	p0 =	seq.s32 s7, s2  }
0x1e: {  	s7 =	smul.u32 @!p0 $0xF7A, s2;
	p2 =	seq.s32 @!p0 s5, $0x0  }
0x1f: {  	s9 =	smul.u32 $0xF7A, s1;
	s8 =	simm.s32 @!p0 $0x1BF5;
	p2 =	por !p2, p0  }
0x20: {  	[sflag:s8] =	ssyncset.s32 @!p0 $0xFFFFF086;
	s6 =	sadd.s32 @!p0 s3, s7;
	s7 =	simm.s32 @!p0 $0x108  }
0x21: {  	s3 =	sadd.s32 s3, s9;
	s6 =	sadd.s32 @!p0 $0x88, s6;
	s7 =	simm.s32 @p2 $0x1082  }
0x22: {  	[simem:s7], [sflag:s8] =	dma.local @!p0 [hbm:s6], $0xF7A  }
0x23: {  	s9 =	sor.u32 $0xD0000000, s2;
	s6 =	simm.s32 $0x108;
	_ =	swait.ge @!p0 [sflag:s8], $0x0  }
0x24: {  	s3 =	sadd.s32 $0x88, s3;
	s6 =	simm.s32 @!p1 $0x1082;
	[sflag:s4] =	ssyncset.s32 $0xFFFFF086  }
0x25: {  	[simem:s6], [sflag:s4] =	dma.local [hbm:s3], $0xF7A  }
0x26: {  	[smem:$0x3F99] =	sst s1;
	(tag) =	ssettag s2;
	_ =	strace s9  }
0x27: {  	s1 =	sld [smem:$0x3FA9]  }
0x28: {  	s2 =	sld [smem:$0x3FAA]  }
0x29: {  	s4 =	sld [smem:$0x3FAC]  }
0x2a: {  	p0 =	seq.s32 s5, $0x0;
	s5 =	sld [smem:$0x3FAD]  }
0x2b: {  	s6 =	sld [smem:$0x3FAE]  }
0x2c: {  	s7 =	sld [smem:$0x3FAF]  }
0x2d: {  	s3 =	simm.s32 $0x108;
	s8 =	sld [smem:$0x3FB0]  }
0x2e: {  	s3 =	simm.s32 @!p0 $0x1082;
	s9 =	sld [smem:$0x3FB1]  }
0x2f: {  	lr =	sadd.s32 s0, s3;
	s0 =	sld [smem:$0x3FA8]  }
0x30: {  	s3 =	sld [smem:$0x3FAB]  }
0x31: {  	[smem:$0x3FB4] =	sst s10  }
0x32: {  	s10 =	sld [smem:$0x3FB2];
	_ =	sdelay $0x3  }
0x33: {  	p0 =	seq.s32 s10, $0x1;
	s10 =	sld [smem:$0x3FB4];
	_ =	sdelay $0x3  }
0x34: {  	[smem:$0x3FB4] =	sst s10  }
0x35: {  	s10 =	sld [smem:$0x3FB3];
	_ =	sdelay $0x3  }
0x36: {  	p1 =	seq.s32 s10, $0x1;
	s10 =	sld [smem:$0x3FB4];
	_ =	sdelay $0x3  }
0x37: {  	[smem:$0x3FB4] =	sst s10  }
0x38: {  	s10 =	sld [smem:$0x3FB5]  }
0x39: {  	_ = 	snop;
	(pc) =	sbr.ind lr, $3  }
0x3a: {  	_ = 	snop  }
0x3b: {  	_ = 	snop  }
0x3c: {  	p2 =	seq.s32 s10, $0x1;
	s10 =	sld [smem:$0x3FB4]  }
0x3d: {  	_ =	shalt  }
0x3e: {  	_ =	shalt  }
0x3f: {  	_ =	shalt  }
0x40: {  	_ =	shalt  }
0x41: {  	_ =	shalt  }
0x42: {  	_ =	shalt  }
0x43: {  	_ =	shalt  }
0x44: {  	_ =	shalt  }
0x45: {  	_ =	shalt  }
0x46: {  	_ =	shalt  }
0x47: {  	_ =	shalt  }
0x48: {  	_ =	shalt  }
0x49: {  	_ =	shalt  }
0x4a: {  	_ =	shalt  }
0x4b: {  	_ =	shalt  }
0x4c: {  	_ =	shalt  }
0x4d: {  	_ =	shalt  }
0x4e: {  	_ =	shalt  }
0x4f: {  	_ =	shalt  }
0x50: {  	_ =	shalt  }
0x51: {  	_ =	shalt  }
0x52: {  	_ =	shalt  }
0x53: {  	_ =	shalt  }
0x54: {  	_ =	shalt  }
0x55: {  	_ =	shalt  }
0x56: {  	_ =	shalt  }
0x57: {  	_ =	shalt  }
0x58: {  	_ =	shalt  }
0x59: {  	_ =	shalt  }
0x5a: {  	_ =	shalt  }
0x5b: {  	_ =	shalt  }
0x5c: {  	_ =	shalt  }
0x5d: {  	_ =	shalt  }
0x5e: {  	_ =	shalt  }
0x5f: {  	_ =	shalt  }
0x60: {  	_ =	shalt  }
0x61: {  	_ =	shalt  }
0x62: {  	_ =	shalt  }
0x63: {  	_ =	shalt  }
0x64: {  	_ =	shalt  }
0x65: {  	_ =	shalt  }
0x66: {  	_ =	shalt  }
0x67: {  	_ =	shalt  }
0x68: {  	_ =	shalt  }
0x69: {  	_ =	shalt  }
0x6a: {  	_ =	shalt  }
0x6b: {  	_ =	shalt  }
0x6c: {  	_ =	shalt  }
0x6d: {  	_ =	shalt  }
0x6e: {  	_ =	shalt  }
0x6f: {  	_ =	shalt  }
0x70: {  	_ =	shalt  }
0x71: {  	_ =	shalt  }
0x72: {  	_ =	shalt  }
0x73: {  	_ =	shalt  }
0x74: {  	_ =	shalt  }
0x75: {  	_ =	shalt  }
0x76: {  	_ =	shalt  }
0x77: {  	_ =	shalt  }
0x78: {  	_ =	shalt  }
0x79: {  	_ =	shalt  }
0x7a: {  	_ =	shalt  }
0x7b: {  	_ =	shalt  }
0x7c: {  	_ =	shalt  }
0x7d: {  	_ =	shalt  }
0x7e: {  	_ =	shalt  }
0x7f: {  	_ =	shalt  }
0x80: {  	_ =	shalt  }
0x81: {  	_ =	shalt  }
0x82: {  	_ =	shalt  }
0x83: {  	_ =	shalt  }
0x84: {  	_ =	shalt  }
0x85: {  	_ =	shalt  }
0x86: {  	_ =	shalt  }
0x87: {  	_ =	shalt  }
.Lfunc_end0:
.L_simem_size_0:
called_computation_lowered:
.L_overlay_start_0:
0x88: {  	s2 =	sld [smem:$0x3FD9]  }
0x89: {  	s3 =	sld [smem:$0x3FFE];
	_ =	sdelay $0x1  }
0x8a: {  	s1 =	srdreg.scid  }
0x8b: {  	s0 =	sand.u32 $0x1, s1  }
0x8c: {  	s17 =	sshll.u32 s0, $0xA;
	s2 =	sadd.s32 s3, s2  }
0x8d: {  	s2 =	sadd.s32 s2, s17  }
0x8e: {  	[smem:$0x3FC0] =	sst s2  }
0x8f: {  	_ = 	snop  }
0x90: {  	s2 =	sld [smem:$0x3FC9]  }
0x91: {  	s18 =	sld [smem:$0x3FD0];
	(tm) =	ssettm $0x1  }
0x92: {  	s4 =	sld [smem:$0x3FFB];
	_ =	sdelay $0x3  }
0x93: {  	_ =	strace s4  }
0x94: {  	s4 =	sld [smem:$0x3FFC];
	_ =	sdelay $0x3  }
0x95: {  	_ =	strace s4  }
0x96: {  	s4 =	sld [smem:$0x3FFD];
	_ =	sdelay $0x3  }
0x97: {  	_ =	strace s4  }
0x98: {  	_ =	strace $0x8FFFFFFF  }
0x99: {  	s19 =	sld [smem:$0x3FDB];
	_ =	sdelay $0x1  }
0x9a: {  	s5 =	simm.s32 $_scs_section_size  }
0x9b: {  	s6 =	simm.s32 $_size__tile_overlayer_lowered;
	s7 =	simm.s32 $_tile_overlayer_lowered  }
0x9c: {  	s22 =	simm.s32 $0x1BFF;
	s21 =	sshll.u32 s7, $0x1;
	s4 =	sadd.s32 s5, s19  }
0x9d: {  	s8 =	simm.s32 $0x0;
	s20 =	sshll.u32 s6, $0x1;
	s6 =	sadd.s32 s21, s4  }
0x9e: {  	[timem:s8], [sflag:s22] =	dma.local [hbm:s6], s20  }
0x9f: {  	_ =	swait.ge [sflag:s22], s20  }
0xa0: {  	s5 =	ssub.s32 $0x0, s20;
	[sflag:s22] =	ssyncset.done $0x0  }
0xa1: {  	[sflag:s22] =	ssyncadd.s32 s5;
	_ =	sdelay $0x1  }
0xa2: {  	s23 =	simm.s32 $0x1B8B  }
0xa3: {  	_ =	swait.ge [sflag:s23], $0x1  }
0xa4: {  	[sflag:s23] =	ssyncset.done $0x0  }
0xa5: {  	s25 =	simm.s32 $0x1B8E;
	s24 =	sld [smem:$0x3FFE];
	[sflag:s23] =	ssyncadd.s32 $0xFFFFFFFF  }
0xa6: {  	s26 =	simm.s32 $execute0_lowered;
	[smem:$0x3FD2] =	sst s25  }
0xa7: {  	s6 =	sshll.u32 s26, $0x1;
	_ =	strace $0x80000046;
	[dreg:$0x1] =	wrdreg $0xFFFFFFFF  }
0xa8: {  	s28 =	simm.s32 $_size_execute0_lowered;
	s4 =	sadd.s32 s4, s6;
	[dreg:$0x0] =	wrdreg $0x0  }
0xa9: {  	s6 =	sshll.u32 s28, $0x1;
	[dreg:$0x2] =	wrdreg s4  }
0xaa: {  	[dreg:$0x3] =	wrdreg s6  }
0xab: {  	[dreg:$0x4] =	wrdreg $0xC0  }
0xac: {  	_ =	task [dreg:s8], $0x5FFFF  }
0xad: {  	[dreg:$0x1] =	wrdreg $0xFFFFFFFF  }
0xae: {  	[dreg:$0x0] =	wrdreg $0x60  }
0xaf: {  	[dreg:$0x2] =	wrdreg s2  }
0xb0: {  	[dreg:$0x3] =	wrdreg s24  }
0xb1: {  	[dreg:$0x4] =	wrdreg s18  }
0xb2: {  	[dreg:$0x5] =	wrdreg $0x7B000  }
0xb3: {  	[dreg:$0x6] =	wrdreg $0x1BB000  }
0xb4: {  	[dreg:$0x7] =	wrdreg $0x9  }
0xb5: {  	_ =	task.clear_ibuf [dreg:s8], $0x8FFFF;
	_ =	strace $0x90000046  }
0xb6: {  	s29 =	simm.s32 $0x9;
	_ =	strace $0x80000048  }
0xb7: {  	_ =	swait.ge [sflag:s29], $0x1  }
0xb8: {  	[sflag:s29] =	ssyncadd.s32 $0xFFFFFFFF  }
0xb9: {  	_ =	strace $0x90000048  }
0xba: {  	_ =	sfence  }
0xbb: {  	s30 =	sld [smem:$0x0];
	_ =	sdelay $0x2  }
0xbc: {  	s31 =	sshll.u32 s1, $0xD;
	s1 =	sshrl.u32 s1, $0x2  }
0xbd: {  	s3 =	sand.u32 $0x4000, s31;
	s1 =	sadd.s32 s1, s30  }
0xbe: {  	s0 =	sor.u32 s3, s0;
	s1 =	sshll.u32 s1, $0x11  }
0xbf: {  	s0 =	sor.u32 s1, s0  }
0xc0: {  	s0 =	sadd.s32 $0x8F2B, s0  }
0xc1: {  	[sflag:s0] =	ssyncadd.remote.s32 $0x1  }
0xc2: {  	_ =	sfence.sel $0xFFFF  }
0xc3: {  	[dreg:$0x0] =	wrdreg $0xFFFFFFFF;
	(pc) =	sbr.abs _section_cstart, $3  }
0xc4: {  	[dreg:$0x1] =	wrdreg $0xFFFFFFFF  }
0xc5: {  	_ =	task.clear_ibuf [dreg:s8], $0x2FFFF;
	_ =	strace $0x9FFFFFFF  }
0xc6: {  	(tm) =	ssettm $0x7FFFFFFF  }
0xc7: {  	_ =	shalt  }
tec
execute0_lowered:
.L_overlay_start_1:
0x0: {  	(tag) =	ssettag $0x1  }
0x1: {  	s0 =	rddreg [dreg:$0x0]  }
0x2: {  	s1 =	rddreg [dreg:$0x1];
	s2 =	srdreg.scid  }
0x3: {  	s4 =	rddreg [dreg:$0x3];
	s10 =	stileid.u32  }
0x4: {  	s5 =	rddreg [dreg:$0x4];
	s6 =	simm.s32 $0x0;
	s28 =	simm.s32 $0x2  }
0x5: {  	s29 =	simm.s32 $0x50;
	s30 =	simm.s32 $0x2780;
	s31 =	simm.s32 $0x1  }
0x6: {  	s2 =	sand.u32 $0x1, s2;
	[smem:$0x7FF] =	sst s6;
	s19 =	smul.u32 $0x2800, s10  }
0x7: {  	s7 =	smul.u32 $0x50000, s10;
	s23 =	sshll.u32 s10, $0xA;
	s25 =	sshll.u32 s10, $0x7  }
0x8: {  	p1 =	sgt.u32 s10, $0x9;
	p2 =	slt.u32 s10, $0xA;
	s3 =	sshll.u32 s2, $0x4  }
0x9: {  	_ =	strace $0x80000047;
	s8 =	ssub.s32 $0x2, s2;
	s17 =	sadd.s32 s23, s5  }
0xa: {  	p0 =	seq.s32 s2, $0x1;
	[dreg:$0xb] =	wrdreg s25;
	s25 =	simm.s32 $0x2980  }
0xb: {  	s2 =	simm.s32 $0x7980;
	s23 =	simm.s32 $0x5;
	s3 =	sor.u32 s10, s3  }
0xc: {  	s6 =	sadd.s32 s19, s1;
	s20 =	sshrl.u32 s8, $0x1;
	s7 =	sshrl.u32 s7, $0x2  }
0xd: {  	s18 =	sadd.s32 $0x100, s17;
	s19 =	sadd.s32 $0x200, s17;
	s3 =	smul.u32 $0x4E2, s3  }
0xe: {  	s9 =	sadd.s32 s7, s4;
	s24 =	sadd.s32 $0xE000, s6;
	s26 =	sadd.s32 $0x36000, s6  }
0xf: {  	s6 =	simm.s32 $0x2800;
	s7 =	simm.s32 $0x5180;
	s21 =	sadd.s32 $0x2800, s9  }
0x10: {  	s22 =	sadd.s32 $0x5000, s9;
	s12 =	sadd.s32 $0x7800, s9;
	s13 =	sadd.s32 $0xA000, s9  }
0x11: {  	s14 =	sadd.s32 $0xC800, s9;
	s15 =	sadd.s32 $0xF000, s9;
	[dreg:$0xa] =	wrdreg s24  }
0x12: {  	s16 =	sadd.s32 $0x11800, s9;
	[dreg:$0xc] =	wrdreg s26;
	s26 =	simm.s32 $0x3  }
.Ltmp0:
0x13: {  	s3 =	sadd.s32 s3, s1;
	[dreg:$0x8] =	wrdreg s21;
	(pc) =	sbr.rel .LBB2_1-.Ltmp0, $4  }
0x14: {  	s1 =	sadd.s32 $0xDA00, s1;
	[dreg:$0x9] =	wrdreg s22;
	s21 =	simm.s32 $0x2900  }
0x15: {  	s22 =	simm.s32 $0x4;
	[dreg:$0x6] =	wrdreg s1;
	s3 =	sadd.s32 $0x3C00, s3  }
0x16: {  	s1 =	ssub.s32 s8, s20;
	s20 =	sadd.s32 $0x300, s17;
	[dreg:$0x7] =	wrdreg s3  }
0x17: {  	v0 =	vimm.f32 $0.0e+00;
	v1 =	vimm.f32 $1.000000000e+00;
	s24 =	smax.u32 s1, $0x1;
	s3 =	simm.s32 $0x2880;
	s1 =	simm.s32 $0x0  }
.LBB2_8:
0x18: {  	s11 =	rddreg [dreg:$0xb]  }
0x19: {  	s10 =	sadd.s32 s10, s11;
	s11 =	sshrl.u32 s17, $0x3  }
0x1a: {  	[hbm:s10], [sflag:s8] =	dma.local [spmem:s11], $0x80  }
0x1b: {  	_ =	swait.ge [sflag:s23], $0x80  }
0x1c: {  	[sflag:s23] =	ssyncset.done $0x0  }
0x1d: {  	[sflag:s23] =	ssyncadd.s32 $0xFFFFFF80  }
.LBB2_9:
0x1e: {  	s1 =	sadd.s32 $0x1, s1  }
0x1f: {  	p3 =	sne.s32 s1, s24  }
.Ltmp1:
0x20: {  	_ = 	snop;
	(pc) =	sbr.rel @!p3 .LBB2_10-.Ltmp1, $1  }
0x21: {  	_ =	sdelay $0x3  }
.LBB2_1:
0x22: {  	s8 =	simm.s32 $0x0;
	s10 =	rddreg [dreg:$0x7]  }
0x23: {  	[tilespmem:s8], [sflag:$0x2] =	stream.linear.gather [hbm4b:s10+s8], $0x2710, $0x38;
	[tilespmem:$0x1BD80] =	vst v63  }
0x24: {  	s8 =	simm.s32 $0x0;
	s10 =	simm.s32 $0x200  }
.LBB2_2:
0x25: {  	p3 =	sne.s32 s10, $0x9E00;
	[tilespmem:s8+$0x29F0] =	vst v0  }
0x26: {  	[tilespmem:s8+$0x2980] =	vst v0  }
0x27: {  	[tilespmem:s8+$0x2990] =	vst v0  }
.Ltmp2:
0x28: {  	[tilespmem:s8+$0x29A0] =	vst v0;
	(pc) =	sbr.rel @p3 .LBB2_2-.Ltmp2, $4  }
0x29: {  	[tilespmem:s8+$0x29B0] =	vst v0  }
0x2a: {  	[tilespmem:s8+$0x29C0] =	vst v0  }
0x2b: {  	[tilespmem:s8+$0x29D0] =	vst v0  }
0x2c: {  	[tilespmem:s8+$0x29E0] =	vst v0;
	s8 =	sshra.s32 s10, $0x2;
	s10 =	sadd.s32 $0x200, s10  }
0x2d: {  	[tilespmem:s8+$0x29F0] =	vst v0  }
0x2e: {  	[tilespmem:s8+$0x2980] =	vst v0  }
0x2f: {  	[tilespmem:s8+$0x2990] =	vst v0  }
0x30: {  	[tilespmem:s8+$0x29A0] =	vst v0  }
0x31: {  	[tilespmem:s8+$0x29B0] =	vst v0  }
0x32: {  	[tilespmem:s8+$0x29C0] =	vst v0  }
0x33: {  	[tilespmem:s8+$0x29D0] =	vst v0  }
0x34: {  	[tilespmem:s8+$0x29E0] =	vst v0  }
0x35: {  	[spmem:s9] =	stream.linear.scatter [tilespmem:s25], [sflag:$0x3], $0x2800, $0x38;
	[tilespmem:$0x1BD80] =	vst v63  }
0x36: {  	s10 =	rddreg [dreg:$0x8]  }
0x37: {  	[spmem:s10] =	stream.linear.scatter [tilespmem:s25], [sflag:$0x3], $0x2800, $0x38;
	[tilespmem:$0x1BD80] =	vst v63  }
0x38: {  	s11 =	rddreg [dreg:$0x9]  }
0x39: {  	[spmem:s11] =	stream.linear.scatter [tilespmem:s25], [sflag:$0x3], $0x2800, $0x38;
	[tilespmem:$0x1BD80] =	vst v63  }
0x3a: {  	_ = 	snop  }
0x3b: {  	[spmem:s12] =	stream.linear.scatter [tilespmem:s25], [sflag:$0x3], $0x2800, $0x38;
	[tilespmem:$0x1BD80] =	vst v63  }
0x3c: {  	_ = 	snop  }
0x3d: {  	[spmem:s13] =	stream.linear.scatter [tilespmem:s25], [sflag:$0x3], $0x2800, $0x38;
	[tilespmem:$0x1BD80] =	vst v63  }
0x3e: {  	_ = 	snop  }
0x3f: {  	[spmem:s14] =	stream.linear.scatter [tilespmem:s25], [sflag:$0x3], $0x2800, $0x38;
	[tilespmem:$0x1BD80] =	vst v63  }
0x40: {  	_ = 	snop  }
0x41: {  	[spmem:s15] =	stream.linear.scatter [tilespmem:s25], [sflag:$0x3], $0x2800, $0x38;
	[tilespmem:$0x1BD80] =	vst v63  }
0x42: {  	_ = 	snop  }
0x43: {  	[spmem:s16] =	stream.linear.scatter [tilespmem:s25], [sflag:$0x3], $0x2800, $0x38;
	[tilespmem:$0x1BD80] =	vst v63  }
0x44: {  	[tilespmem:$0x7A00] =	vst v0  }
0x45: {  	[tilespmem:$0x7A10] =	vst v0  }
0x46: {  	[tilespmem:$0x7A20] =	vst v0  }
0x47: {  	[tilespmem:$0x7A30] =	vst v0  }
0x48: {  	[tilespmem:$0x7A40] =	vst v0  }
0x49: {  	[tilespmem:$0x7A50] =	vst v0  }
0x4a: {  	[tilespmem:$0x7A60] =	vst v0  }
0x4b: {  	[tilespmem:$0x7A70] =	vst v0  }
0x4c: {  	[tilespmem:$0x7A80] =	vst v0  }
0x4d: {  	[tilespmem:$0x7A90] =	vst v0  }
0x4e: {  	[tilespmem:$0x7AA0] =	vst v0  }
0x4f: {  	[tilespmem:$0x7AB0] =	vst v0  }
0x50: {  	[tilespmem:$0x7AC0] =	vst v0  }
0x51: {  	[tilespmem:$0x7AD0] =	vst v0  }
0x52: {  	[tilespmem:$0x7AE0] =	vst v0  }
0x53: {  	[tilespmem:$0x7AF0] =	vst v0  }
0x54: {  	[tilespmem:$0x7980] =	vst v1  }
0x55: {  	[tilespmem:$0x7990] =	vst v1  }
0x56: {  	[tilespmem:$0x79A0] =	vst v1  }
0x57: {  	[tilespmem:$0x79B0] =	vst v1  }
0x58: {  	s8 =	simm.s32 @!p1 $0x7A00;
	[tilespmem:$0x79C0] =	vst v1  }
0x59: {  	[spmem:s17] =	stream.linear.scatter @!p1 [tilespmem:s8], [sflag:$0x4], $0x100, $0x38;
	[tilespmem:$0x1BD80] =	vst v63  }
0x5a: {  	_ = 	snop  }
0x5b: {  	[spmem:s18] =	stream.linear.scatter @!p1 [tilespmem:s8], [sflag:$0x4], $0x100, $0x38;
	[tilespmem:$0x1BD80] =	vst v63  }
0x5c: {  	_ = 	snop  }
0x5d: {  	[spmem:s19] =	stream.linear.scatter @!p1 [tilespmem:s8], [sflag:$0x4], $0x100, $0x38;
	[tilespmem:$0x1BD80] =	vst v63  }
0x5e: {  	_ = 	snop  }
0x5f: {  	[spmem:s20] =	stream.linear.scatter @!p1 [tilespmem:s8], [sflag:$0x4], $0x100, $0x38;
	[tilespmem:$0x1BD80] =	vst v63  }
0x60: {  	_ =	swait.ge [sflag:s26], $0x2800  }
0x61: {  	[sflag:s26] =	ssyncset.done $0x0  }
0x62: {  	[sflag:s26] =	ssyncadd.s32 $0xFFFFD800  }
0x63: {  	_ =	swait.ge [sflag:s26], $0x2800  }
0x64: {  	[sflag:s26] =	ssyncset.done $0x0  }
0x65: {  	[sflag:s26] =	ssyncadd.s32 $0xFFFFD800  }
0x66: {  	_ =	swait.ge [sflag:s26], $0x2800  }
0x67: {  	[sflag:s26] =	ssyncset.done $0x0  }
0x68: {  	[sflag:s26] =	ssyncadd.s32 $0xFFFFD800  }
0x69: {  	_ =	swait.ge [sflag:s26], $0x2800  }
0x6a: {  	[sflag:s26] =	ssyncset.done $0x0  }
0x6b: {  	[sflag:s26] =	ssyncadd.s32 $0xFFFFD800  }
0x6c: {  	_ =	swait.ge [sflag:s26], $0x2800  }
0x6d: {  	[sflag:s26] =	ssyncset.done $0x0  }
0x6e: {  	[sflag:s26] =	ssyncadd.s32 $0xFFFFD800  }
0x6f: {  	_ =	swait.ge [sflag:s26], $0x2800  }
0x70: {  	[sflag:s26] =	ssyncset.done $0x0  }
0x71: {  	[sflag:s26] =	ssyncadd.s32 $0xFFFFD800  }
0x72: {  	_ =	swait.ge [sflag:s26], $0x2800  }
0x73: {  	[sflag:s26] =	ssyncset.done $0x0  }
0x74: {  	[sflag:s26] =	ssyncadd.s32 $0xFFFFD800  }
0x75: {  	_ =	swait.ge [sflag:s26], $0x2800  }
0x76: {  	[sflag:s26] =	ssyncset.done $0x0  }
0x77: {  	s8 =	simm.s32 @!p1 $0x4;
	[sflag:s26] =	ssyncadd.s32 $0xFFFFD800  }
0x78: {  	_ =	swait.ge @!p1 [sflag:s8], $0x100  }
0x79: {  	[sflag:s8] =	ssyncset.done @!p1 $0x0  }
0x7a: {  	[sflag:s8] =	ssyncadd.s32 @!p1 $0xFFFFFF00  }
0x7b: {  	_ =	swait.ge @!p1 [sflag:s8], $0x100  }
0x7c: {  	[sflag:s8] =	ssyncset.done @!p1 $0x0  }
0x7d: {  	[sflag:s8] =	ssyncadd.s32 @!p1 $0xFFFFFF00  }
0x7e: {  	_ =	swait.ge @!p1 [sflag:s8], $0x100  }
0x7f: {  	[sflag:s8] =	ssyncset.done @!p1 $0x0  }
0x80: {  	[sflag:s8] =	ssyncadd.s32 @!p1 $0xFFFFFF00  }
0x81: {  	_ =	swait.ge @!p1 [sflag:s8], $0x100  }
0x82: {  	[sflag:s8] =	ssyncset.done @!p1 $0x0  }
0x83: {  	[sflag:s8] =	ssyncadd.s32 @!p1 $0xFFFFFF00  }
0x84: {  	_ =	swait.ge [sflag:s28], $0x2710  }
0x85: {  	[sflag:s28] =	ssyncset.done $0x0  }
0x86: {  	[sflag:s28] =	ssyncadd.s32 $0xFFFFD8F0  }
0x87: {  	[bflag:$0x0] =	sbarrier.arrive $0xFFFF  }
0x88: {  	v2 =	vld [tilespmem:$0x0];
	_ =	sdelay $0x1  }
0x89: {  	v3 =	vld [tilespmem:$0x10];
	_ =	sdelay $0x1  }
0x8a: {  	v4 =	vld [tilespmem:$0x20]  }
0x8b: {  	v5 =	vand.u32 $0xFFFF, v2  }
0x8c: {  	v60 =	vld [tilespmem:$0x30];
	v2 =	vshra.s32 v2, $0x10;
	[tilespmem:$0x2780] =	vst v5  }
0x8d: {  	[tilespmem:$0x2880] =	vst v2;
	v2 =	vand.u32 $0xFFFF, v3  }
0x8e: {  	[tilespmem:$0x2790] =	vst v2;
	v2 =	vshra.s32 v3, $0x10;
	v3 =	vld [tilespmem:$0x40]  }
0x8f: {  	[tilespmem:$0x2890] =	vst v2;
	v2 =	vand.u32 $0xFFFF, v4  }
0x90: {  	[tilespmem:$0x27A0] =	vst v2;
	v2 =	vshra.s32 v4, $0x10  }
0x91: {  	[tilespmem:$0x28A0] =	vst v2;
	v2 =	vand.u32 $0xFFFF, v60  }
0x92: {  	[tilespmem:$0x27B0] =	vst v2;
	v2 =	vshra.s32 v60, $0x10  }
0x93: {  	[tilespmem:$0x28B0] =	vst v2;
	v2 =	vand.u32 $0xFFFF, v3  }
0x94: {  	[tilespmem:$0x27C0] =	vst v2;
	v2 =	vshra.s32 v3, $0x10  }
0x95: {  	[tilespmem:$0x28C0] =	vst v2  }
0x96: {  	[tilespmem:s25], [sflag:$0x1] =	stream.indirect.gather [hbm4b:s0+s29], $0x80, s30, s29, $0xb8;
	[tilespmem:$0x1BD80] =	vst v63  }
0x97: {  	_ =	swait.ge [sflag:s31], $0x2800  }
0x98: {  	[sflag:s31] =	ssyncset.done $0x0  }
0x99: {  	[sflag:s31] =	ssyncadd.s32 $0xFFFFD800  }
0x9a: {  	[spmem:s4] =	stream.indirect.scatter.add.f32 [tilespmem:s25], [sflag:$0x3], $0x80, s3, s29, $0xb8;
	[tilespmem:$0x1BD80] =	vst v63  }
0x9b: {  	_ = 	snop  }
0x9c: {  	[spmem:s5] =	stream.indirect.scatter.add.f32 [tilespmem:s2], [sflag:$0x3], $0x1, s3, s29, $0xb8;
	[tilespmem:$0x1BD80] =	vst v63  }
0x9d: {  	v2 =	vld [tilespmem:$0x50];
	_ =	sdelay $0x1  }
0x9e: {  	v3 =	vld [tilespmem:$0x60];
	_ =	sdelay $0x1  }
0x9f: {  	v61 =	vld [tilespmem:$0x70]  }
0xa0: {  	v62 =	vand.u32 $0xFFFF, v2  }
0xa1: {  	v63 =	vld [tilespmem:$0x80];
	v2 =	vshra.s32 v2, $0x10;
	[tilespmem:$0x2800] =	vst v62  }
0xa2: {  	[tilespmem:$0x2900] =	vst v2;
	v2 =	vand.u32 $0xFFFF, v3  }
0xa3: {  	[tilespmem:$0x2810] =	vst v2;
	v2 =	vshra.s32 v3, $0x10;
	v3 =	vld [tilespmem:$0x90]  }
0xa4: {  	[tilespmem:$0x2910] =	vst v2;
	v2 =	vand.u32 $0xFFFF, v61  }
0xa5: {  	[tilespmem:$0x2820] =	vst v2;
	v2 =	vshra.s32 v61, $0x10  }
0xa6: {  	[tilespmem:$0x2920] =	vst v2;
	v2 =	vand.u32 $0xFFFF, v63  }
0xa7: {  	[tilespmem:$0x2830] =	vst v2;
	v2 =	vshra.s32 v63, $0x10  }
0xa8: {  	[tilespmem:$0x2930] =	vst v2;
	v2 =	vand.u32 $0xFFFF, v3  }
0xa9: {  	[tilespmem:$0x2840] =	vst v2;
	v2 =	vshra.s32 v3, $0x10  }
0xaa: {  	[tilespmem:$0x2940] =	vst v2  }
0xab: {  	[tilespmem:s7], [sflag:$0x2] =	stream.indirect.gather [hbm4b:s0+s29], $0x80, s6, s29, $0xb8;
	[tilespmem:$0x1BD80] =	vst v63  }
0xac: {  	_ =	swait.ge [sflag:s26], $0x2800  }
0xad: {  	[sflag:s26] =	ssyncset.done $0x0  }
0xae: {  	[sflag:s26] =	ssyncadd.s32 $0xFFFFD800  }
0xaf: {  	_ =	swait.ge [sflag:s26], $0x50  }
0xb0: {  	[sflag:s26] =	ssyncset.done $0x0  }
0xb1: {  	s8 =	simm.s32 $0x130;
	[sflag:s26] =	ssyncadd.s32 $0xFFFFFFB0  }
0xb2: {  	v2 =	vld [tilespmem:s8+$0xFFFFFF70];
	_ =	sdelay $0x4  }
0xb3: {  	v3 =	vand.u32 $0xFFFF, v2  }
0xb4: {  	v2 =	vshra.s32 v2, $0x10;
	[tilespmem:$0x2780] =	vst v3  }
0xb5: {  	[tilespmem:$0x2880] =	vst v2  }
0xb6: {  	v2 =	vld [tilespmem:s8+$0xFFFFFF80];
	_ =	sdelay $0x4  }
0xb7: {  	v3 =	vand.u32 $0xFFFF, v2  }
0xb8: {  	v2 =	vshra.s32 v2, $0x10;
	[tilespmem:$0x2790] =	vst v3  }
0xb9: {  	[tilespmem:$0x2890] =	vst v2  }
0xba: {  	v2 =	vld [tilespmem:s8+$0xFFFFFF90];
	_ =	sdelay $0x4  }
0xbb: {  	v3 =	vand.u32 $0xFFFF, v2  }
0xbc: {  	v2 =	vshra.s32 v2, $0x10;
	[tilespmem:$0x27A0] =	vst v3  }
0xbd: {  	[tilespmem:$0x28A0] =	vst v2  }
0xbe: {  	v2 =	vld [tilespmem:s8+$0xFFFFFFA0];
	_ =	sdelay $0x4  }
0xbf: {  	v3 =	vand.u32 $0xFFFF, v2  }
0xc0: {  	v2 =	vshra.s32 v2, $0x10;
	[tilespmem:$0x27B0] =	vst v3  }
0xc1: {  	[tilespmem:$0x28B0] =	vst v2  }
0xc2: {  	v2 =	vld [tilespmem:s8+$0xFFFFFFB0];
	_ =	sdelay $0x4  }
0xc3: {  	v3 =	vand.u32 $0xFFFF, v2  }
0xc4: {  	v2 =	vshra.s32 v2, $0x10;
	[tilespmem:$0x27C0] =	vst v3  }
0xc5: {  	[tilespmem:$0x28C0] =	vst v2  }
0xc6: {  	[tilespmem:s25], [sflag:$0x1] =	stream.indirect.gather [hbm4b:s0+s29], $0x80, s30, s29, $0xb8;
	[tilespmem:$0x1BD80] =	vst v63  }
0xc7: {  	_ =	swait.ge [sflag:s28], $0x2800  }
0xc8: {  	[sflag:s28] =	ssyncset.done $0x0  }
0xc9: {  	[sflag:s28] =	ssyncadd.s32 $0xFFFFD800  }
0xca: {  	[spmem:s4] =	stream.indirect.scatter.add.f32 [tilespmem:s7], [sflag:$0x4], $0x80, s21, s29, $0xb8;
	[tilespmem:$0x1BD80] =	vst v63  }
0xcb: {  	_ = 	snop  }
0xcc: {  	[spmem:s5] =	stream.indirect.scatter.add.f32 [tilespmem:s2], [sflag:$0x4], $0x1, s21, s29, $0xb8;
	[tilespmem:$0x1BD80] =	vst v63  }
0xcd: {  	_ =	swait.ge [sflag:s22], $0x2800  }
0xce: {  	[sflag:s22] =	ssyncset.done $0x0  }
0xcf: {  	[sflag:s22] =	ssyncadd.s32 $0xFFFFD800  }
0xd0: {  	_ =	swait.ge [sflag:s22], $0x50  }
0xd1: {  	[sflag:s22] =	ssyncset.done $0x0  }
0xd2: {  	[sflag:s22] =	ssyncadd.s32 $0xFFFFFFB0  }
0xd3: {  	v2 =	vld [tilespmem:s8+$0xFFFFFFC0];
	_ =	sdelay $0x4  }
0xd4: {  	v3 =	vand.u32 $0xFFFF, v2  }
0xd5: {  	s10 =	simm.s32 $0x0;
	v2 =	vshra.s32 v2, $0x10;
	[tilespmem:$0x2800] =	vst v3  }
0xd6: {  	s10 =	sand.u32 $0x3FE0, s10;
	[tilespmem:$0x2900] =	vst v2  }
0xd7: {  	v2 =	vld [tilespmem:s10+$0x100];
	_ =	sdelay $0x4  }
0xd8: {  	v3 =	vand.u32 $0xFFFF, v2  }
0xd9: {  	v2 =	vshra.s32 v2, $0x10;
	[tilespmem:$0x2810] =	vst v3  }
0xda: {  	[tilespmem:$0x2910] =	vst v2  }
0xdb: {  	v2 =	vld [tilespmem:s8+$0xFFFFFFE0];
	_ =	sdelay $0x4  }
0xdc: {  	v3 =	vand.u32 $0xFFFF, v2  }
0xdd: {  	v2 =	vshra.s32 v2, $0x10;
	[tilespmem:$0x2820] =	vst v3  }
0xde: {  	[tilespmem:$0x2920] =	vst v2  }
0xdf: {  	v2 =	vld [tilespmem:s8+$0xFFFFFFF0];
	_ =	sdelay $0x4  }
0xe0: {  	v3 =	vand.u32 $0xFFFF, v2  }
0xe1: {  	v2 =	vshra.s32 v2, $0x10;
	[tilespmem:$0x2830] =	vst v3  }
0xe2: {  	[tilespmem:$0x2930] =	vst v2  }
0xe3: {  	s10 =	simm.s32 $0xA0;
	v2 =	vld [tilespmem:s8+$0x0]  }
.LBB2_4:
0xe4: {  	_ =	sdelay $0x1  }
0xe5: {  	p3 =	sne.s32 s10, $0x2580  }
0xe6: {  	s8 =	sadd.s32 $0xA0, s8;
	s11 =	smov.u32 s10;
	s10 =	sadd.s32 $0xA0, s10  }
0xe7: {  	v3 =	vand.u32 $0xFFFF, v2;
	v2 =	vshra.s32 v2, $0x10  }
0xe8: {  	[tilespmem:$0x2840] =	vst v3  }
0xe9: {  	[tilespmem:$0x2940] =	vst v2  }
0xea: {  	[tilespmem:s7], [sflag:$0x2] =	stream.indirect.gather [hbm4b:s0+s29], $0x80, s6, s29, $0xb8;
	[tilespmem:$0x1BD80] =	vst v63  }
0xeb: {  	_ =	swait.ge [sflag:s31], $0x2800  }
0xec: {  	[sflag:s31] =	ssyncset.done $0x0  }
0xed: {  	[sflag:s31] =	ssyncadd.s32 $0xFFFFD800  }
0xee: {  	[spmem:s4] =	stream.indirect.scatter.add.f32 [tilespmem:s25], [sflag:$0x3], $0x80, s3, s29, $0xb8;
	[tilespmem:$0x1BD80] =	vst v63  }
0xef: {  	_ = 	snop  }
0xf0: {  	[spmem:s5] =	stream.indirect.scatter.add.f32 [tilespmem:s2], [sflag:$0x3], $0x1, s3, s29, $0xb8;
	[tilespmem:$0x1BD80] =	vst v63  }
0xf1: {  	_ =	swait.ge [sflag:s26], $0x2800  }
0xf2: {  	[sflag:s26] =	ssyncset.done $0x0  }
0xf3: {  	[sflag:s26] =	ssyncadd.s32 $0xFFFFD800  }
0xf4: {  	_ =	swait.ge [sflag:s26], $0x50  }
0xf5: {  	[sflag:s26] =	ssyncset.done $0x0  }
0xf6: {  	[sflag:s26] =	ssyncadd.s32 $0xFFFFFFB0  }
0xf7: {  	v2 =	vld [tilespmem:s8+$0xFFFFFF70];
	_ =	sdelay $0x4  }
0xf8: {  	v3 =	vand.u32 $0xFFFF, v2;
	v2 =	vshra.s32 v2, $0x10  }
0xf9: {  	[tilespmem:$0x2780] =	vst v3  }
0xfa: {  	[tilespmem:$0x2880] =	vst v2  }
0xfb: {  	v2 =	vld [tilespmem:s8+$0xFFFFFF80];
	_ =	sdelay $0x4  }
0xfc: {  	v3 =	vand.u32 $0xFFFF, v2;
	v2 =	vshra.s32 v2, $0x10  }
0xfd: {  	[tilespmem:$0x2790] =	vst v3  }
0xfe: {  	[tilespmem:$0x2890] =	vst v2  }
0xff: {  	v2 =	vld [tilespmem:s8+$0xFFFFFF90];
	_ =	sdelay $0x4  }
0x100: {  	v3 =	vand.u32 $0xFFFF, v2;
	v2 =	vshra.s32 v2, $0x10  }
0x101: {  	[tilespmem:$0x27A0] =	vst v3  }
0x102: {  	[tilespmem:$0x28A0] =	vst v2  }
0x103: {  	v2 =	vld [tilespmem:s8+$0xFFFFFFA0];
	_ =	sdelay $0x4  }
0x104: {  	v3 =	vand.u32 $0xFFFF, v2;
	v2 =	vshra.s32 v2, $0x10  }
0x105: {  	[tilespmem:$0x27B0] =	vst v3  }
0x106: {  	[tilespmem:$0x28B0] =	vst v2  }
0x107: {  	v2 =	vld [tilespmem:s8+$0xFFFFFFB0];
	_ =	sdelay $0x4  }
0x108: {  	v3 =	vand.u32 $0xFFFF, v2;
	v2 =	vshra.s32 v2, $0x10  }
0x109: {  	[tilespmem:$0x27C0] =	vst v3  }
0x10a: {  	[tilespmem:$0x28C0] =	vst v2  }
0x10b: {  	[tilespmem:s25], [sflag:$0x1] =	stream.indirect.gather [hbm4b:s0+s29], $0x80, s30, s29, $0xb8;
	[tilespmem:$0x1BD80] =	vst v63  }
0x10c: {  	_ =	swait.ge [sflag:s28], $0x2800  }
0x10d: {  	[sflag:s28] =	ssyncset.done $0x0  }
0x10e: {  	[sflag:s28] =	ssyncadd.s32 $0xFFFFD800  }
0x10f: {  	[spmem:s4] =	stream.indirect.scatter.add.f32 [tilespmem:s7], [sflag:$0x4], $0x80, s21, s29, $0xb8;
	[tilespmem:$0x1BD80] =	vst v63  }
0x110: {  	_ = 	snop  }
0x111: {  	[spmem:s5] =	stream.indirect.scatter.add.f32 [tilespmem:s2], [sflag:$0x4], $0x1, s21, s29, $0xb8;
	[tilespmem:$0x1BD80] =	vst v63  }
0x112: {  	_ =	swait.ge [sflag:s22], $0x2800  }
0x113: {  	[sflag:s22] =	ssyncset.done $0x0  }
0x114: {  	[sflag:s22] =	ssyncadd.s32 $0xFFFFD800  }
0x115: {  	_ =	swait.ge [sflag:s22], $0x50  }
0x116: {  	[sflag:s22] =	ssyncset.done $0x0  }
0x117: {  	[sflag:s22] =	ssyncadd.s32 $0xFFFFFFB0  }
0x118: {  	v2 =	vld [tilespmem:s8+$0xFFFFFFC0]  }
0x119: {  	s11 =	sand.u32 $0x3FE0, s11;
	_ =	sdelay $0x3  }
0x11a: {  	v3 =	vand.u32 $0xFFFF, v2;
	v2 =	vshra.s32 v2, $0x10  }
0x11b: {  	[tilespmem:$0x2800] =	vst v3  }
0x11c: {  	[tilespmem:$0x2900] =	vst v2  }
0x11d: {  	v2 =	vld [tilespmem:s11+$0x100];
	_ =	sdelay $0x4  }
0x11e: {  	v3 =	vand.u32 $0xFFFF, v2;
	v2 =	vshra.s32 v2, $0x10  }
0x11f: {  	[tilespmem:$0x2810] =	vst v3  }
0x120: {  	[tilespmem:$0x2910] =	vst v2  }
0x121: {  	v2 =	vld [tilespmem:s8+$0xFFFFFFE0];
	_ =	sdelay $0x4  }
0x122: {  	v3 =	vand.u32 $0xFFFF, v2;
	v2 =	vshra.s32 v2, $0x10  }
0x123: {  	[tilespmem:$0x2820] =	vst v3  }
0x124: {  	[tilespmem:$0x2920] =	vst v2  }
0x125: {  	v2 =	vld [tilespmem:s8+$0xFFFFFFF0];
	_ =	sdelay $0x3  }
.Ltmp3:
0x126: {  	(pc) =	sbr.rel @p3 .LBB2_4-.Ltmp3, $4  }
0x127: {  	v3 =	vand.u32 $0xFFFF, v2;
	v2 =	vshra.s32 v2, $0x10  }
0x128: {  	[tilespmem:$0x2830] =	vst v3  }
0x129: {  	[tilespmem:$0x2930] =	vst v2  }
0x12a: {  	v2 =	vld [tilespmem:s8+$0x0]  }
0x12b: {  	_ =	sdelay $0x3  }
0x12c: {  	v3 =	vand.u32 $0xFFFF, v2  }
0x12d: {  	v2 =	vshra.s32 v2, $0x10;
	[tilespmem:$0x2840] =	vst v3  }
0x12e: {  	[tilespmem:$0x2940] =	vst v2  }
0x12f: {  	[tilespmem:s7], [sflag:$0x2] =	stream.indirect.gather [hbm4b:s0+s29], $0x80, s6, s29, $0xb8;
	[tilespmem:$0x1BD80] =	vst v63  }
0x130: {  	_ =	swait.ge [sflag:s31], $0x2800  }
0x131: {  	[sflag:s31] =	ssyncset.done $0x0  }
0x132: {  	[sflag:s31] =	ssyncadd.s32 $0xFFFFD800  }
0x133: {  	[spmem:s4] =	stream.indirect.scatter.add.f32 [tilespmem:s25], [sflag:$0x3], $0x80, s3, s29, $0xb8;
	[tilespmem:$0x1BD80] =	vst v63  }
0x134: {  	_ = 	snop  }
0x135: {  	[spmem:s5] =	stream.indirect.scatter.add.f32 [tilespmem:s2], [sflag:$0x3], $0x1, s3, s29, $0xb8;
	[tilespmem:$0x1BD80] =	vst v63  }
0x136: {  	_ =	swait.ge [sflag:s26], $0x2800  }
0x137: {  	[sflag:s26] =	ssyncset.done $0x0  }
0x138: {  	[sflag:s26] =	ssyncadd.s32 $0xFFFFD800  }
0x139: {  	_ =	swait.ge [sflag:s26], $0x50  }
0x13a: {  	[sflag:s26] =	ssyncset.done $0x0  }
0x13b: {  	[sflag:s26] =	ssyncadd.s32 $0xFFFFFFB0  }
0x13c: {  	v2 =	vld [tilespmem:$0x26C0];
	_ =	sdelay $0x1  }
0x13d: {  	v3 =	vld [tilespmem:$0x26D0];
	_ =	sdelay $0x1  }
0x13e: {  	v4 =	vld [tilespmem:$0x26E0]  }
0x13f: {  	v5 =	vand.u32 $0xFFFF, v2  }
0x140: {  	v63 =	vld [tilespmem:$0x26F0];
	v2 =	vshra.s32 v2, $0x10;
	[tilespmem:$0x2780] =	vst v5  }
0x141: {  	[tilespmem:$0x2880] =	vst v2;
	v2 =	vand.u32 $0xFFFF, v3  }
0x142: {  	[tilespmem:$0x2790] =	vst v2;
	v2 =	vshra.s32 v3, $0x10;
	v3 =	vld [tilespmem:$0x2700]  }
0x143: {  	[tilespmem:$0x2890] =	vst v2;
	v2 =	vand.u32 $0xFFFF, v4  }
0x144: {  	[tilespmem:$0x27A0] =	vst v2;
	v2 =	vshra.s32 v4, $0x10  }
0x145: {  	[tilespmem:$0x28A0] =	vst v2;
	v2 =	vand.u32 $0xFFFF, v63  }
0x146: {  	[tilespmem:$0x27B0] =	vst v2;
	v2 =	vshra.s32 v63, $0x10  }
0x147: {  	[tilespmem:$0x28B0] =	vst v2;
	v2 =	vand.u32 $0xFFFF, v3  }
0x148: {  	[tilespmem:$0x27C0] =	vst v2;
	v2 =	vshra.s32 v3, $0x10  }
0x149: {  	[tilespmem:$0x28C0] =	vst v2  }
0x14a: {  	[tilespmem:s25], [sflag:$0x1] =	stream.indirect.gather [hbm4b:s0+s29], $0x80, s30, s29, $0xb8;
	[tilespmem:$0x1BD80] =	vst v63  }
0x14b: {  	_ =	swait.ge [sflag:s28], $0x2800  }
0x14c: {  	[sflag:s28] =	ssyncset.done $0x0  }
0x14d: {  	[sflag:s28] =	ssyncadd.s32 $0xFFFFD800  }
0x14e: {  	[spmem:s4] =	stream.indirect.scatter.add.f32 [tilespmem:s7], [sflag:$0x4], $0x80, s21, s29, $0xb8;
	[tilespmem:$0x1BD80] =	vst v63  }
0x14f: {  	_ = 	snop  }
0x150: {  	[spmem:s5] =	stream.indirect.scatter.add.f32 [tilespmem:s2], [sflag:$0x4], $0x1, s21, s29, $0xb8;
	[tilespmem:$0x1BD80] =	vst v63  }
0x151: {  	_ =	swait.ge [sflag:s22], $0x2800  }
0x152: {  	[sflag:s22] =	ssyncset.done $0x0  }
0x153: {  	[sflag:s22] =	ssyncadd.s32 $0xFFFFD800  }
0x154: {  	_ =	swait.ge [sflag:s22], $0x50  }
0x155: {  	[sflag:s22] =	ssyncset.done $0x0  }
0x156: {  	[sflag:s22] =	ssyncadd.s32 $0xFFFFFFB0  }
0x157: {  	_ =	swait.ge [sflag:s31], $0x2800  }
0x158: {  	[sflag:s31] =	ssyncset.done $0x0  }
0x159: {  	[sflag:s31] =	ssyncadd.s32 $0xFFFFD800  }
0x15a: {  	[spmem:s4] =	stream.indirect.scatter.add.f32 [tilespmem:s25], [sflag:$0x3], $0x80, s3, s29, $0xb8;
	[tilespmem:$0x1BD80] =	vst v63  }
0x15b: {  	_ = 	snop  }
0x15c: {  	[spmem:s5] =	stream.indirect.scatter.add.f32 [tilespmem:s2], [sflag:$0x3], $0x1, s3, s29, $0xb8;
	[tilespmem:$0x1BD80] =	vst v63  }
0x15d: {  	_ =	swait.ge [sflag:s26], $0x2800  }
0x15e: {  	[sflag:s26] =	ssyncset.done $0x0  }
0x15f: {  	[sflag:s26] =	ssyncadd.s32 $0xFFFFD800  }
.Ltmp4:
0x160: {  	_ =	swait.ge [sflag:s26], $0x50;
	(pc) =	sbr.rel @!p0 .LBB2_6-.Ltmp4, $4  }
0x161: {  	[sflag:s26] =	ssyncset.done $0x0  }
0x162: {  	s8 =	stileid.u32;
	[sflag:s26] =	ssyncadd.s32 $0xFFFFFFB0  }
0x163: {  	s11 =	sshll.u32 s8, $0x6;
	[bflag:$0x0] =	sbarrier.arrive $0xFFFF  }
0x164: {  	s10 =	sshrl.u32 s9, $0x3;
	s8 =	sor.u32 $0x1C05, s11  }
0x165: {  	s8 =	sor.u32 $0x1C05, s11;
	s11 =	rddreg [dreg:$0xc]  }
0x166: {  	[hbm:s11], [sflag:s8] =	dma.local [spmem:s10], $0x2800  }
.Ltmp5:
0x167: {  	_ = 	snop;
	(pc) =	sbr.rel @p1 .LBB2_9-.Ltmp5, $4  }
.Ltmp6:
0x168: {  	_ = 	snop;
	(pc) =	sbr.rel @!p1 .LBB2_8-.Ltmp6, $4  }
0x169: {  	_ =	swait.ge [sflag:s23], $0x2800  }
0x16a: {  	[sflag:s23] =	ssyncset.done $0x0  }
0x16b: {  	s10 =	rddreg [dreg:$0x6];
	[sflag:s23] =	ssyncadd.s32 $0xFFFFD800  }
0x16c: {  	_ = 	snop  }
.LBB2_6:
0x16d: {  	s11 =	rddreg [dreg:$0xa]  }
0x16e: {  	[hbm:s11], [sflag:s8] =	dma.local [spmem:s10], $0x2800  }
.Ltmp7:
0x16f: {  	_ = 	snop;
	(pc) =	sbr.rel @p2 .LBB2_8-.Ltmp7, $4  }
.Ltmp8:
0x170: {  	_ =	swait.ge [sflag:s23], $0x2800;
	(pc) =	sbr.rel @!p2 .LBB2_9-.Ltmp8, $4  }
0x171: {  	[sflag:s23] =	ssyncset.done $0x0  }
0x172: {  	[sflag:s23] =	ssyncadd.s32 $0xFFFFD800  }
0x173: {  	s10 =	rddreg [dreg:$0x2]  }
0x174: {  	_ = 	snop  }
.LBB2_10:
0x175: {  	_ =	sfence.sel $0x180000  }
0x176: {  	[bflag:$0x0] =	sbarrier.arrive $0xFFFF  }
0x177: {  	_ =	strace $0x90000047  }
0x178: {  	s0 =	stileid.u32;
	[bflag:$0x2] =	sbarrier.arrive $0xFFFF  }
0x179: {  	p0 =	sne.s32 s0, $0x0;
	s0 =	rddreg [dreg:$0x5]  }
0x17a: {  	s0 =	sadd.s32 @!p0 $0x100000, s0  }
0x17b: {  	[sflag:s0] =	ssyncadd.tile.s32 @!p0 $0x1;
	_ =	shalt  }
.Lfunc_end2:
_tile_overlayer_lowered:
.L_overlay_start_2:
0x17c: {  	(tag) =	ssettag $0x2  }
0x17d: {  	s0 =	rddreg [dreg:$0x0];
	s2 =	stileid.u32  }
0x17e: {  	s1 =	rddreg [dreg:$0x1];
	p0 =	sne.s32 s2, $0x0  }
0x17f: {  	s3 =	rddreg [dreg:$0x2];
	[bflag:$0x3] =	sbarrier.arrive $0xFFFF;
	s2 =	simm.s32 @!p0 $0x1C05  }
0x180: {  	[timem:s3], [sflag:s2] =	dma.local @!p0 [hbm:s0], s1  }
0x181: {  	s0 =	simm.s32 @!p0 $0x5  }
0x182: {  	_ =	swait.ge @!p0 [sflag:s0], s1  }
0x183: {  	s1 =	ssub.s32 @!p0 $0x0, s1;
	[sflag:s0] =	ssyncset.done @!p0 $0x0  }
0x184: {  	[sflag:s0] =	ssyncadd.s32 @!p0 s1  }
0x185: {  	[bflag:$0x3] =	sbarrier.arrive $0xFFFF  }
0x186: {  	_ =	shalt  }

</sc_bundles>
